<compile_context>
chip_gen: v7x
topology: tpu7x:2x2x1
jax: 0.10.2.dev20260603
libtpu: 0.0.44.dev20260713+nightly
codegen_flags: <defaults>
</compile_context>

<pallas_src>
import functools

import jax
import jax.numpy as jnp
from jax import lax
from jax.experimental import pallas as pl
from jax.experimental.pallas import tpu as pltpu
from jax.experimental.pallas import tpu_sc as plsc

D = H = W = 128
P = D * H * W
NB = 2
NP = NB * P
NWORK = 32
CHUNK = NP // NWORK
BLK = 128
NGRP = BLK // 16
NBLK = CHUNK // BLK


def _sc_body(x_hbm, g_hbm, out_hbm,
             spm, gbuf, idx_buf, t_buf, val_buf, out_buf,
             sem_in, sem_g, sem_out):
    cid = lax.axis_index("c")
    sid = lax.axis_index("s")
    wid = cid * 16 + sid
    base_pt = wid * CHUNK
    base_blk = wid * NBLK

    slab = 124 * 16384 // 16
    pltpu.sync_copy(x_hbm.at[pl.ds(cid * P + sid * slab, slab)],
                    spm.at[pl.ds(sid * slab, slab)])
    plsc.subcore_barrier()

    def block(i, carry):
        pt0 = base_pt + i * BLK
        pltpu.async_copy(g_hbm.at[base_blk + i], gbuf, sem_in).wait()

        for g in range(NGRP):
            sg = pl.ds(g * 16, 16)
            fx = gbuf[0, sg]
            fy = gbuf[1, sg]
            fz = gbuf[2, sg]
            sx = gbuf[3, sg]
            sy = gbuf[4, sg]
            sz = gbuf[5, sg]
            gx = (sx + fx + 1.0) * 0.5 * (W - 1.0)
            gy = (sy + fy + 1.0) * 0.5 * (H - 1.0)
            gz = (sz + fz + 1.0) * 0.5 * (D - 1.0)
            gx = jnp.clip(gx, 0.0, W - 1.0)
            gy = jnp.clip(gy, 0.0, H - 1.0)
            gz = jnp.clip(gz, 0.0, D - 1.0)
            ix0 = gx.astype(jnp.int32)
            iy0 = gy.astype(jnp.int32)
            iz0 = gz.astype(jnp.int32)
            tx = gx - ix0.astype(jnp.float32)
            ty = gy - iy0.astype(jnp.float32)
            tz = gz - iz0.astype(jnp.float32)
            ix1 = jnp.minimum(ix0 + 1, W - 1)
            iy1 = jnp.minimum(iy0 + 1, H - 1)
            iz1 = jnp.minimum(iz0 + 1, D - 1)

            a0 = ((iz0 << 7) + iy0) << 7
            a1 = ((iz0 << 7) + iy1) << 7
            b0 = ((iz1 << 7) + iy0) << 7
            b1 = ((iz1 << 7) + iy1) << 7
            corners = (a0 + ix0, a0 + ix1, a1 + ix0, a1 + ix1,
                       b0 + ix0, b0 + ix1, b1 + ix0, b1 + ix1)
            for k in range(8):
                idx_buf[pl.ds(k * BLK + g * 16, 16)] = jnp.minimum(
                    corners[k], 124 * 16384 - 1)
            t_buf[sg] = tx
            t_buf[pl.ds(BLK + g * 16, 16)] = ty
            t_buf[pl.ds(2 * BLK + g * 16, 16)] = tz

        pltpu.async_copy(spm.at[idx_buf], val_buf, sem_g).wait()

        for g in range(NGRP):
            sg = pl.ds(g * 16, 16)
            tx = t_buf[sg]
            ty = t_buf[pl.ds(BLK + g * 16, 16)]
            tz = t_buf[pl.ds(2 * BLK + g * 16, 16)]
            ux = 1.0 - tx
            uy = 1.0 - ty
            uz = 1.0 - tz
            w00 = uz * uy
            w01 = uz * ty
            w10 = tz * uy
            w11 = tz * ty
            v = [val_buf[pl.ds(k * BLK + g * 16, 16)] for k in range(8)]
            r = ((v[0] * ux + v[1] * tx) * w00
                 + (v[2] * ux + v[3] * tx) * w01
                 + (v[4] * ux + v[5] * tx) * w10
                 + (v[6] * ux + v[7] * tx) * w11)
            out_buf[sg] = r

        pltpu.async_copy(out_buf, out_hbm.at[pl.ds(pt0, BLK)], sem_out).wait()
        return carry

    lax.fori_loop(0, NBLK, block, 0)


@functools.lru_cache(maxsize=1)
def _build():
    return pl.kernel(
        _sc_body,
        out_type=jax.ShapeDtypeStruct((NP,), jnp.float32),
        mesh=plsc.VectorSubcoreMesh(
            core_axis_name="c", subcore_axis_name="s",
            num_cores=2, num_subcores=16),
        compiler_params=pltpu.CompilerParams(needs_layout_passes=False),
        scratch_types=[
            pltpu.VMEM_SHARED((124 * 16384,), jnp.float32),
            pltpu.VMEM((6, BLK), jnp.float32),
            pltpu.VMEM((8 * BLK,), jnp.int32),
            pltpu.VMEM((3 * BLK,), jnp.float32),
            pltpu.VMEM((8 * BLK,), jnp.float32),
            pltpu.VMEM((BLK,), jnp.float32),
            pltpu.SemaphoreType.DMA,
            pltpu.SemaphoreType.DMA,
            pltpu.SemaphoreType.DMA,
        ],
    )


def kernel(x, flow, sample_grid):
    nbt = NP // BLK
    fl = jnp.transpose(flow.reshape(nbt, BLK, 3), (0, 2, 1))
    sg = jnp.transpose(sample_grid.reshape(nbt, BLK, 3), (0, 2, 1))
    g = jnp.concatenate([fl, sg], axis=1)
    out = _build()(x.reshape(-1), g)
    return out.reshape(x.shape)

# --- scband reference (transcript-rebuilt; emitter-appended) ---
"""Pipeline reference for scband-spatial-transform-unit-77360950936236 (READ-ONLY COPY).

The authoritative reference and input builder live on the scoring server;
editing this copy changes nothing except your own understanding.
"""

import jax, jax.numpy as jnp
import numpy as np


def grid_sample_3d_border_align(x, grid):
    # x: [N, C, D, H, W]; grid: [N, Do, Ho, Wo, 3] with last dim = (x, y, z) in [-1, 1]
    N, C, D, H, W = x.shape
    gx = (grid[..., 0] + 1.0) * 0.5 * (W - 1)
    gy = (grid[..., 1] + 1.0) * 0.5 * (H - 1)
    gz = (grid[..., 2] + 1.0) * 0.5 * (D - 1)
    # border padding: clamp coordinates into the valid range
    gx = jnp.clip(gx, 0.0, W - 1)
    gy = jnp.clip(gy, 0.0, H - 1)
    gz = jnp.clip(gz, 0.0, D - 1)
    x0f = jnp.floor(gx); y0f = jnp.floor(gy); z0f = jnp.floor(gz)
    tx = gx - x0f; ty = gy - y0f; tz = gz - z0f
    x0 = jnp.clip(x0f.astype(jnp.int32), 0, W - 1)
    y0 = jnp.clip(y0f.astype(jnp.int32), 0, H - 1)
    z0 = jnp.clip(z0f.astype(jnp.int32), 0, D - 1)
    x1 = jnp.clip(x0 + 1, 0, W - 1)
    y1 = jnp.clip(y0 + 1, 0, H - 1)
    z1 = jnp.clip(z0 + 1, 0, D - 1)
    x_flat = x.reshape(N, C, D * H * W)
    out_sp = gx.shape[1:]
    M = int(np.prod(out_sp))

    def gather(zi, yi, xi):
        idx = (zi.astype(jnp.int32) * H + yi.astype(jnp.int32)) * W + xi.astype(jnp.int32)
        idx_flat = idx.reshape(N, 1, M)
        idx_b = jnp.broadcast_to(idx_flat, (N, C, M))
        vals = jnp.take_along_axis(x_flat, idx_b, axis=2)
        return vals.reshape((N, C) + out_sp)

    def w(t):
        return t[:, None]  # broadcast over channel dim

    wx0 = w(1.0 - tx); wx1 = w(tx)
    wy0 = w(1.0 - ty); wy1 = w(ty)
    wz0 = w(1.0 - tz); wz1 = w(tz)

    out = (gather(z0, y0, x0) * wz0 * wy0 * wx0
           + gather(z0, y0, x1) * wz0 * wy0 * wx1
           + gather(z0, y1, x0) * wz0 * wy1 * wx0
           + gather(z0, y1, x1) * wz0 * wy1 * wx1
           + gather(z1, y0, x0) * wz1 * wy0 * wx0
           + gather(z1, y0, x1) * wz1 * wy0 * wx1
           + gather(z1, y1, x0) * wz1 * wy1 * wx0
           + gather(z1, y1, x1) * wz1 * wy1 * wx1)
    return out


def setup_inputs(seed: int = 0) -> dict:
    key = jax.random.key(seed)
    k1, k2, k3 = jax.random.split(key, 3)
    x = jax.random.normal(k1, (2, 1, 128, 128, 128), dtype=jnp.float32)
    flow = jax.random.normal(k2, (2, 128, 128, 128, 3), dtype=jnp.float32)
    sample_grid = jax.random.uniform(k3, (2, 128, 128, 128, 3), dtype=jnp.float32)
    return {"x": x, "flow": flow, "sample_grid": sample_grid}


def reference(x, flow, sample_grid):
    grid = sample_grid + flow
    return grid_sample_3d_border_align(x, grid)

if __name__ == "__main__":
    import jax
    _d = setup_inputs()
    print(jax.jit(kernel)(*tuple(_d.values())))

</pallas_src>

<mosaic_0001>
#map = affine_map<(d0, d1) -> (0)>
#map1 = affine_map<(d0, d1) -> (0, 0, 0)>
module attributes {stable_mosaic.version = 14 : i64} {
  func.func @_sc_body(%arg0: i32, %arg1: i32, %arg2: memref<4194304xf32, #tpu.memory_space<hbm>>, %arg3: memref<32768x6x128xf32, #tpu.memory_space<hbm>>, %arg4: memref<4194304xf32, #tpu.memory_space<hbm>>, %arg5: memref<2031616xf32, #tpu.memory_space<vmem_shared>>, %arg6: memref<6x128xf32, #tpu.memory_space<vmem>>, %arg7: memref<1024xi32, #tpu.memory_space<vmem>>, %arg8: memref<384xf32, #tpu.memory_space<vmem>>, %arg9: memref<1024xf32, #tpu.memory_space<vmem>>, %arg10: memref<128xf32, #tpu.memory_space<vmem>>, %arg11: memref<!tpu.dma_semaphore, #tpu.memory_space<semaphore_mem>>, %arg12: memref<!tpu.dma_semaphore, #tpu.memory_space<semaphore_mem>>, %arg13: memref<!tpu.dma_semaphore, #tpu.memory_space<semaphore_mem>>) attributes {dimension_semantics = [#tpu.dimension_semantics<core_parallel>, #tpu.dimension_semantics<subcore_parallel>], iteration_bounds = array<i64: 2, 16>, scalar_prefetch = 0 : i64, scratch_operands = 9 : i64, tpu.core_type = #tpu.core_type<sc_vector_subcore>, window_params = [{transform_indices = #map}, {transform_indices = #map1}, {transform_indices = #map}]} {
    %mul3A = arith.constant 16 : i32
    %mul3A_0 = arith.muli %arg0, %mul3A : i32
    %add3A = arith.addi %mul3A_0, %arg1 : i32
    %mul3A_1 = arith.constant 131072 : i32
    %mul3A_2 = arith.muli %add3A, %mul3A_1 : i32
    %mul3A_3 = arith.constant 1024 : i32
    %mul3A_4 = arith.muli %add3A, %mul3A_3 : i32
    %mul3A_5 = arith.constant 2097152 : i32
    %mul3A_6 = arith.muli %arg0, %mul3A_5 : i32
    %mul3A_7 = arith.constant 126976 : i32
    %mul3A_8 = arith.muli %arg1, %mul3A_7 : i32
    %add3A_9 = arith.addi %mul3A_6, %mul3A_8 : i32
    %mul3A_10 = arith.constant 126976 : i32
    %mul3A_11 = arith.muli %arg1, %mul3A_10 : i32
    "tpu.region"() ({
      %run_scoped3A = tpu.sem_alloc : memref<!tpu.dma_semaphore, #tpu.memory_space<semaphore_mem>>
      %dma_start3A = tpu.memref_slice %arg5[%mul3A_11] : memref<2031616xf32, #tpu.memory_space<vmem_shared>> -> memref<126976xf32, #tpu.memory_space<vmem_shared>>
      %dma_start3A_17 = tpu.memref_slice %arg2[%add3A_9] : memref<4194304xf32, #tpu.memory_space<hbm>> -> memref<126976xf32, #tpu.memory_space<hbm>>
      tpu.enqueue_dma source(%dma_start3A_17 : memref<126976xf32, #tpu.memory_space<hbm>>) target(%dma_start3A : memref<126976xf32, #tpu.memory_space<vmem_shared>>) target_semaphore(%run_scoped3A : memref<!tpu.dma_semaphore, #tpu.memory_space<semaphore_mem>>)
      %dma_wait3A = tpu.memref_slice %arg5[%mul3A_11] : memref<2031616xf32, #tpu.memory_space<vmem_shared>> -> memref<126976xf32, #tpu.memory_space<vmem_shared>>
      %dma_wait3A_18 = tpu.memref_slice %arg2[%add3A_9] : memref<4194304xf32, #tpu.memory_space<hbm>> -> memref<126976xf32, #tpu.memory_space<hbm>>
      tpu.wait_dma2 semaphore(%run_scoped3A : memref<!tpu.dma_semaphore, #tpu.memory_space<semaphore_mem>>) src(%dma_wait3A_18 : memref<126976xf32, #tpu.memory_space<hbm>>) dst(%dma_wait3A : memref<126976xf32, #tpu.memory_space<vmem_shared>>)
      tpu.yield
    }) : () -> ()
    %barrier3A = arith.constant 0 : index
    tpu.barrier barrier_id(%barrier3A)
    %scan3A = arith.constant 0 : i32
    %scan3A_12 = arith.constant 0 : i32
    %scan3A_13 = arith.constant 1024 : i32
    %scan3A_14 = arith.addi %scan3A_12, %scan3A_13 : i32
    %scan3A_15 = arith.constant 1 : i32
    scf.for %scan3A_17 = %scan3A_12 to %scan3A_14 step %scan3A_15  : i32 {
      %mul3A_18 = arith.constant 128 : i32
      %mul3A_19 = arith.muli %scan3A_17, %mul3A_18 : i32
      %add3A_20 = arith.addi %mul3A_2, %mul3A_19 : i32
      %add3A_21 = arith.addi %mul3A_4, %scan3A_17 : i32
      %dma_start3A = arith.constant 0 : i32
      %dma_start3A_22 = arith.constant 0 : i32
      %dma_start3A_23 = tpu.memref_slice %arg3[%add3A_21, %dma_start3A, %dma_start3A_22] : memref<32768x6x128xf32, #tpu.memory_space<hbm>> -> memref<1x6x128xf32, #tpu.memory_space<hbm>>
      %dma_start3A_24 = tpu.memref_squeeze %dma_start3A_23 : memref<1x6x128xf32, #tpu.memory_space<hbm>> -> memref<6x128xf32, #tpu.memory_space<hbm>>
      %dma_start3A_25 = arith.constant 0 : i32
      %dma_start3A_26 = arith.constant 0 : i32
      %dma_start3A_27 = tpu.memref_slice %arg3[%add3A_21, %dma_start3A_25, %dma_start3A_26] : memref<32768x6x128xf32, #tpu.memory_space<hbm>> -> memref<1x6x128xf32, #tpu.memory_space<hbm>>
      %dma_start3A_28 = tpu.memref_squeeze %dma_start3A_27 : memref<1x6x128xf32, #tpu.memory_space<hbm>> -> memref<6x128xf32, #tpu.memory_space<hbm>>
      tpu.enqueue_dma source(%dma_start3A_28 : memref<6x128xf32, #tpu.memory_space<hbm>>) target(%arg6 : memref<6x128xf32, #tpu.memory_space<vmem>>) target_semaphore(%arg11 : memref<!tpu.dma_semaphore, #tpu.memory_space<semaphore_mem>>)
      %dma_wait3A = arith.constant 0 : i32
      %dma_wait3A_29 = arith.constant 0 : i32
      %dma_wait3A_30 = tpu.memref_slice %arg3[%add3A_21, %dma_wait3A, %dma_wait3A_29] : memref<32768x6x128xf32, #tpu.memory_space<hbm>> -> memref<1x6x128xf32, #tpu.memory_space<hbm>>
      %dma_wait3A_31 = tpu.memref_squeeze %dma_wait3A_30 : memref<1x6x128xf32, #tpu.memory_space<hbm>> -> memref<6x128xf32, #tpu.memory_space<hbm>>
      %dma_wait3A_32 = arith.constant 0 : i32
      %dma_wait3A_33 = arith.constant 0 : i32
      %dma_wait3A_34 = tpu.memref_slice %arg3[%add3A_21, %dma_wait3A_32, %dma_wait3A_33] : memref<32768x6x128xf32, #tpu.memory_space<hbm>> -> memref<1x6x128xf32, #tpu.memory_space<hbm>>
      %dma_wait3A_35 = tpu.memref_squeeze %dma_wait3A_34 : memref<1x6x128xf32, #tpu.memory_space<hbm>> -> memref<6x128xf32, #tpu.memory_space<hbm>>
      tpu.wait_dma2 semaphore(%arg11 : memref<!tpu.dma_semaphore, #tpu.memory_space<semaphore_mem>>) src(%dma_wait3A_35 : memref<6x128xf32, #tpu.memory_space<hbm>>) dst(%arg6 : memref<6x128xf32, #tpu.memory_space<vmem>>)
      %get3A = arith.constant 0 : i32
      %get3A_36 = arith.index_cast %get3A : i32 to index
      %get3A_37 = arith.constant 0 : index
      %get3A_38 = tpu.vector_load %arg6[%get3A_36, %get3A_37] {strides = array<i32>} : memref<6x128xf32, #tpu.memory_space<vmem>>, vector<16xf32>,
      %get3A_39 = arith.constant 1 : i32
      %get3A_40 = arith.index_cast %get3A_39 : i32 to index
      %get3A_41 = arith.constant 0 : index
      %get3A_42 = tpu.vector_load %arg6[%get3A_40, %get3A_41] {strides = array<i32>} : memref<6x128xf32, #tpu.memory_space<vmem>>, vector<16xf32>,
      %get3A_43 = arith.constant 2 : i32
      %get3A_44 = arith.index_cast %get3A_43 : i32 to index
      %get3A_45 = arith.constant 0 : index
      %get3A_46 = tpu.vector_load %arg6[%get3A_44, %get3A_45] {strides = array<i32>} : memref<6x128xf32, #tpu.memory_space<vmem>>, vector<16xf32>,
      %get3A_47 = arith.constant 3 : i32
      %get3A_48 = arith.index_cast %get3A_47 : i32 to index
      %get3A_49 = arith.constant 0 : index
      %get3A_50 = tpu.vector_load %arg6[%get3A_48, %get3A_49] {strides = array<i32>} : memref<6x128xf32, #tpu.memory_space<vmem>>, vector<16xf32>,
      %get3A_51 = arith.constant 4 : i32
      %get3A_52 = arith.index_cast %get3A_51 : i32 to index
      %get3A_53 = arith.constant 0 : index
      %get3A_54 = tpu.vector_load %arg6[%get3A_52, %get3A_53] {strides = array<i32>} : memref<6x128xf32, #tpu.memory_space<vmem>>, vector<16xf32>,
      %get3A_55 = arith.constant 5 : i32
      %get3A_56 = arith.index_cast %get3A_55 : i32 to index
      %get3A_57 = arith.constant 0 : index
      %get3A_58 = tpu.vector_load %arg6[%get3A_56, %get3A_57] {strides = array<i32>} : memref<6x128xf32, #tpu.memory_space<vmem>>, vector<16xf32>,
      %add3A_59 = arith.addf %get3A_50, %get3A_38 : vector<16xf32>
      %add3A_60 = arith.constant 1.000000e+00 : f32
      %add3A_61 = vector.broadcast %add3A_60 : f32 to vector<16xf32>
      %add3A_62 = arith.addf %add3A_59, %add3A_61 : vector<16xf32>
      %mul3A_63 = arith.constant 5.000000e-01 : f32
      %mul3A_64 = vector.broadcast %mul3A_63 : f32 to vector<16xf32>
      %mul3A_65 = arith.mulf %add3A_62, %mul3A_64 : vector<16xf32>
      %mul3A_66 = arith.constant 1.270000e+02 : f32
      %mul3A_67 = vector.broadcast %mul3A_66 : f32 to vector<16xf32>
      %mul3A_68 = arith.mulf %mul3A_65, %mul3A_67 : vector<16xf32>
      %add3A_69 = arith.addf %get3A_54, %get3A_42 : vector<16xf32>
      %add3A_70 = arith.constant 1.000000e+00 : f32
      %add3A_71 = vector.broadcast %add3A_70 : f32 to vector<16xf32>
      %add3A_72 = arith.addf %add3A_69, %add3A_71 : vector<16xf32>
      %mul3A_73 = arith.constant 5.000000e-01 : f32
      %mul3A_74 = vector.broadcast %mul3A_73 : f32 to vector<16xf32>
      %mul3A_75 = arith.mulf %add3A_72, %mul3A_74 : vector<16xf32>
      %mul3A_76 = arith.constant 1.270000e+02 : f32
      %mul3A_77 = vector.broadcast %mul3A_76 : f32 to vector<16xf32>
      %mul3A_78 = arith.mulf %mul3A_75, %mul3A_77 : vector<16xf32>
      %add3A_79 = arith.addf %get3A_58, %get3A_46 : vector<16xf32>
      %add3A_80 = arith.constant 1.000000e+00 : f32
      %add3A_81 = vector.broadcast %add3A_80 : f32 to vector<16xf32>
      %add3A_82 = arith.addf %add3A_79, %add3A_81 : vector<16xf32>
      %mul3A_83 = arith.constant 5.000000e-01 : f32
      %mul3A_84 = vector.broadcast %mul3A_83 : f32 to vector<16xf32>
      %mul3A_85 = arith.mulf %add3A_82, %mul3A_84 : vector<16xf32>
      %mul3A_86 = arith.constant 1.270000e+02 : f32
      %mul3A_87 = vector.broadcast %mul3A_86 : f32 to vector<16xf32>
      %mul3A_88 = arith.mulf %mul3A_85, %mul3A_87 : vector<16xf32>
      %jit3A = arith.constant 0.000000e+00 : f32
      %jit3A_89 = arith.constant 1.270000e+02 : f32
      %max3A = vector.broadcast %jit3A : f32 to vector<16xf32>
      %max3A_90 = arith.maximumf %max3A, %mul3A_68 : vector<16xf32>
      %min3A = vector.broadcast %jit3A_89 : f32 to vector<16xf32>
      %min3A_91 = arith.minimumf %min3A, %max3A_90 : vector<16xf32>
      %jit3A_92 = arith.constant 0.000000e+00 : f32
      %jit3A_93 = arith.constant 1.270000e+02 : f32
      %max3A_94 = vector.broadcast %jit3A_92 : f32 to vector<16xf32>
      %max3A_95 = arith.maximumf %max3A_94, %mul3A_78 : vector<16xf32>
      %min3A_96 = vector.broadcast %jit3A_93 : f32 to vector<16xf32>
      %min3A_97 = arith.minimumf %min3A_96, %max3A_95 : vector<16xf32>
      %jit3A_98 = arith.constant 0.000000e+00 : f32
      %jit3A_99 = arith.constant 1.270000e+02 : f32
      %max3A_100 = vector.broadcast %jit3A_98 : f32 to vector<16xf32>
      %max3A_101 = arith.maximumf %max3A_100, %mul3A_88 : vector<16xf32>
      %min3A_102 = vector.broadcast %jit3A_99 : f32 to vector<16xf32>
      %min3A_103 = arith.minimumf %min3A_102, %max3A_101 : vector<16xf32>
      %convert_element_type3A = arith.fptosi %min3A_91 : vector<16xf32> to vector<16xi32>
      %convert_element_type3A_104 = arith.fptosi %min3A_97 : vector<16xf32> to vector<16xi32>
      %convert_element_type3A_105 = arith.fptosi %min3A_103 : vector<16xf32> to vector<16xi32>
      %convert_element_type3A_106 = arith.sitofp %convert_element_type3A : vector<16xi32> to vector<16xf32>
      %sub3A = arith.subf %min3A_91, %convert_element_type3A_106 : vector<16xf32>
      %convert_element_type3A_107 = arith.sitofp %convert_element_type3A_104 : vector<16xi32> to vector<16xf32>
      %sub3A_108 = arith.subf %min3A_97, %convert_element_type3A_107 : vector<16xf32>
      %convert_element_type3A_109 = arith.sitofp %convert_element_type3A_105 : vector<16xi32> to vector<16xf32>
      %sub3A_110 = arith.subf %min3A_103, %convert_element_type3A_109 : vector<16xf32>
      %add3A_111 = arith.constant 1 : i32
      %add3A_112 = vector.broadcast %add3A_111 : i32 to vector<16xi32>
      %add3A_113 = arith.addi %convert_element_type3A, %add3A_112 : vector<16xi32>
      %min3A_114 = arith.constant 127 : i32
      %min3A_115 = vector.broadcast %min3A_114 : i32 to vector<16xi32>
      %min3A_116 = arith.minsi %add3A_113, %min3A_115 : vector<16xi32>
      %add3A_117 = arith.constant 1 : i32
      %add3A_118 = vector.broadcast %add3A_117 : i32 to vector<16xi32>
      %add3A_119 = arith.addi %convert_element_type3A_104, %add3A_118 : vector<16xi32>
      %min3A_120 = arith.constant 127 : i32
      %min3A_121 = vector.broadcast %min3A_120 : i32 to vector<16xi32>
      %min3A_122 = arith.minsi %add3A_119, %min3A_121 : vector<16xi32>
      %add3A_123 = arith.constant 1 : i32
      %add3A_124 = vector.broadcast %add3A_123 : i32 to vector<16xi32>
      %add3A_125 = arith.addi %convert_element_type3A_105, %add3A_124 : vector<16xi32>
      %min3A_126 = arith.constant 127 : i32
      %min3A_127 = vector.broadcast %min3A_126 : i32 to vector<16xi32>
      %min3A_128 = arith.minsi %add3A_125, %min3A_127 : vector<16xi32>
      %shift_left3A = arith.constant 7 : i32
      %shift_left3A_129 = vector.broadcast %shift_left3A : i32 to vector<16xi32>
      %shift_left3A_130 = arith.shli %convert_element_type3A_105, %shift_left3A_129 : vector<16xi32>
      %add3A_131 = arith.addi %shift_left3A_130, %convert_element_type3A_104 : vector<16xi32>
      %shift_left3A_132 = arith.constant 7 : i32
      %shift_left3A_133 = vector.broadcast %shift_left3A_132 : i32 to vector<16xi32>
      %shift_left3A_134 = arith.shli %add3A_131, %shift_left3A_133 : vector<16xi32>
      %shift_left3A_135 = arith.constant 7 : i32
      %shift_left3A_136 = vector.broadcast %shift_left3A_135 : i32 to vector<16xi32>
      %shift_left3A_137 = arith.shli %convert_element_type3A_105, %shift_left3A_136 : vector<16xi32>
      %add3A_138 = arith.addi %shift_left3A_137, %min3A_122 : vector<16xi32>
      %shift_left3A_139 = arith.constant 7 : i32
      %shift_left3A_140 = vector.broadcast %shift_left3A_139 : i32 to vector<16xi32>
      %shift_left3A_141 = arith.shli %add3A_138, %shift_left3A_140 : vector<16xi32>
      %shift_left3A_142 = arith.constant 7 : i32
      %shift_left3A_143 = vector.broadcast %shift_left3A_142 : i32 to vector<16xi32>
      %shift_left3A_144 = arith.shli %min3A_128, %shift_left3A_143 : vector<16xi32>
      %add3A_145 = arith.addi %shift_left3A_144, %convert_element_type3A_104 : vector<16xi32>
      %shift_left3A_146 = arith.constant 7 : i32
      %shift_left3A_147 = vector.broadcast %shift_left3A_146 : i32 to vector<16xi32>
      %shift_left3A_148 = arith.shli %add3A_145, %shift_left3A_147 : vector<16xi32>
      %shift_left3A_149 = arith.constant 7 : i32
      %shift_left3A_150 = vector.broadcast %shift_left3A_149 : i32 to vector<16xi32>
      %shift_left3A_151 = arith.shli %min3A_128, %shift_left3A_150 : vector<16xi32>
      %add3A_152 = arith.addi %shift_left3A_151, %min3A_122 : vector<16xi32>
      %shift_left3A_153 = arith.constant 7 : i32
      %shift_left3A_154 = vector.broadcast %shift_left3A_153 : i32 to vector<16xi32>
      %shift_left3A_155 = arith.shli %add3A_152, %shift_left3A_154 : vector<16xi32>
      %add3A_156 = arith.addi %shift_left3A_134, %convert_element_type3A : vector<16xi32>
      %add3A_157 = arith.addi %shift_left3A_134, %min3A_116 : vector<16xi32>
      %add3A_158 = arith.addi %shift_left3A_141, %convert_element_type3A : vector<16xi32>
      %add3A_159 = arith.addi %shift_left3A_141, %min3A_116 : vector<16xi32>
      %add3A_160 = arith.addi %shift_left3A_148, %convert_element_type3A : vector<16xi32>
      %add3A_161 = arith.addi %shift_left3A_148, %min3A_116 : vector<16xi32>
      %add3A_162 = arith.addi %shift_left3A_155, %convert_element_type3A : vector<16xi32>
      %add3A_163 = arith.addi %shift_left3A_155, %min3A_116 : vector<16xi32>
      %min3A_164 = arith.constant 2031615 : i32
      %min3A_165 = vector.broadcast %min3A_164 : i32 to vector<16xi32>
      %min3A_166 = arith.minsi %add3A_156, %min3A_165 : vector<16xi32>
      %swap3A = arith.constant 0 : index
      %swap3A_167 = tpu.vector_load %arg7[%swap3A] {strides = array<i32>} : memref<1024xi32, #tpu.memory_space<vmem>>, vector<16xi32>,
      tpu.vector_store %arg7[%swap3A], %min3A_166 {strides = array<i32>} : memref<1024xi32, #tpu.memory_space<vmem>>, vector<16xi32>,
      %min3A_168 = arith.constant 2031615 : i32
      %min3A_169 = vector.broadcast %min3A_168 : i32 to vector<16xi32>
      %min3A_170 = arith.minsi %add3A_157, %min3A_169 : vector<16xi32>
      %swap3A_171 = arith.constant 128 : index
      %swap3A_172 = tpu.vector_load %arg7[%swap3A_171] {strides = array<i32>} : memref<1024xi32, #tpu.memory_space<vmem>>, vector<16xi32>,
      tpu.vector_store %arg7[%swap3A_171], %min3A_170 {strides = array<i32>} : memref<1024xi32, #tpu.memory_space<vmem>>, vector<16xi32>,
      %min3A_173 = arith.constant 2031615 : i32
      %min3A_174 = vector.broadcast %min3A_173 : i32 to vector<16xi32>
      %min3A_175 = arith.minsi %add3A_158, %min3A_174 : vector<16xi32>
      %swap3A_176 = arith.constant 256 : index
      %swap3A_177 = tpu.vector_load %arg7[%swap3A_176] {strides = array<i32>} : memref<1024xi32, #tpu.memory_space<vmem>>, vector<16xi32>,
      tpu.vector_store %arg7[%swap3A_176], %min3A_175 {strides = array<i32>} : memref<1024xi32, #tpu.memory_space<vmem>>, vector<16xi32>,
      %min3A_178 = arith.constant 2031615 : i32
      %min3A_179 = vector.broadcast %min3A_178 : i32 to vector<16xi32>
      %min3A_180 = arith.minsi %add3A_159, %min3A_179 : vector<16xi32>
      %swap3A_181 = arith.constant 384 : index
      %swap3A_182 = tpu.vector_load %arg7[%swap3A_181] {strides = array<i32>} : memref<1024xi32, #tpu.memory_space<vmem>>, vector<16xi32>,
      tpu.vector_store %arg7[%swap3A_181], %min3A_180 {strides = array<i32>} : memref<1024xi32, #tpu.memory_space<vmem>>, vector<16xi32>,
      %min3A_183 = arith.constant 2031615 : i32
      %min3A_184 = vector.broadcast %min3A_183 : i32 to vector<16xi32>
      %min3A_185 = arith.minsi %add3A_160, %min3A_184 : vector<16xi32>
      %swap3A_186 = arith.constant 512 : index
      %swap3A_187 = tpu.vector_load %arg7[%swap3A_186] {strides = array<i32>} : memref<1024xi32, #tpu.memory_space<vmem>>, vector<16xi32>,
      tpu.vector_store %arg7[%swap3A_186], %min3A_185 {strides = array<i32>} : memref<1024xi32, #tpu.memory_space<vmem>>, vector<16xi32>,
      %min3A_188 = arith.constant 2031615 : i32
      %min3A_189 = vector.broadcast %min3A_188 : i32 to vector<16xi32>
      %min3A_190 = arith.minsi %add3A_161, %min3A_189 : vector<16xi32>
      %swap3A_191 = arith.constant 640 : index
      %swap3A_192 = tpu.vector_load %arg7[%swap3A_191] {strides = array<i32>} : memref<1024xi32, #tpu.memory_space<vmem>>, vector<16xi32>,
      tpu.vector_store %arg7[%swap3A_191], %min3A_190 {strides = array<i32>} : memref<1024xi32, #tpu.memory_space<vmem>>, vector<16xi32>,
      %min3A_193 = arith.constant 2031615 : i32
      %min3A_194 = vector.broadcast %min3A_193 : i32 to vector<16xi32>
      %min3A_195 = arith.minsi %add3A_162, %min3A_194 : vector<16xi32>
      %swap3A_196 = arith.constant 768 : index
      %swap3A_197 = tpu.vector_load %arg7[%swap3A_196] {strides = array<i32>} : memref<1024xi32, #tpu.memory_space<vmem>>, vector<16xi32>,
      tpu.vector_store %arg7[%swap3A_196], %min3A_195 {strides = array<i32>} : memref<1024xi32, #tpu.memory_space<vmem>>, vector<16xi32>,
      %min3A_198 = arith.constant 2031615 : i32
      %min3A_199 = vector.broadcast %min3A_198 : i32 to vector<16xi32>
      %min3A_200 = arith.minsi %add3A_163, %min3A_199 : vector<16xi32>
      %swap3A_201 = arith.constant 896 : index
      %swap3A_202 = tpu.vector_load %arg7[%swap3A_201] {strides = array<i32>} : memref<1024xi32, #tpu.memory_space<vmem>>, vector<16xi32>,
      tpu.vector_store %arg7[%swap3A_201], %min3A_200 {strides = array<i32>} : memref<1024xi32, #tpu.memory_space<vmem>>, vector<16xi32>,
      %swap3A_203 = arith.constant 0 : index
      %swap3A_204 = tpu.vector_load %arg8[%swap3A_203] {strides = array<i32>} : memref<384xf32, #tpu.memory_space<vmem>>, vector<16xf32>,
      tpu.vector_store %arg8[%swap3A_203], %sub3A {strides = array<i32>} : memref<384xf32, #tpu.memory_space<vmem>>, vector<16xf32>,
      %swap3A_205 = arith.constant 128 : index
      %swap3A_206 = tpu.vector_load %arg8[%swap3A_205] {strides = array<i32>} : memref<384xf32, #tpu.memory_space<vmem>>, vector<16xf32>,
      tpu.vector_store %arg8[%swap3A_205], %sub3A_108 {strides = array<i32>} : memref<384xf32, #tpu.memory_space<vmem>>, vector<16xf32>,
      %swap3A_207 = arith.constant 256 : index
      %swap3A_208 = tpu.vector_load %arg8[%swap3A_207] {strides = array<i32>} : memref<384xf32, #tpu.memory_space<vmem>>, vector<16xf32>,
      tpu.vector_store %arg8[%swap3A_207], %sub3A_110 {strides = array<i32>} : memref<384xf32, #tpu.memory_space<vmem>>, vector<16xf32>,
      %get3A_209 = arith.constant 0 : i32
      %get3A_210 = arith.index_cast %get3A_209 : i32 to index
      %get3A_211 = arith.constant 16 : index
      %get3A_212 = tpu.vector_load %arg6[%get3A_210, %get3A_211] {strides = array<i32>} : memref<6x128xf32, #tpu.memory_space<vmem>>, vector<16xf32>,
      %get3A_213 = arith.constant 1 : i32
      %get3A_214 = arith.index_cast %get3A_213 : i32 to index
      %get3A_215 = arith.constant 16 : index
      %get3A_216 = tpu.vector_load %arg6[%get3A_214, %get3A_215] {strides = array<i32>} : memref<6x128xf32, #tpu.memory_space<vmem>>, vector<16xf32>,
      %get3A_217 = arith.constant 2 : i32
      %get3A_218 = arith.index_cast %get3A_217 : i32 to index
      %get3A_219 = arith.constant 16 : index
      %get3A_220 = tpu.vector_load %arg6[%get3A_218, %get3A_219] {strides = array<i32>} : memref<6x128xf32, #tpu.memory_space<vmem>>, vector<16xf32>,
      %get3A_221 = arith.constant 3 : i32
      %get3A_222 = arith.index_cast %get3A_221 : i32 to index
      %get3A_223 = arith.constant 16 : index
      %get3A_224 = tpu.vector_load %arg6[%get3A_222, %get3A_223] {strides = array<i32>} : memref<6x128xf32, #tpu.memory_space<vmem>>, vector<16xf32>,
      %get3A_225 = arith.constant 4 : i32
      %get3A_226 = arith.index_cast %get3A_225 : i32 to index
      %get3A_227 = arith.constant 16 : index
      %get3A_228 = tpu.vector_load %arg6[%get3A_226, %get3A_227] {strides = array<i32>} : memref<6x128xf32, #tpu.memory_space<vmem>>, vector<16xf32>,
      %get3A_229 = arith.constant 5 : i32
      %get3A_230 = arith.index_cast %get3A_229 : i32 to index
      %get3A_231 = arith.constant 16 : index
      %get3A_232 = tpu.vector_load %arg6[%get3A_230, %get3A_231] {strides = array<i32>} : memref<6x128xf32, #tpu.memory_space<vmem>>, vector<16xf32>,
      %add3A_233 = arith.addf %get3A_224, %get3A_212 : vector<16xf32>
      %add3A_234 = arith.constant 1.000000e+00 : f32
      %add3A_235 = vector.broadcast %add3A_234 : f32 to vector<16xf32>
      %add3A_236 = arith.addf %add3A_233, %add3A_235 : vector<16xf32>
      %mul3A_237 = arith.constant 5.000000e-01 : f32
      %mul3A_238 = vector.broadcast %mul3A_237 : f32 to vector<16xf32>
      %mul3A_239 = arith.mulf %add3A_236, %mul3A_238 : vector<16xf32>
      %mul3A_240 = arith.constant 1.270000e+02 : f32
      %mul3A_241 = vector.broadcast %mul3A_240 : f32 to vector<16xf32>
      %mul3A_242 = arith.mulf %mul3A_239, %mul3A_241 : vector<16xf32>
      %add3A_243 = arith.addf %get3A_228, %get3A_216 : vector<16xf32>
      %add3A_244 = arith.constant 1.000000e+00 : f32
      %add3A_245 = vector.broadcast %add3A_244 : f32 to vector<16xf32>
      %add3A_246 = arith.addf %add3A_243, %add3A_245 : vector<16xf32>
      %mul3A_247 = arith.constant 5.000000e-01 : f32
      %mul3A_248 = vector.broadcast %mul3A_247 : f32 to vector<16xf32>
      %mul3A_249 = arith.mulf %add3A_246, %mul3A_248 : vector<16xf32>
      %mul3A_250 = arith.constant 1.270000e+02 : f32
      %mul3A_251 = vector.broadcast %mul3A_250 : f32 to vector<16xf32>
      %mul3A_252 = arith.mulf %mul3A_249, %mul3A_251 : vector<16xf32>
      %add3A_253 = arith.addf %get3A_232, %get3A_220 : vector<16xf32>
      %add3A_254 = arith.constant 1.000000e+00 : f32
      %add3A_255 = vector.broadcast %add3A_254 : f32 to vector<16xf32>
      %add3A_256 = arith.addf %add3A_253, %add3A_255 : vector<16xf32>
      %mul3A_257 = arith.constant 5.000000e-01 : f32
      %mul3A_258 = vector.broadcast %mul3A_257 : f32 to vector<16xf32>
      %mul3A_259 = arith.mulf %add3A_256, %mul3A_258 : vector<16xf32>
      %mul3A_260 = arith.constant 1.270000e+02 : f32
      %mul3A_261 = vector.broadcast %mul3A_260 : f32 to vector<16xf32>
      %mul3A_262 = arith.mulf %mul3A_259, %mul3A_261 : vector<16xf32>
      %jit3A_263 = arith.constant 0.000000e+00 : f32
      %jit3A_264 = arith.constant 1.270000e+02 : f32
      %max3A_265 = vector.broadcast %jit3A_263 : f32 to vector<16xf32>
      %max3A_266 = arith.maximumf %max3A_265, %mul3A_242 : vector<16xf32>
      %min3A_267 = vector.broadcast %jit3A_264 : f32 to vector<16xf32>
      %min3A_268 = arith.minimumf %min3A_267, %max3A_266 : vector<16xf32>
      %jit3A_269 = arith.constant 0.000000e+00 : f32
      %jit3A_270 = arith.constant 1.270000e+02 : f32
      %max3A_271 = vector.broadcast %jit3A_269 : f32 to vector<16xf32>
      %max3A_272 = arith.maximumf %max3A_271, %mul3A_252 : vector<16xf32>
      %min3A_273 = vector.broadcast %jit3A_270 : f32 to vector<16xf32>
      %min3A_274 = arith.minimumf %min3A_273, %max3A_272 : vector<16xf32>
      %jit3A_275 = arith.constant 0.000000e+00 : f32
      %jit3A_276 = arith.constant 1.270000e+02 : f32
      %max3A_277 = vector.broadcast %jit3A_275 : f32 to vector<16xf32>
      %max3A_278 = arith.maximumf %max3A_277, %mul3A_262 : vector<16xf32>
      %min3A_279 = vector.broadcast %jit3A_276 : f32 to vector<16xf32>
      %min3A_280 = arith.minimumf %min3A_279, %max3A_278 : vector<16xf32>
      %convert_element_type3A_281 = arith.fptosi %min3A_268 : vector<16xf32> to vector<16xi32>
      %convert_element_type3A_282 = arith.fptosi %min3A_274 : vector<16xf32> to vector<16xi32>
      %convert_element_type3A_283 = arith.fptosi %min3A_280 : vector<16xf32> to vector<16xi32>
      %convert_element_type3A_284 = arith.sitofp %convert_element_type3A_281 : vector<16xi32> to vector<16xf32>
      %sub3A_285 = arith.subf %min3A_268, %convert_element_type3A_284 : vector<16xf32>
      %convert_element_type3A_286 = arith.sitofp %convert_element_type3A_282 : vector<16xi32> to vector<16xf32>
      %sub3A_287 = arith.subf %min3A_274, %convert_element_type3A_286 : vector<16xf32>
      %convert_element_type3A_288 = arith.sitofp %convert_element_type3A_283 : vector<16xi32> to vector<16xf32>
      %sub3A_289 = arith.subf %min3A_280, %convert_element_type3A_288 : vector<16xf32>
      %add3A_290 = arith.constant 1 : i32
      %add3A_291 = vector.broadcast %add3A_290 : i32 to vector<16xi32>
      %add3A_292 = arith.addi %convert_element_type3A_281, %add3A_291 : vector<16xi32>
      %min3A_293 = arith.constant 127 : i32
      %min3A_294 = vector.broadcast %min3A_293 : i32 to vector<16xi32>
      %min3A_295 = arith.minsi %add3A_292, %min3A_294 : vector<16xi32>
      %add3A_296 = arith.constant 1 : i32
      %add3A_297 = vector.broadcast %add3A_296 : i32 to vector<16xi32>
      %add3A_298 = arith.addi %convert_element_type3A_282, %add3A_297 : vector<16xi32>
      %min3A_299 = arith.constant 127 : i32
      %min3A_300 = vector.broadcast %min3A_299 : i32 to vector<16xi32>
      %min3A_301 = arith.minsi %add3A_298, %min3A_300 : vector<16xi32>
      %add3A_302 = arith.constant 1 : i32
      %add3A_303 = vector.broadcast %add3A_302 : i32 to vector<16xi32>
      %add3A_304 = arith.addi %convert_element_type3A_283, %add3A_303 : vector<16xi32>
      %min3A_305 = arith.constant 127 : i32
      %min3A_306 = vector.broadcast %min3A_305 : i32 to vector<16xi32>
      %min3A_307 = arith.minsi %add3A_304, %min3A_306 : vector<16xi32>
      %shift_left3A_308 = arith.constant 7 : i32
      %shift_left3A_309 = vector.broadcast %shift_left3A_308 : i32 to vector<16xi32>
      %shift_left3A_310 = arith.shli %convert_element_type3A_283, %shift_left3A_309 : vector<16xi32>
      %add3A_311 = arith.addi %shift_left3A_310, %convert_element_type3A_282 : vector<16xi32>
      %shift_left3A_312 = arith.constant 7 : i32
      %shift_left3A_313 = vector.broadcast %shift_left3A_312 : i32 to vector<16xi32>
      %shift_left3A_314 = arith.shli %add3A_311, %shift_left3A_313 : vector<16xi32>
      %shift_left3A_315 = arith.constant 7 : i32
      %shift_left3A_316 = vector.broadcast %shift_left3A_315 : i32 to vector<16xi32>
      %shift_left3A_317 = arith.shli %convert_element_type3A_283, %shift_left3A_316 : vector<16xi32>
      %add3A_318 = arith.addi %shift_left3A_317, %min3A_301 : vector<16xi32>
      %shift_left3A_319 = arith.constant 7 : i32
      %shift_left3A_320 = vector.broadcast %shift_left3A_319 : i32 to vector<16xi32>
      %shift_left3A_321 = arith.shli %add3A_318, %shift_left3A_320 : vector<16xi32>
      %shift_left3A_322 = arith.constant 7 : i32
      %shift_left3A_323 = vector.broadcast %shift_left3A_322 : i32 to vector<16xi32>
      %shift_left3A_324 = arith.shli %min3A_307, %shift_left3A_323 : vector<16xi32>
      %add3A_325 = arith.addi %shift_left3A_324, %convert_element_type3A_282 : vector<16xi32>
      %shift_left3A_326 = arith.constant 7 : i32
      %shift_left3A_327 = vector.broadcast %shift_left3A_326 : i32 to vector<16xi32>
      %shift_left3A_328 = arith.shli %add3A_325, %shift_left3A_327 : vector<16xi32>
      %shift_left3A_329 = arith.constant 7 : i32
      %shift_left3A_330 = vector.broadcast %shift_left3A_329 : i32 to vector<16xi32>
      %shift_left3A_331 = arith.shli %min3A_307, %shift_left3A_330 : vector<16xi32>
      %add3A_332 = arith.addi %shift_left3A_331, %min3A_301 : vector<16xi32>
      %shift_left3A_333 = arith.constant 7 : i32
      %shift_left3A_334 = vector.broadcast %shift_left3A_333 : i32 to vector<16xi32>
      %shift_left3A_335 = arith.shli %add3A_332, %shift_left3A_334 : vector<16xi32>
      %add3A_336 = arith.addi %shift_left3A_314, %convert_element_type3A_281 : vector<16xi32>
      %add3A_337 = arith.addi %shift_left3A_314, %min3A_295 : vector<16xi32>
      %add3A_338 = arith.addi %shift_left3A_321, %convert_element_type3A_281 : vector<16xi32>
      %add3A_339 = arith.addi %shift_left3A_321, %min3A_295 : vector<16xi32>
      %add3A_340 = arith.addi %shift_left3A_328, %convert_element_type3A_281 : vector<16xi32>
      %add3A_341 = arith.addi %shift_left3A_328, %min3A_295 : vector<16xi32>
      %add3A_342 = arith.addi %shift_left3A_335, %convert_element_type3A_281 : vector<16xi32>
      %add3A_343 = arith.addi %shift_left3A_335, %min3A_295 : vector<16xi32>
      %min3A_344 = arith.constant 2031615 : i32
      %min3A_345 = vector.broadcast %min3A_344 : i32 to vector<16xi32>
      %min3A_346 = arith.minsi %add3A_336, %min3A_345 : vector<16xi32>
      %swap3A_347 = arith.constant 16 : index
      %swap3A_348 = tpu.vector_load %arg7[%swap3A_347] {strides = array<i32>} : memref<1024xi32, #tpu.memory_space<vmem>>, vector<16xi32>,
      tpu.vector_store %arg7[%swap3A_347], %min3A_346 {strides = array<i32>} : memref<1024xi32, #tpu.memory_space<vmem>>, vector<16xi32>,
      %min3A_349 = arith.constant 2031615 : i32
      %min3A_350 = vector.broadcast %min3A_349 : i32 to vector<16xi32>
      %min3A_351 = arith.minsi %add3A_337, %min3A_350 : vector<16xi32>
      %swap3A_352 = arith.constant 144 : index
      %swap3A_353 = tpu.vector_load %arg7[%swap3A_352] {strides = array<i32>} : memref<1024xi32, #tpu.memory_space<vmem>>, vector<16xi32>,
      tpu.vector_store %arg7[%swap3A_352], %min3A_351 {strides = array<i32>} : memref<1024xi32, #tpu.memory_space<vmem>>, vector<16xi32>,
      %min3A_354 = arith.constant 2031615 : i32
      %min3A_355 = vector.broadcast %min3A_354 : i32 to vector<16xi32>
      %min3A_356 = arith.minsi %add3A_338, %min3A_355 : vector<16xi32>
      %swap3A_357 = arith.constant 272 : index
      %swap3A_358 = tpu.vector_load %arg7[%swap3A_357] {strides = array<i32>} : memref<1024xi32, #tpu.memory_space<vmem>>, vector<16xi32>,
      tpu.vector_store %arg7[%swap3A_357], %min3A_356 {strides = array<i32>} : memref<1024xi32, #tpu.memory_space<vmem>>, vector<16xi32>,
      %min3A_359 = arith.constant 2031615 : i32
      %min3A_360 = vector.broadcast %min3A_359 : i32 to vector<16xi32>
      %min3A_361 = arith.minsi %add3A_339, %min3A_360 : vector<16xi32>
      %swap3A_362 = arith.constant 400 : index
      %swap3A_363 = tpu.vector_load %arg7[%swap3A_362] {strides = array<i32>} : memref<1024xi32, #tpu.memory_space<vmem>>, vector<16xi32>,
      tpu.vector_store %arg7[%swap3A_362], %min3A_361 {strides = array<i32>} : memref<1024xi32, #tpu.memory_space<vmem>>, vector<16xi32>,
      %min3A_364 = arith.constant 2031615 : i32
      %min3A_365 = vector.broadcast %min3A_364 : i32 to vector<16xi32>
      %min3A_366 = arith.minsi %add3A_340, %min3A_365 : vector<16xi32>
      %swap3A_367 = arith.constant 528 : index
      %swap3A_368 = tpu.vector_load %arg7[%swap3A_367] {strides = array<i32>} : memref<1024xi32, #tpu.memory_space<vmem>>, vector<16xi32>,
      tpu.vector_store %arg7[%swap3A_367], %min3A_366 {strides = array<i32>} : memref<1024xi32, #tpu.memory_space<vmem>>, vector<16xi32>,
      %min3A_369 = arith.constant 2031615 : i32
      %min3A_370 = vector.broadcast %min3A_369 : i32 to vector<16xi32>
      %min3A_371 = arith.minsi %add3A_341, %min3A_370 : vector<16xi32>
      %swap3A_372 = arith.constant 656 : index
      %swap3A_373 = tpu.vector_load %arg7[%swap3A_372] {strides = array<i32>} : memref<1024xi32, #tpu.memory_space<vmem>>, vector<16xi32>,
      tpu.vector_store %arg7[%swap3A_372], %min3A_371 {strides = array<i32>} : memref<1024xi32, #tpu.memory_space<vmem>>, vector<16xi32>,
      %min3A_374 = arith.constant 2031615 : i32
      %min3A_375 = vector.broadcast %min3A_374 : i32 to vector<16xi32>
      %min3A_376 = arith.minsi %add3A_342, %min3A_375 : vector<16xi32>
      %swap3A_377 = arith.constant 784 : index
      %swap3A_378 = tpu.vector_load %arg7[%swap3A_377] {strides = array<i32>} : memref<1024xi32, #tpu.memory_space<vmem>>, vector<16xi32>,
      tpu.vector_store %arg7[%swap3A_377], %min3A_376 {strides = array<i32>} : memref<1024xi32, #tpu.memory_space<vmem>>, vector<16xi32>,
      %min3A_379 = arith.constant 2031615 : i32
      %min3A_380 = vector.broadcast %min3A_379 : i32 to vector<16xi32>
      %min3A_381 = arith.minsi %add3A_343, %min3A_380 : vector<16xi32>
      %swap3A_382 = arith.constant 912 : index
      %swap3A_383 = tpu.vector_load %arg7[%swap3A_382] {strides = array<i32>} : memref<1024xi32, #tpu.memory_space<vmem>>, vector<16xi32>,
      tpu.vector_store %arg7[%swap3A_382], %min3A_381 {strides = array<i32>} : memref<1024xi32, #tpu.memory_space<vmem>>, vector<16xi32>,
      %swap3A_384 = arith.constant 16 : index
      %swap3A_385 = tpu.vector_load %arg8[%swap3A_384] {strides = array<i32>} : memref<384xf32, #tpu.memory_space<vmem>>, vector<16xf32>,
      tpu.vector_store %arg8[%swap3A_384], %sub3A_285 {strides = array<i32>} : memref<384xf32, #tpu.memory_space<vmem>>, vector<16xf32>,
      %swap3A_386 = arith.constant 144 : index
      %swap3A_387 = tpu.vector_load %arg8[%swap3A_386] {strides = array<i32>} : memref<384xf32, #tpu.memory_space<vmem>>, vector<16xf32>,
      tpu.vector_store %arg8[%swap3A_386], %sub3A_287 {strides = array<i32>} : memref<384xf32, #tpu.memory_space<vmem>>, vector<16xf32>,
      %swap3A_388 = arith.constant 272 : index
      %swap3A_389 = tpu.vector_load %arg8[%swap3A_388] {strides = array<i32>} : memref<384xf32, #tpu.memory_space<vmem>>, vector<16xf32>,
      tpu.vector_store %arg8[%swap3A_388], %sub3A_289 {strides = array<i32>} : memref<384xf32, #tpu.memory_space<vmem>>, vector<16xf32>,
      %get3A_390 = arith.constant 0 : i32
      %get3A_391 = arith.index_cast %get3A_390 : i32 to index
      %get3A_392 = arith.constant 32 : index
      %get3A_393 = tpu.vector_load %arg6[%get3A_391, %get3A_392] {strides = array<i32>} : memref<6x128xf32, #tpu.memory_space<vmem>>, vector<16xf32>,
      %get3A_394 = arith.constant 1 : i32
      %get3A_395 = arith.index_cast %get3A_394 : i32 to index
      %get3A_396 = arith.constant 32 : index
      %get3A_397 = tpu.vector_load %arg6[%get3A_395, %get3A_396] {strides = array<i32>} : memref<6x128xf32, #tpu.memory_space<vmem>>, vector<16xf32>,
      %get3A_398 = arith.constant 2 : i32
      %get3A_399 = arith.index_cast %get3A_398 : i32 to index
      %get3A_400 = arith.constant 32 : index
      %get3A_401 = tpu.vector_load %arg6[%get3A_399, %get3A_400] {strides = array<i32>} : memref<6x128xf32, #tpu.memory_space<vmem>>, vector<16xf32>,
      %get3A_402 = arith.constant 3 : i32
      %get3A_403 = arith.index_cast %get3A_402 : i32 to index
      %get3A_404 = arith.constant 32 : index
      %get3A_405 = tpu.vector_load %arg6[%get3A_403, %get3A_404] {strides = array<i32>} : memref<6x128xf32, #tpu.memory_space<vmem>>, vector<16xf32>,
      %get3A_406 = arith.constant 4 : i32
      %get3A_407 = arith.index_cast %get3A_406 : i32 to index
      %get3A_408 = arith.constant 32 : index
      %get3A_409 = tpu.vector_load %arg6[%get3A_407, %get3A_408] {strides = array<i32>} : memref<6x128xf32, #tpu.memory_space<vmem>>, vector<16xf32>,
      %get3A_410 = arith.constant 5 : i32
      %get3A_411 = arith.index_cast %get3A_410 : i32 to index
      %get3A_412 = arith.constant 32 : index
      %get3A_413 = tpu.vector_load %arg6[%get3A_411, %get3A_412] {strides = array<i32>} : memref<6x128xf32, #tpu.memory_space<vmem>>, vector<16xf32>,
      %add3A_414 = arith.addf %get3A_405, %get3A_393 : vector<16xf32>
      %add3A_415 = arith.constant 1.000000e+00 : f32
      %add3A_416 = vector.broadcast %add3A_415 : f32 to vector<16xf32>
      %add3A_417 = arith.addf %add3A_414, %add3A_416 : vector<16xf32>
      %mul3A_418 = arith.constant 5.000000e-01 : f32
      %mul3A_419 = vector.broadcast %mul3A_418 : f32 to vector<16xf32>
      %mul3A_420 = arith.mulf %add3A_417, %mul3A_419 : vector<16xf32>
      %mul3A_421 = arith.constant 1.270000e+02 : f32
      %mul3A_422 = vector.broadcast %mul3A_421 : f32 to vector<16xf32>
      %mul3A_423 = arith.mulf %mul3A_420, %mul3A_422 : vector<16xf32>
      %add3A_424 = arith.addf %get3A_409, %get3A_397 : vector<16xf32>
      %add3A_425 = arith.constant 1.000000e+00 : f32
      %add3A_426 = vector.broadcast %add3A_425 : f32 to vector<16xf32>
      %add3A_427 = arith.addf %add3A_424, %add3A_426 : vector<16xf32>
      %mul3A_428 = arith.constant 5.000000e-01 : f32
      %mul3A_429 = vector.broadcast %mul3A_428 : f32 to vector<16xf32>
      %mul3A_430 = arith.mulf %add3A_427, %mul3A_429 : vector<16xf32>
      %mul3A_431 = arith.constant 1.270000e+02 : f32
      %mul3A_432 = vector.broadcast %mul3A_431 : f32 to vector<16xf32>
      %mul3A_433 = arith.mulf %mul3A_430, %mul3A_432 : vector<16xf32>
      %add3A_434 = arith.addf %get3A_413, %get3A_401 : vector<16xf32>
      %add3A_435 = arith.constant 1.000000e+00 : f32
      %add3A_436 = vector.broadcast %add3A_435 : f32 to vector<16xf32>
      %add3A_437 = arith.addf %add3A_434, %add3A_436 : vector<16xf32>
      %mul3A_438 = arith.constant 5.000000e-01 : f32
      %mul3A_439 = vector.broadcast %mul3A_438 : f32 to vector<16xf32>
      %mul3A_440 = arith.mulf %add3A_437, %mul3A_439 : vector<16xf32>
      %mul3A_441 = arith.constant 1.270000e+02 : f32
      %mul3A_442 = vector.broadcast %mul3A_441 : f32 to vector<16xf32>
      %mul3A_443 = arith.mulf %mul3A_440, %mul3A_442 : vector<16xf32>
      %jit3A_444 = arith.constant 0.000000e+00 : f32
      %jit3A_445 = arith.constant 1.270000e+02 : f32
      %max3A_446 = vector.broadcast %jit3A_444 : f32 to vector<16xf32>
      %max3A_447 = arith.maximumf %max3A_446, %mul3A_423 : vector<16xf32>
      %min3A_448 = vector.broadcast %jit3A_445 : f32 to vector<16xf32>
      %min3A_449 = arith.minimumf %min3A_448, %max3A_447 : vector<16xf32>
      %jit3A_450 = arith.constant 0.000000e+00 : f32
      %jit3A_451 = arith.constant 1.270000e+02 : f32
      %max3A_452 = vector.broadcast %jit3A_450 : f32 to vector<16xf32>
      %max3A_453 = arith.maximumf %max3A_452, %mul3A_433 : vector<16xf32>
      %min3A_454 = vector.broadcast %jit3A_451 : f32 to vector<16xf32>
      %min3A_455 = arith.minimumf %min3A_454, %max3A_453 : vector<16xf32>
      %jit3A_456 = arith.constant 0.000000e+00 : f32
      %jit3A_457 = arith.constant 1.270000e+02 : f32
      %max3A_458 = vector.broadcast %jit3A_456 : f32 to vector<16xf32>
      %max3A_459 = arith.maximumf %max3A_458, %mul3A_443 : vector<16xf32>
      %min3A_460 = vector.broadcast %jit3A_457 : f32 to vector<16xf32>
      %min3A_461 = arith.minimumf %min3A_460, %max3A_459 : vector<16xf32>
      %convert_element_type3A_462 = arith.fptosi %min3A_449 : vector<16xf32> to vector<16xi32>
      %convert_element_type3A_463 = arith.fptosi %min3A_455 : vector<16xf32> to vector<16xi32>
      %convert_element_type3A_464 = arith.fptosi %min3A_461 : vector<16xf32> to vector<16xi32>
      %convert_element_type3A_465 = arith.sitofp %convert_element_type3A_462 : vector<16xi32> to vector<16xf32>
      %sub3A_466 = arith.subf %min3A_449, %convert_element_type3A_465 : vector<16xf32>
      %convert_element_type3A_467 = arith.sitofp %convert_element_type3A_463 : vector<16xi32> to vector<16xf32>
      %sub3A_468 = arith.subf %min3A_455, %convert_element_type3A_467 : vector<16xf32>
      %convert_element_type3A_469 = arith.sitofp %convert_element_type3A_464 : vector<16xi32> to vector<16xf32>
      %sub3A_470 = arith.subf %min3A_461, %convert_element_type3A_469 : vector<16xf32>
      %add3A_471 = arith.constant 1 : i32
      %add3A_472 = vector.broadcast %add3A_471 : i32 to vector<16xi32>
      %add3A_473 = arith.addi %convert_element_type3A_462, %add3A_472 : vector<16xi32>
      %min3A_474 = arith.constant 127 : i32
      %min3A_475 = vector.broadcast %min3A_474 : i32 to vector<16xi32>
      %min3A_476 = arith.minsi %add3A_473, %min3A_475 : vector<16xi32>
      %add3A_477 = arith.constant 1 : i32
      %add3A_478 = vector.broadcast %add3A_477 : i32 to vector<16xi32>
      %add3A_479 = arith.addi %convert_element_type3A_463, %add3A_478 : vector<16xi32>
      %min3A_480 = arith.constant 127 : i32
      %min3A_481 = vector.broadcast %min3A_480 : i32 to vector<16xi32>
      %min3A_482 = arith.minsi %add3A_479, %min3A_481 : vector<16xi32>
      %add3A_483 = arith.constant 1 : i32
      %add3A_484 = vector.broadcast %add3A_483 : i32 to vector<16xi32>
      %add3A_485 = arith.addi %convert_element_type3A_464, %add3A_484 : vector<16xi32>
      %min3A_486 = arith.constant 127 : i32
      %min3A_487 = vector.broadcast %min3A_486 : i32 to vector<16xi32>
      %min3A_488 = arith.minsi %add3A_485, %min3A_487 : vector<16xi32>
      %shift_left3A_489 = arith.constant 7 : i32
      %shift_left3A_490 = vector.broadcast %shift_left3A_489 : i32 to vector<16xi32>
      %shift_left3A_491 = arith.shli %convert_element_type3A_464, %shift_left3A_490 : vector<16xi32>
      %add3A_492 = arith.addi %shift_left3A_491, %convert_element_type3A_463 : vector<16xi32>
      %shift_left3A_493 = arith.constant 7 : i32
      %shift_left3A_494 = vector.broadcast %shift_left3A_493 : i32 to vector<16xi32>
      %shift_left3A_495 = arith.shli %add3A_492, %shift_left3A_494 : vector<16xi32>
      %shift_left3A_496 = arith.constant 7 : i32
      %shift_left3A_497 = vector.broadcast %shift_left3A_496 : i32 to vector<16xi32>
      %shift_left3A_498 = arith.shli %convert_element_type3A_464, %shift_left3A_497 : vector<16xi32>
      %add3A_499 = arith.addi %shift_left3A_498, %min3A_482 : vector<16xi32>
      %shift_left3A_500 = arith.constant 7 : i32
      %shift_left3A_501 = vector.broadcast %shift_left3A_500 : i32 to vector<16xi32>
      %shift_left3A_502 = arith.shli %add3A_499, %shift_left3A_501 : vector<16xi32>
      %shift_left3A_503 = arith.constant 7 : i32
      %shift_left3A_504 = vector.broadcast %shift_left3A_503 : i32 to vector<16xi32>
      %shift_left3A_505 = arith.shli %min3A_488, %shift_left3A_504 : vector<16xi32>
      %add3A_506 = arith.addi %shift_left3A_505, %convert_element_type3A_463 : vector<16xi32>
      %shift_left3A_507 = arith.constant 7 : i32
      %shift_left3A_508 = vector.broadcast %shift_left3A_507 : i32 to vector<16xi32>
      %shift_left3A_509 = arith.shli %add3A_506, %shift_left3A_508 : vector<16xi32>
      %shift_left3A_510 = arith.constant 7 : i32
      %shift_left3A_511 = vector.broadcast %shift_left3A_510 : i32 to vector<16xi32>
      %shift_left3A_512 = arith.shli %min3A_488, %shift_left3A_511 : vector<16xi32>
      %add3A_513 = arith.addi %shift_left3A_512, %min3A_482 : vector<16xi32>
      %shift_left3A_514 = arith.constant 7 : i32
      %shift_left3A_515 = vector.broadcast %shift_left3A_514 : i32 to vector<16xi32>
      %shift_left3A_516 = arith.shli %add3A_513, %shift_left3A_515 : vector<16xi32>
      %add3A_517 = arith.addi %shift_left3A_495, %convert_element_type3A_462 : vector<16xi32>
      %add3A_518 = arith.addi %shift_left3A_495, %min3A_476 : vector<16xi32>
      %add3A_519 = arith.addi %shift_left3A_502, %convert_element_type3A_462 : vector<16xi32>
      %add3A_520 = arith.addi %shift_left3A_502, %min3A_476 : vector<16xi32>
      %add3A_521 = arith.addi %shift_left3A_509, %convert_element_type3A_462 : vector<16xi32>
      %add3A_522 = arith.addi %shift_left3A_509, %min3A_476 : vector<16xi32>
      %add3A_523 = arith.addi %shift_left3A_516, %convert_element_type3A_462 : vector<16xi32>
      %add3A_524 = arith.addi %shift_left3A_516, %min3A_476 : vector<16xi32>
      %min3A_525 = arith.constant 2031615 : i32
      %min3A_526 = vector.broadcast %min3A_525 : i32 to vector<16xi32>
      %min3A_527 = arith.minsi %add3A_517, %min3A_526 : vector<16xi32>
      %swap3A_528 = arith.constant 32 : index
      %swap3A_529 = tpu.vector_load %arg7[%swap3A_528] {strides = array<i32>} : memref<1024xi32, #tpu.memory_space<vmem>>, vector<16xi32>,
      tpu.vector_store %arg7[%swap3A_528], %min3A_527 {strides = array<i32>} : memref<1024xi32, #tpu.memory_space<vmem>>, vector<16xi32>,
      %min3A_530 = arith.constant 2031615 : i32
      %min3A_531 = vector.broadcast %min3A_530 : i32 to vector<16xi32>
      %min3A_532 = arith.minsi %add3A_518, %min3A_531 : vector<16xi32>
      %swap3A_533 = arith.constant 160 : index
      %swap3A_534 = tpu.vector_load %arg7[%swap3A_533] {strides = array<i32>} : memref<1024xi32, #tpu.memory_space<vmem>>, vector<16xi32>,
      tpu.vector_store %arg7[%swap3A_533], %min3A_532 {strides = array<i32>} : memref<1024xi32, #tpu.memory_space<vmem>>, vector<16xi32>,
      %min3A_535 = arith.constant 2031615 : i32
      %min3A_536 = vector.broadcast %min3A_535 : i32 to vector<16xi32>
      %min3A_537 = arith.minsi %add3A_519, %min3A_536 : vector<16xi32>
      %swap3A_538 = arith.constant 288 : index
      %swap3A_539 = tpu.vector_load %arg7[%swap3A_538] {strides = array<i32>} : memref<1024xi32, #tpu.memory_space<vmem>>, vector<16xi32>,
      tpu.vector_store %arg7[%swap3A_538], %min3A_537 {strides = array<i32>} : memref<1024xi32, #tpu.memory_space<vmem>>, vector<16xi32>,
      %min3A_540 = arith.constant 2031615 : i32
      %min3A_541 = vector.broadcast %min3A_540 : i32 to vector<16xi32>
      %min3A_542 = arith.minsi %add3A_520, %min3A_541 : vector<16xi32>
      %swap3A_543 = arith.constant 416 : index
      %swap3A_544 = tpu.vector_load %arg7[%swap3A_543] {strides = array<i32>} : memref<1024xi32, #tpu.memory_space<vmem>>, vector<16xi32>,
      tpu.vector_store %arg7[%swap3A_543], %min3A_542 {strides = array<i32>} : memref<1024xi32, #tpu.memory_space<vmem>>, vector<16xi32>,
      %min3A_545 = arith.constant 2031615 : i32
      %min3A_546 = vector.broadcast %min3A_545 : i32 to vector<16xi32>
      %min3A_547 = arith.minsi %add3A_521, %min3A_546 : vector<16xi32>
      %swap3A_548 = arith.constant 544 : index
      %swap3A_549 = tpu.vector_load %arg7[%swap3A_548] {strides = array<i32>} : memref<1024xi32, #tpu.memory_space<vmem>>, vector<16xi32>,
      tpu.vector_store %arg7[%swap3A_548], %min3A_547 {strides = array<i32>} : memref<1024xi32, #tpu.memory_space<vmem>>, vector<16xi32>,
      %min3A_550 = arith.constant 2031615 : i32
      %min3A_551 = vector.broadcast %min3A_550 : i32 to vector<16xi32>
      %min3A_552 = arith.minsi %add3A_522, %min3A_551 : vector<16xi32>
      %swap3A_553 = arith.constant 672 : index
      %swap3A_554 = tpu.vector_load %arg7[%swap3A_553] {strides = array<i32>} : memref<1024xi32, #tpu.memory_space<vmem>>, vector<16xi32>,
      tpu.vector_store %arg7[%swap3A_553], %min3A_552 {strides = array<i32>} : memref<1024xi32, #tpu.memory_space<vmem>>, vector<16xi32>,
      %min3A_555 = arith.constant 2031615 : i32
      %min3A_556 = vector.broadcast %min3A_555 : i32 to vector<16xi32>
      %min3A_557 = arith.minsi %add3A_523, %min3A_556 : vector<16xi32>
      %swap3A_558 = arith.constant 800 : index
      %swap3A_559 = tpu.vector_load %arg7[%swap3A_558] {strides = array<i32>} : memref<1024xi32, #tpu.memory_space<vmem>>, vector<16xi32>,
      tpu.vector_store %arg7[%swap3A_558], %min3A_557 {strides = array<i32>} : memref<1024xi32, #tpu.memory_space<vmem>>, vector<16xi32>,
      %min3A_560 = arith.constant 2031615 : i32
      %min3A_561 = vector.broadcast %min3A_560 : i32 to vector<16xi32>
      %min3A_562 = arith.minsi %add3A_524, %min3A_561 : vector<16xi32>
      %swap3A_563 = arith.constant 928 : index
      %swap3A_564 = tpu.vector_load %arg7[%swap3A_563] {strides = array<i32>} : memref<1024xi32, #tpu.memory_space<vmem>>, vector<16xi32>,
      tpu.vector_store %arg7[%swap3A_563], %min3A_562 {strides = array<i32>} : memref<1024xi32, #tpu.memory_space<vmem>>, vector<16xi32>,
      %swap3A_565 = arith.constant 32 : index
      %swap3A_566 = tpu.vector_load %arg8[%swap3A_565] {strides = array<i32>} : memref<384xf32, #tpu.memory_space<vmem>>, vector<16xf32>,
      tpu.vector_store %arg8[%swap3A_565], %sub3A_466 {strides = array<i32>} : memref<384xf32, #tpu.memory_space<vmem>>, vector<16xf32>,
      %swap3A_567 = arith.constant 160 : index
      %swap3A_568 = tpu.vector_load %arg8[%swap3A_567] {strides = array<i32>} : memref<384xf32, #tpu.memory_space<vmem>>, vector<16xf32>,
      tpu.vector_store %arg8[%swap3A_567], %sub3A_468 {strides = array<i32>} : memref<384xf32, #tpu.memory_space<vmem>>, vector<16xf32>,
      %swap3A_569 = arith.constant 288 : index
      %swap3A_570 = tpu.vector_load %arg8[%swap3A_569] {strides = array<i32>} : memref<384xf32, #tpu.memory_space<vmem>>, vector<16xf32>,
      tpu.vector_store %arg8[%swap3A_569], %sub3A_470 {strides = array<i32>} : memref<384xf32, #tpu.memory_space<vmem>>, vector<16xf32>,
      %get3A_571 = arith.constant 0 : i32
      %get3A_572 = arith.index_cast %get3A_571 : i32 to index
      %get3A_573 = arith.constant 48 : index
      %get3A_574 = tpu.vector_load %arg6[%get3A_572, %get3A_573] {strides = array<i32>} : memref<6x128xf32, #tpu.memory_space<vmem>>, vector<16xf32>,
      %get3A_575 = arith.constant 1 : i32
      %get3A_576 = arith.index_cast %get3A_575 : i32 to index
      %get3A_577 = arith.constant 48 : index
      %get3A_578 = tpu.vector_load %arg6[%get3A_576, %get3A_577] {strides = array<i32>} : memref<6x128xf32, #tpu.memory_space<vmem>>, vector<16xf32>,
      %get3A_579 = arith.constant 2 : i32
      %get3A_580 = arith.index_cast %get3A_579 : i32 to index
      %get3A_581 = arith.constant 48 : index
      %get3A_582 = tpu.vector_load %arg6[%get3A_580, %get3A_581] {strides = array<i32>} : memref<6x128xf32, #tpu.memory_space<vmem>>, vector<16xf32>,
      %get3A_583 = arith.constant 3 : i32
      %get3A_584 = arith.index_cast %get3A_583 : i32 to index
      %get3A_585 = arith.constant 48 : index
      %get3A_586 = tpu.vector_load %arg6[%get3A_584, %get3A_585] {strides = array<i32>} : memref<6x128xf32, #tpu.memory_space<vmem>>, vector<16xf32>,
      %get3A_587 = arith.constant 4 : i32
      %get3A_588 = arith.index_cast %get3A_587 : i32 to index
      %get3A_589 = arith.constant 48 : index
      %get3A_590 = tpu.vector_load %arg6[%get3A_588, %get3A_589] {strides = array<i32>} : memref<6x128xf32, #tpu.memory_space<vmem>>, vector<16xf32>,
      %get3A_591 = arith.constant 5 : i32
      %get3A_592 = arith.index_cast %get3A_591 : i32 to index
      %get3A_593 = arith.constant 48 : index
      %get3A_594 = tpu.vector_load %arg6[%get3A_592, %get3A_593] {strides = array<i32>} : memref<6x128xf32, #tpu.memory_space<vmem>>, vector<16xf32>,
      %add3A_595 = arith.addf %get3A_586, %get3A_574 : vector<16xf32>
      %add3A_596 = arith.constant 1.000000e+00 : f32
      %add3A_597 = vector.broadcast %add3A_596 : f32 to vector<16xf32>
      %add3A_598 = arith.addf %add3A_595, %add3A_597 : vector<16xf32>
      %mul3A_599 = arith.constant 5.000000e-01 : f32
      %mul3A_600 = vector.broadcast %mul3A_599 : f32 to vector<16xf32>
      %mul3A_601 = arith.mulf %add3A_598, %mul3A_600 : vector<16xf32>
      %mul3A_602 = arith.constant 1.270000e+02 : f32
      %mul3A_603 = vector.broadcast %mul3A_602 : f32 to vector<16xf32>
      %mul3A_604 = arith.mulf %mul3A_601, %mul3A_603 : vector<16xf32>
      %add3A_605 = arith.addf %get3A_590, %get3A_578 : vector<16xf32>
      %add3A_606 = arith.constant 1.000000e+00 : f32
      %add3A_607 = vector.broadcast %add3A_606 : f32 to vector<16xf32>
      %add3A_608 = arith.addf %add3A_605, %add3A_607 : vector<16xf32>
      %mul3A_609 = arith.constant 5.000000e-01 : f32
      %mul3A_610 = vector.broadcast %mul3A_609 : f32 to vector<16xf32>
      %mul3A_611 = arith.mulf %add3A_608, %mul3A_610 : vector<16xf32>
      %mul3A_612 = arith.constant 1.270000e+02 : f32
      %mul3A_613 = vector.broadcast %mul3A_612 : f32 to vector<16xf32>
      %mul3A_614 = arith.mulf %mul3A_611, %mul3A_613 : vector<16xf32>
      %add3A_615 = arith.addf %get3A_594, %get3A_582 : vector<16xf32>
      %add3A_616 = arith.constant 1.000000e+00 : f32
      %add3A_617 = vector.broadcast %add3A_616 : f32 to vector<16xf32>
      %add3A_618 = arith.addf %add3A_615, %add3A_617 : vector<16xf32>
      %mul3A_619 = arith.constant 5.000000e-01 : f32
      %mul3A_620 = vector.broadcast %mul3A_619 : f32 to vector<16xf32>
      %mul3A_621 = arith.mulf %add3A_618, %mul3A_620 : vector<16xf32>
      %mul3A_622 = arith.constant 1.270000e+02 : f32
      %mul3A_623 = vector.broadcast %mul3A_622 : f32 to vector<16xf32>
      %mul3A_624 = arith.mulf %mul3A_621, %mul3A_623 : vector<16xf32>
      %jit3A_625 = arith.constant 0.000000e+00 : f32
      %jit3A_626 = arith.constant 1.270000e+02 : f32
      %max3A_627 = vector.broadcast %jit3A_625 : f32 to vector<16xf32>
      %max3A_628 = arith.maximumf %max3A_627, %mul3A_604 : vector<16xf32>
      %min3A_629 = vector.broadcast %jit3A_626 : f32 to vector<16xf32>
      %min3A_630 = arith.minimumf %min3A_629, %max3A_628 : vector<16xf32>
      %jit3A_631 = arith.constant 0.000000e+00 : f32
      %jit3A_632 = arith.constant 1.270000e+02 : f32
      %max3A_633 = vector.broadcast %jit3A_631 : f32 to vector<16xf32>
      %max3A_634 = arith.maximumf %max3A_633, %mul3A_614 : vector<16xf32>
      %min3A_635 = vector.broadcast %jit3A_632 : f32 to vector<16xf32>
      %min3A_636 = arith.minimumf %min3A_635, %max3A_634 : vector<16xf32>
      %jit3A_637 = arith.constant 0.000000e+00 : f32
      %jit3A_638 = arith.constant 1.270000e+02 : f32
      %max3A_639 = vector.broadcast %jit3A_637 : f32 to vector<16xf32>
      %max3A_640 = arith.maximumf %max3A_639, %mul3A_624 : vector<16xf32>
      %min3A_641 = vector.broadcast %jit3A_638 : f32 to vector<16xf32>
      %min3A_642 = arith.minimumf %min3A_641, %max3A_640 : vector<16xf32>
      %convert_element_type3A_643 = arith.fptosi %min3A_630 : vector<16xf32> to vector<16xi32>
      %convert_element_type3A_644 = arith.fptosi %min3A_636 : vector<16xf32> to vector<16xi32>
      %convert_element_type3A_645 = arith.fptosi %min3A_642 : vector<16xf32> to vector<16xi32>
      %convert_element_type3A_646 = arith.sitofp %convert_element_type3A_643 : vector<16xi32> to vector<16xf32>
      %sub3A_647 = arith.subf %min3A_630, %convert_element_type3A_646 : vector<16xf32>
      %convert_element_type3A_648 = arith.sitofp %convert_element_type3A_644 : vector<16xi32> to vector<16xf32>
      %sub3A_649 = arith.subf %min3A_636, %convert_element_type3A_648 : vector<16xf32>
      %convert_element_type3A_650 = arith.sitofp %convert_element_type3A_645 : vector<16xi32> to vector<16xf32>
      %sub3A_651 = arith.subf %min3A_642, %convert_element_type3A_650 : vector<16xf32>
      %add3A_652 = arith.constant 1 : i32
      %add3A_653 = vector.broadcast %add3A_652 : i32 to vector<16xi32>
      %add3A_654 = arith.addi %convert_element_type3A_643, %add3A_653 : vector<16xi32>
      %min3A_655 = arith.constant 127 : i32
      %min3A_656 = vector.broadcast %min3A_655 : i32 to vector<16xi32>
      %min3A_657 = arith.minsi %add3A_654, %min3A_656 : vector<16xi32>
      %add3A_658 = arith.constant 1 : i32
      %add3A_659 = vector.broadcast %add3A_658 : i32 to vector<16xi32>
      %add3A_660 = arith.addi %convert_element_type3A_644, %add3A_659 : vector<16xi32>
      %min3A_661 = arith.constant 127 : i32
      %min3A_662 = vector.broadcast %min3A_661 : i32 to vector<16xi32>
      %min3A_663 = arith.minsi %add3A_660, %min3A_662 : vector<16xi32>
      %add3A_664 = arith.constant 1 : i32
      %add3A_665 = vector.broadcast %add3A_664 : i32 to vector<16xi32>
      %add3A_666 = arith.addi %convert_element_type3A_645, %add3A_665 : vector<16xi32>
      %min3A_667 = arith.constant 127 : i32
      %min3A_668 = vector.broadcast %min3A_667 : i32 to vector<16xi32>
      %min3A_669 = arith.minsi %add3A_666, %min3A_668 : vector<16xi32>
      %shift_left3A_670 = arith.constant 7 : i32
      %shift_left3A_671 = vector.broadcast %shift_left3A_670 : i32 to vector<16xi32>
      %shift_left3A_672 = arith.shli %convert_element_type3A_645, %shift_left3A_671 : vector<16xi32>
      %add3A_673 = arith.addi %shift_left3A_672, %convert_element_type3A_644 : vector<16xi32>
      %shift_left3A_674 = arith.constant 7 : i32
      %shift_left3A_675 = vector.broadcast %shift_left3A_674 : i32 to vector<16xi32>
      %shift_left3A_676 = arith.shli %add3A_673, %shift_left3A_675 : vector<16xi32>
      %shift_left3A_677 = arith.constant 7 : i32
      %shift_left3A_678 = vector.broadcast %shift_left3A_677 : i32 to vector<16xi32>
      %shift_left3A_679 = arith.shli %convert_element_type3A_645, %shift_left3A_678 : vector<16xi32>
      %add3A_680 = arith.addi %shift_left3A_679, %min3A_663 : vector<16xi32>
      %shift_left3A_681 = arith.constant 7 : i32
      %shift_left3A_682 = vector.broadcast %shift_left3A_681 : i32 to vector<16xi32>
      %shift_left3A_683 = arith.shli %add3A_680, %shift_left3A_682 : vector<16xi32>
      %shift_left3A_684 = arith.constant 7 : i32
      %shift_left3A_685 = vector.broadcast %shift_left3A_684 : i32 to vector<16xi32>
      %shift_left3A_686 = arith.shli %min3A_669, %shift_left3A_685 : vector<16xi32>
      %add3A_687 = arith.addi %shift_left3A_686, %convert_element_type3A_644 : vector<16xi32>
      %shift_left3A_688 = arith.constant 7 : i32
      %shift_left3A_689 = vector.broadcast %shift_left3A_688 : i32 to vector<16xi32>
      %shift_left3A_690 = arith.shli %add3A_687, %shift_left3A_689 : vector<16xi32>
      %shift_left3A_691 = arith.constant 7 : i32
      %shift_left3A_692 = vector.broadcast %shift_left3A_691 : i32 to vector<16xi32>
      %shift_left3A_693 = arith.shli %min3A_669, %shift_left3A_692 : vector<16xi32>
      %add3A_694 = arith.addi %shift_left3A_693, %min3A_663 : vector<16xi32>
      %shift_left3A_695 = arith.constant 7 : i32
      %shift_left3A_696 = vector.broadcast %shift_left3A_695 : i32 to vector<16xi32>
      %shift_left3A_697 = arith.shli %add3A_694, %shift_left3A_696 : vector<16xi32>
      %add3A_698 = arith.addi %shift_left3A_676, %convert_element_type3A_643 : vector<16xi32>
      %add3A_699 = arith.addi %shift_left3A_676, %min3A_657 : vector<16xi32>
      %add3A_700 = arith.addi %shift_left3A_683, %convert_element_type3A_643 : vector<16xi32>
      %add3A_701 = arith.addi %shift_left3A_683, %min3A_657 : vector<16xi32>
      %add3A_702 = arith.addi %shift_left3A_690, %convert_element_type3A_643 : vector<16xi32>
      %add3A_703 = arith.addi %shift_left3A_690, %min3A_657 : vector<16xi32>
      %add3A_704 = arith.addi %shift_left3A_697, %convert_element_type3A_643 : vector<16xi32>
      %add3A_705 = arith.addi %shift_left3A_697, %min3A_657 : vector<16xi32>
      %min3A_706 = arith.constant 2031615 : i32
      %min3A_707 = vector.broadcast %min3A_706 : i32 to vector<16xi32>
      %min3A_708 = arith.minsi %add3A_698, %min3A_707 : vector<16xi32>
      %swap3A_709 = arith.constant 48 : index
      %swap3A_710 = tpu.vector_load %arg7[%swap3A_709] {strides = array<i32>} : memref<1024xi32, #tpu.memory_space<vmem>>, vector<16xi32>,
      tpu.vector_store %arg7[%swap3A_709], %min3A_708 {strides = array<i32>} : memref<1024xi32, #tpu.memory_space<vmem>>, vector<16xi32>,
      %min3A_711 = arith.constant 2031615 : i32
      %min3A_712 = vector.broadcast %min3A_711 : i32 to vector<16xi32>
      %min3A_713 = arith.minsi %add3A_699, %min3A_712 : vector<16xi32>
      %swap3A_714 = arith.constant 176 : index
      %swap3A_715 = tpu.vector_load %arg7[%swap3A_714] {strides = array<i32>} : memref<1024xi32, #tpu.memory_space<vmem>>, vector<16xi32>,
      tpu.vector_store %arg7[%swap3A_714], %min3A_713 {strides = array<i32>} : memref<1024xi32, #tpu.memory_space<vmem>>, vector<16xi32>,
      %min3A_716 = arith.constant 2031615 : i32
      %min3A_717 = vector.broadcast %min3A_716 : i32 to vector<16xi32>
      %min3A_718 = arith.minsi %add3A_700, %min3A_717 : vector<16xi32>
      %swap3A_719 = arith.constant 304 : index
      %swap3A_720 = tpu.vector_load %arg7[%swap3A_719] {strides = array<i32>} : memref<1024xi32, #tpu.memory_space<vmem>>, vector<16xi32>,
      tpu.vector_store %arg7[%swap3A_719], %min3A_718 {strides = array<i32>} : memref<1024xi32, #tpu.memory_space<vmem>>, vector<16xi32>,
      %min3A_721 = arith.constant 2031615 : i32
      %min3A_722 = vector.broadcast %min3A_721 : i32 to vector<16xi32>
      %min3A_723 = arith.minsi %add3A_701, %min3A_722 : vector<16xi32>
      %swap3A_724 = arith.constant 432 : index
      %swap3A_725 = tpu.vector_load %arg7[%swap3A_724] {strides = array<i32>} : memref<1024xi32, #tpu.memory_space<vmem>>, vector<16xi32>,
      tpu.vector_store %arg7[%swap3A_724], %min3A_723 {strides = array<i32>} : memref<1024xi32, #tpu.memory_space<vmem>>, vector<16xi32>,
      %min3A_726 = arith.constant 2031615 : i32
      %min3A_727 = vector.broadcast %min3A_726 : i32 to vector<16xi32>
      %min3A_728 = arith.minsi %add3A_702, %min3A_727 : vector<16xi32>
      %swap3A_729 = arith.constant 560 : index
      %swap3A_730 = tpu.vector_load %arg7[%swap3A_729] {strides = array<i32>} : memref<1024xi32, #tpu.memory_space<vmem>>, vector<16xi32>,
      tpu.vector_store %arg7[%swap3A_729], %min3A_728 {strides = array<i32>} : memref<1024xi32, #tpu.memory_space<vmem>>, vector<16xi32>,
      %min3A_731 = arith.constant 2031615 : i32
      %min3A_732 = vector.broadcast %min3A_731 : i32 to vector<16xi32>
      %min3A_733 = arith.minsi %add3A_703, %min3A_732 : vector<16xi32>
      %swap3A_734 = arith.constant 688 : index
      %swap3A_735 = tpu.vector_load %arg7[%swap3A_734] {strides = array<i32>} : memref<1024xi32, #tpu.memory_space<vmem>>, vector<16xi32>,
      tpu.vector_store %arg7[%swap3A_734], %min3A_733 {strides = array<i32>} : memref<1024xi32, #tpu.memory_space<vmem>>, vector<16xi32>,
      %min3A_736 = arith.constant 2031615 : i32
      %min3A_737 = vector.broadcast %min3A_736 : i32 to vector<16xi32>
      %min3A_738 = arith.minsi %add3A_704, %min3A_737 : vector<16xi32>
      %swap3A_739 = arith.constant 816 : index
      %swap3A_740 = tpu.vector_load %arg7[%swap3A_739] {strides = array<i32>} : memref<1024xi32, #tpu.memory_space<vmem>>, vector<16xi32>,
      tpu.vector_store %arg7[%swap3A_739], %min3A_738 {strides = array<i32>} : memref<1024xi32, #tpu.memory_space<vmem>>, vector<16xi32>,
      %min3A_741 = arith.constant 2031615 : i32
      %min3A_742 = vector.broadcast %min3A_741 : i32 to vector<16xi32>
      %min3A_743 = arith.minsi %add3A_705, %min3A_742 : vector<16xi32>
      %swap3A_744 = arith.constant 944 : index
      %swap3A_745 = tpu.vector_load %arg7[%swap3A_744] {strides = array<i32>} : memref<1024xi32, #tpu.memory_space<vmem>>, vector<16xi32>,
      tpu.vector_store %arg7[%swap3A_744], %min3A_743 {strides = array<i32>} : memref<1024xi32, #tpu.memory_space<vmem>>, vector<16xi32>,
      %swap3A_746 = arith.constant 48 : index
      %swap3A_747 = tpu.vector_load %arg8[%swap3A_746] {strides = array<i32>} : memref<384xf32, #tpu.memory_space<vmem>>, vector<16xf32>,
      tpu.vector_store %arg8[%swap3A_746], %sub3A_647 {strides = array<i32>} : memref<384xf32, #tpu.memory_space<vmem>>, vector<16xf32>,
      %swap3A_748 = arith.constant 176 : index
      %swap3A_749 = tpu.vector_load %arg8[%swap3A_748] {strides = array<i32>} : memref<384xf32, #tpu.memory_space<vmem>>, vector<16xf32>,
      tpu.vector_store %arg8[%swap3A_748], %sub3A_649 {strides = array<i32>} : memref<384xf32, #tpu.memory_space<vmem>>, vector<16xf32>,
      %swap3A_750 = arith.constant 304 : index
      %swap3A_751 = tpu.vector_load %arg8[%swap3A_750] {strides = array<i32>} : memref<384xf32, #tpu.memory_space<vmem>>, vector<16xf32>,
      tpu.vector_store %arg8[%swap3A_750], %sub3A_651 {strides = array<i32>} : memref<384xf32, #tpu.memory_space<vmem>>, vector<16xf32>,
      %get3A_752 = arith.constant 0 : i32
      %get3A_753 = arith.index_cast %get3A_752 : i32 to index
      %get3A_754 = arith.constant 64 : index
      %get3A_755 = tpu.vector_load %arg6[%get3A_753, %get3A_754] {strides = array<i32>} : memref<6x128xf32, #tpu.memory_space<vmem>>, vector<16xf32>,
      %get3A_756 = arith.constant 1 : i32
      %get3A_757 = arith.index_cast %get3A_756 : i32 to index
      %get3A_758 = arith.constant 64 : index
      %get3A_759 = tpu.vector_load %arg6[%get3A_757, %get3A_758] {strides = array<i32>} : memref<6x128xf32, #tpu.memory_space<vmem>>, vector<16xf32>,
      %get3A_760 = arith.constant 2 : i32
      %get3A_761 = arith.index_cast %get3A_760 : i32 to index
      %get3A_762 = arith.constant 64 : index
      %get3A_763 = tpu.vector_load %arg6[%get3A_761, %get3A_762] {strides = array<i32>} : memref<6x128xf32, #tpu.memory_space<vmem>>, vector<16xf32>,
      %get3A_764 = arith.constant 3 : i32
      %get3A_765 = arith.index_cast %get3A_764 : i32 to index
      %get3A_766 = arith.constant 64 : index
      %get3A_767 = tpu.vector_load %arg6[%get3A_765, %get3A_766] {strides = array<i32>} : memref<6x128xf32, #tpu.memory_space<vmem>>, vector<16xf32>,
      %get3A_768 = arith.constant 4 : i32
      %get3A_769 = arith.index_cast %get3A_768 : i32 to index
      %get3A_770 = arith.constant 64 : index
      %get3A_771 = tpu.vector_load %arg6[%get3A_769, %get3A_770] {strides = array<i32>} : memref<6x128xf32, #tpu.memory_space<vmem>>, vector<16xf32>,
      %get3A_772 = arith.constant 5 : i32
      %get3A_773 = arith.index_cast %get3A_772 : i32 to index
      %get3A_774 = arith.constant 64 : index
      %get3A_775 = tpu.vector_load %arg6[%get3A_773, %get3A_774] {strides = array<i32>} : memref<6x128xf32, #tpu.memory_space<vmem>>, vector<16xf32>,
      %add3A_776 = arith.addf %get3A_767, %get3A_755 : vector<16xf32>
      %add3A_777 = arith.constant 1.000000e+00 : f32
      %add3A_778 = vector.broadcast %add3A_777 : f32 to vector<16xf32>
      %add3A_779 = arith.addf %add3A_776, %add3A_778 : vector<16xf32>
      %mul3A_780 = arith.constant 5.000000e-01 : f32
      %mul3A_781 = vector.broadcast %mul3A_780 : f32 to vector<16xf32>
      %mul3A_782 = arith.mulf %add3A_779, %mul3A_781 : vector<16xf32>
      %mul3A_783 = arith.constant 1.270000e+02 : f32
      %mul3A_784 = vector.broadcast %mul3A_783 : f32 to vector<16xf32>
      %mul3A_785 = arith.mulf %mul3A_782, %mul3A_784 : vector<16xf32>
      %add3A_786 = arith.addf %get3A_771, %get3A_759 : vector<16xf32>
      %add3A_787 = arith.constant 1.000000e+00 : f32
      %add3A_788 = vector.broadcast %add3A_787 : f32 to vector<16xf32>
      %add3A_789 = arith.addf %add3A_786, %add3A_788 : vector<16xf32>
      %mul3A_790 = arith.constant 5.000000e-01 : f32
      %mul3A_791 = vector.broadcast %mul3A_790 : f32 to vector<16xf32>
      %mul3A_792 = arith.mulf %add3A_789, %mul3A_791 : vector<16xf32>
      %mul3A_793 = arith.constant 1.270000e+02 : f32
      %mul3A_794 = vector.broadcast %mul3A_793 : f32 to vector<16xf32>
      %mul3A_795 = arith.mulf %mul3A_792, %mul3A_794 : vector<16xf32>
      %add3A_796 = arith.addf %get3A_775, %get3A_763 : vector<16xf32>
      %add3A_797 = arith.constant 1.000000e+00 : f32
      %add3A_798 = vector.broadcast %add3A_797 : f32 to vector<16xf32>
      %add3A_799 = arith.addf %add3A_796, %add3A_798 : vector<16xf32>
      %mul3A_800 = arith.constant 5.000000e-01 : f32
      %mul3A_801 = vector.broadcast %mul3A_800 : f32 to vector<16xf32>
      %mul3A_802 = arith.mulf %add3A_799, %mul3A_801 : vector<16xf32>
      %mul3A_803 = arith.constant 1.270000e+02 : f32
      %mul3A_804 = vector.broadcast %mul3A_803 : f32 to vector<16xf32>
      %mul3A_805 = arith.mulf %mul3A_802, %mul3A_804 : vector<16xf32>
      %jit3A_806 = arith.constant 0.000000e+00 : f32
      %jit3A_807 = arith.constant 1.270000e+02 : f32
      %max3A_808 = vector.broadcast %jit3A_806 : f32 to vector<16xf32>
      %max3A_809 = arith.maximumf %max3A_808, %mul3A_785 : vector<16xf32>
      %min3A_810 = vector.broadcast %jit3A_807 : f32 to vector<16xf32>
      %min3A_811 = arith.minimumf %min3A_810, %max3A_809 : vector<16xf32>
      %jit3A_812 = arith.constant 0.000000e+00 : f32
      %jit3A_813 = arith.constant 1.270000e+02 : f32
      %max3A_814 = vector.broadcast %jit3A_812 : f32 to vector<16xf32>
      %max3A_815 = arith.maximumf %max3A_814, %mul3A_795 : vector<16xf32>
      %min3A_816 = vector.broadcast %jit3A_813 : f32 to vector<16xf32>
      %min3A_817 = arith.minimumf %min3A_816, %max3A_815 : vector<16xf32>
      %jit3A_818 = arith.constant 0.000000e+00 : f32
      %jit3A_819 = arith.constant 1.270000e+02 : f32
      %max3A_820 = vector.broadcast %jit3A_818 : f32 to vector<16xf32>
      %max3A_821 = arith.maximumf %max3A_820, %mul3A_805 : vector<16xf32>
      %min3A_822 = vector.broadcast %jit3A_819 : f32 to vector<16xf32>
      %min3A_823 = arith.minimumf %min3A_822, %max3A_821 : vector<16xf32>
      %convert_element_type3A_824 = arith.fptosi %min3A_811 : vector<16xf32> to vector<16xi32>
      %convert_element_type3A_825 = arith.fptosi %min3A_817 : vector<16xf32> to vector<16xi32>
      %convert_element_type3A_826 = arith.fptosi %min3A_823 : vector<16xf32> to vector<16xi32>
      %convert_element_type3A_827 = arith.sitofp %convert_element_type3A_824 : vector<16xi32> to vector<16xf32>
      %sub3A_828 = arith.subf %min3A_811, %convert_element_type3A_827 : vector<16xf32>
      %convert_element_type3A_829 = arith.sitofp %convert_element_type3A_825 : vector<16xi32> to vector<16xf32>
      %sub3A_830 = arith.subf %min3A_817, %convert_element_type3A_829 : vector<16xf32>
      %convert_element_type3A_831 = arith.sitofp %convert_element_type3A_826 : vector<16xi32> to vector<16xf32>
      %sub3A_832 = arith.subf %min3A_823, %convert_element_type3A_831 : vector<16xf32>
      %add3A_833 = arith.constant 1 : i32
      %add3A_834 = vector.broadcast %add3A_833 : i32 to vector<16xi32>
      %add3A_835 = arith.addi %convert_element_type3A_824, %add3A_834 : vector<16xi32>
      %min3A_836 = arith.constant 127 : i32
      %min3A_837 = vector.broadcast %min3A_836 : i32 to vector<16xi32>
      %min3A_838 = arith.minsi %add3A_835, %min3A_837 : vector<16xi32>
      %add3A_839 = arith.constant 1 : i32
      %add3A_840 = vector.broadcast %add3A_839 : i32 to vector<16xi32>
      %add3A_841 = arith.addi %convert_element_type3A_825, %add3A_840 : vector<16xi32>
      %min3A_842 = arith.constant 127 : i32
      %min3A_843 = vector.broadcast %min3A_842 : i32 to vector<16xi32>
      %min3A_844 = arith.minsi %add3A_841, %min3A_843 : vector<16xi32>
      %add3A_845 = arith.constant 1 : i32
      %add3A_846 = vector.broadcast %add3A_845 : i32 to vector<16xi32>
      %add3A_847 = arith.addi %convert_element_type3A_826, %add3A_846 : vector<16xi32>
      %min3A_848 = arith.constant 127 : i32
      %min3A_849 = vector.broadcast %min3A_848 : i32 to vector<16xi32>
      %min3A_850 = arith.minsi %add3A_847, %min3A_849 : vector<16xi32>
      %shift_left3A_851 = arith.constant 7 : i32
      %shift_left3A_852 = vector.broadcast %shift_left3A_851 : i32 to vector<16xi32>
      %shift_left3A_853 = arith.shli %convert_element_type3A_826, %shift_left3A_852 : vector<16xi32>
      %add3A_854 = arith.addi %shift_left3A_853, %convert_element_type3A_825 : vector<16xi32>
      %shift_left3A_855 = arith.constant 7 : i32
      %shift_left3A_856 = vector.broadcast %shift_left3A_855 : i32 to vector<16xi32>
      %shift_left3A_857 = arith.shli %add3A_854, %shift_left3A_856 : vector<16xi32>
      %shift_left3A_858 = arith.constant 7 : i32
      %shift_left3A_859 = vector.broadcast %shift_left3A_858 : i32 to vector<16xi32>
      %shift_left3A_860 = arith.shli %convert_element_type3A_826, %shift_left3A_859 : vector<16xi32>
      %add3A_861 = arith.addi %shift_left3A_860, %min3A_844 : vector<16xi32>
      %shift_left3A_862 = arith.constant 7 : i32
      %shift_left3A_863 = vector.broadcast %shift_left3A_862 : i32 to vector<16xi32>
      %shift_left3A_864 = arith.shli %add3A_861, %shift_left3A_863 : vector<16xi32>
      %shift_left3A_865 = arith.constant 7 : i32
      %shift_left3A_866 = vector.broadcast %shift_left3A_865 : i32 to vector<16xi32>
      %shift_left3A_867 = arith.shli %min3A_850, %shift_left3A_866 : vector<16xi32>
      %add3A_868 = arith.addi %shift_left3A_867, %convert_element_type3A_825 : vector<16xi32>
      %shift_left3A_869 = arith.constant 7 : i32
      %shift_left3A_870 = vector.broadcast %shift_left3A_869 : i32 to vector<16xi32>
      %shift_left3A_871 = arith.shli %add3A_868, %shift_left3A_870 : vector<16xi32>
      %shift_left3A_872 = arith.constant 7 : i32
      %shift_left3A_873 = vector.broadcast %shift_left3A_872 : i32 to vector<16xi32>
      %shift_left3A_874 = arith.shli %min3A_850, %shift_left3A_873 : vector<16xi32>
      %add3A_875 = arith.addi %shift_left3A_874, %min3A_844 : vector<16xi32>
      %shift_left3A_876 = arith.constant 7 : i32
      %shift_left3A_877 = vector.broadcast %shift_left3A_876 : i32 to vector<16xi32>
      %shift_left3A_878 = arith.shli %add3A_875, %shift_left3A_877 : vector<16xi32>
      %add3A_879 = arith.addi %shift_left3A_857, %convert_element_type3A_824 : vector<16xi32>
      %add3A_880 = arith.addi %shift_left3A_857, %min3A_838 : vector<16xi32>
      %add3A_881 = arith.addi %shift_left3A_864, %convert_element_type3A_824 : vector<16xi32>
      %add3A_882 = arith.addi %shift_left3A_864, %min3A_838 : vector<16xi32>
      %add3A_883 = arith.addi %shift_left3A_871, %convert_element_type3A_824 : vector<16xi32>
      %add3A_884 = arith.addi %shift_left3A_871, %min3A_838 : vector<16xi32>
      %add3A_885 = arith.addi %shift_left3A_878, %convert_element_type3A_824 : vector<16xi32>
      %add3A_886 = arith.addi %shift_left3A_878, %min3A_838 : vector<16xi32>
      %min3A_887 = arith.constant 2031615 : i32
      %min3A_888 = vector.broadcast %min3A_887 : i32 to vector<16xi32>
      %min3A_889 = arith.minsi %add3A_879, %min3A_888 : vector<16xi32>
      %swap3A_890 = arith.constant 64 : index
      %swap3A_891 = tpu.vector_load %arg7[%swap3A_890] {strides = array<i32>} : memref<1024xi32, #tpu.memory_space<vmem>>, vector<16xi32>,
      tpu.vector_store %arg7[%swap3A_890], %min3A_889 {strides = array<i32>} : memref<1024xi32, #tpu.memory_space<vmem>>, vector<16xi32>,
      %min3A_892 = arith.constant 2031615 : i32
      %min3A_893 = vector.broadcast %min3A_892 : i32 to vector<16xi32>
      %min3A_894 = arith.minsi %add3A_880, %min3A_893 : vector<16xi32>
      %swap3A_895 = arith.constant 192 : index
      %swap3A_896 = tpu.vector_load %arg7[%swap3A_895] {strides = array<i32>} : memref<1024xi32, #tpu.memory_space<vmem>>, vector<16xi32>,
      tpu.vector_store %arg7[%swap3A_895], %min3A_894 {strides = array<i32>} : memref<1024xi32, #tpu.memory_space<vmem>>, vector<16xi32>,
      %min3A_897 = arith.constant 2031615 : i32
      %min3A_898 = vector.broadcast %min3A_897 : i32 to vector<16xi32>
      %min3A_899 = arith.minsi %add3A_881, %min3A_898 : vector<16xi32>
      %swap3A_900 = arith.constant 320 : index
      %swap3A_901 = tpu.vector_load %arg7[%swap3A_900] {strides = array<i32>} : memref<1024xi32, #tpu.memory_space<vmem>>, vector<16xi32>,
      tpu.vector_store %arg7[%swap3A_900], %min3A_899 {strides = array<i32>} : memref<1024xi32, #tpu.memory_space<vmem>>, vector<16xi32>,
      %min3A_902 = arith.constant 2031615 : i32
      %min3A_903 = vector.broadcast %min3A_902 : i32 to vector<16xi32>
      %min3A_904 = arith.minsi %add3A_882, %min3A_903 : vector<16xi32>
      %swap3A_905 = arith.constant 448 : index
      %swap3A_906 = tpu.vector_load %arg7[%swap3A_905] {strides = array<i32>} : memref<1024xi32, #tpu.memory_space<vmem>>, vector<16xi32>,
      tpu.vector_store %arg7[%swap3A_905], %min3A_904 {strides = array<i32>} : memref<1024xi32, #tpu.memory_space<vmem>>, vector<16xi32>,
      %min3A_907 = arith.constant 2031615 : i32
      %min3A_908 = vector.broadcast %min3A_907 : i32 to vector<16xi32>
      %min3A_909 = arith.minsi %add3A_883, %min3A_908 : vector<16xi32>
      %swap3A_910 = arith.constant 576 : index
      %swap3A_911 = tpu.vector_load %arg7[%swap3A_910] {strides = array<i32>} : memref<1024xi32, #tpu.memory_space<vmem>>, vector<16xi32>,
      tpu.vector_store %arg7[%swap3A_910], %min3A_909 {strides = array<i32>} : memref<1024xi32, #tpu.memory_space<vmem>>, vector<16xi32>,
      %min3A_912 = arith.constant 2031615 : i32
      %min3A_913 = vector.broadcast %min3A_912 : i32 to vector<16xi32>
      %min3A_914 = arith.minsi %add3A_884, %min3A_913 : vector<16xi32>
      %swap3A_915 = arith.constant 704 : index
      %swap3A_916 = tpu.vector_load %arg7[%swap3A_915] {strides = array<i32>} : memref<1024xi32, #tpu.memory_space<vmem>>, vector<16xi32>,
      tpu.vector_store %arg7[%swap3A_915], %min3A_914 {strides = array<i32>} : memref<1024xi32, #tpu.memory_space<vmem>>, vector<16xi32>,
      %min3A_917 = arith.constant 2031615 : i32
      %min3A_918 = vector.broadcast %min3A_917 : i32 to vector<16xi32>
      %min3A_919 = arith.minsi %add3A_885, %min3A_918 : vector<16xi32>
      %swap3A_920 = arith.constant 832 : index
      %swap3A_921 = tpu.vector_load %arg7[%swap3A_920] {strides = array<i32>} : memref<1024xi32, #tpu.memory_space<vmem>>, vector<16xi32>,
      tpu.vector_store %arg7[%swap3A_920], %min3A_919 {strides = array<i32>} : memref<1024xi32, #tpu.memory_space<vmem>>, vector<16xi32>,
      %min3A_922 = arith.constant 2031615 : i32
      %min3A_923 = vector.broadcast %min3A_922 : i32 to vector<16xi32>
      %min3A_924 = arith.minsi %add3A_886, %min3A_923 : vector<16xi32>
      %swap3A_925 = arith.constant 960 : index
      %swap3A_926 = tpu.vector_load %arg7[%swap3A_925] {strides = array<i32>} : memref<1024xi32, #tpu.memory_space<vmem>>, vector<16xi32>,
      tpu.vector_store %arg7[%swap3A_925], %min3A_924 {strides = array<i32>} : memref<1024xi32, #tpu.memory_space<vmem>>, vector<16xi32>,
      %swap3A_927 = arith.constant 64 : index
      %swap3A_928 = tpu.vector_load %arg8[%swap3A_927] {strides = array<i32>} : memref<384xf32, #tpu.memory_space<vmem>>, vector<16xf32>,
      tpu.vector_store %arg8[%swap3A_927], %sub3A_828 {strides = array<i32>} : memref<384xf32, #tpu.memory_space<vmem>>, vector<16xf32>,
      %swap3A_929 = arith.constant 192 : index
      %swap3A_930 = tpu.vector_load %arg8[%swap3A_929] {strides = array<i32>} : memref<384xf32, #tpu.memory_space<vmem>>, vector<16xf32>,
      tpu.vector_store %arg8[%swap3A_929], %sub3A_830 {strides = array<i32>} : memref<384xf32, #tpu.memory_space<vmem>>, vector<16xf32>,
      %swap3A_931 = arith.constant 320 : index
      %swap3A_932 = tpu.vector_load %arg8[%swap3A_931] {strides = array<i32>} : memref<384xf32, #tpu.memory_space<vmem>>, vector<16xf32>,
      tpu.vector_store %arg8[%swap3A_931], %sub3A_832 {strides = array<i32>} : memref<384xf32, #tpu.memory_space<vmem>>, vector<16xf32>,
      %get3A_933 = arith.constant 0 : i32
      %get3A_934 = arith.index_cast %get3A_933 : i32 to index
      %get3A_935 = arith.constant 80 : index
      %get3A_936 = tpu.vector_load %arg6[%get3A_934, %get3A_935] {strides = array<i32>} : memref<6x128xf32, #tpu.memory_space<vmem>>, vector<16xf32>,
      %get3A_937 = arith.constant 1 : i32
      %get3A_938 = arith.index_cast %get3A_937 : i32 to index
      %get3A_939 = arith.constant 80 : index
      %get3A_940 = tpu.vector_load %arg6[%get3A_938, %get3A_939] {strides = array<i32>} : memref<6x128xf32, #tpu.memory_space<vmem>>, vector<16xf32>,
      %get3A_941 = arith.constant 2 : i32
      %get3A_942 = arith.index_cast %get3A_941 : i32 to index
      %get3A_943 = arith.constant 80 : index
      %get3A_944 = tpu.vector_load %arg6[%get3A_942, %get3A_943] {strides = array<i32>} : memref<6x128xf32, #tpu.memory_space<vmem>>, vector<16xf32>,
      %get3A_945 = arith.constant 3 : i32
      %get3A_946 = arith.index_cast %get3A_945 : i32 to index
      %get3A_947 = arith.constant 80 : index
      %get3A_948 = tpu.vector_load %arg6[%get3A_946, %get3A_947] {strides = array<i32>} : memref<6x128xf32, #tpu.memory_space<vmem>>, vector<16xf32>,
      %get3A_949 = arith.constant 4 : i32
      %get3A_950 = arith.index_cast %get3A_949 : i32 to index
      %get3A_951 = arith.constant 80 : index
      %get3A_952 = tpu.vector_load %arg6[%get3A_950, %get3A_951] {strides = array<i32>} : memref<6x128xf32, #tpu.memory_space<vmem>>, vector<16xf32>,
      %get3A_953 = arith.constant 5 : i32
      %get3A_954 = arith.index_cast %get3A_953 : i32 to index
      %get3A_955 = arith.constant 80 : index
      %get3A_956 = tpu.vector_load %arg6[%get3A_954, %get3A_955] {strides = array<i32>} : memref<6x128xf32, #tpu.memory_space<vmem>>, vector<16xf32>,
      %add3A_957 = arith.addf %get3A_948, %get3A_936 : vector<16xf32>
      %add3A_958 = arith.constant 1.000000e+00 : f32
      %add3A_959 = vector.broadcast %add3A_958 : f32 to vector<16xf32>
      %add3A_960 = arith.addf %add3A_957, %add3A_959 : vector<16xf32>
      %mul3A_961 = arith.constant 5.000000e-01 : f32
      %mul3A_962 = vector.broadcast %mul3A_961 : f32 to vector<16xf32>
      %mul3A_963 = arith.mulf %add3A_960, %mul3A_962 : vector<16xf32>
      %mul3A_964 = arith.constant 1.270000e+02 : f32
      %mul3A_965 = vector.broadcast %mul3A_964 : f32 to vector<16xf32>
      %mul3A_966 = arith.mulf %mul3A_963, %mul3A_965 : vector<16xf32>
      %add3A_967 = arith.addf %get3A_952, %get3A_940 : vector<16xf32>
      %add3A_968 = arith.constant 1.000000e+00 : f32
      %add3A_969 = vector.broadcast %add3A_968 : f32 to vector<16xf32>
      %add3A_970 = arith.addf %add3A_967, %add3A_969 : vector<16xf32>
      %mul3A_971 = arith.constant 5.000000e-01 : f32
      %mul3A_972 = vector.broadcast %mul3A_971 : f32 to vector<16xf32>
      %mul3A_973 = arith.mulf %add3A_970, %mul3A_972 : vector<16xf32>
      %mul3A_974 = arith.constant 1.270000e+02 : f32
      %mul3A_975 = vector.broadcast %mul3A_974 : f32 to vector<16xf32>
      %mul3A_976 = arith.mulf %mul3A_973, %mul3A_975 : vector<16xf32>
      %add3A_977 = arith.addf %get3A_956, %get3A_944 : vector<16xf32>
      %add3A_978 = arith.constant 1.000000e+00 : f32
      %add3A_979 = vector.broadcast %add3A_978 : f32 to vector<16xf32>
      %add3A_980 = arith.addf %add3A_977, %add3A_979 : vector<16xf32>
      %mul3A_981 = arith.constant 5.000000e-01 : f32
      %mul3A_982 = vector.broadcast %mul3A_981 : f32 to vector<16xf32>
      %mul3A_983 = arith.mulf %add3A_980, %mul3A_982 : vector<16xf32>
      %mul3A_984 = arith.constant 1.270000e+02 : f32
      %mul3A_985 = vector.broadcast %mul3A_984 : f32 to vector<16xf32>
      %mul3A_986 = arith.mulf %mul3A_983, %mul3A_985 : vector<16xf32>
      %jit3A_987 = arith.constant 0.000000e+00 : f32
      %jit3A_988 = arith.constant 1.270000e+02 : f32
      %max3A_989 = vector.broadcast %jit3A_987 : f32 to vector<16xf32>
      %max3A_990 = arith.maximumf %max3A_989, %mul3A_966 : vector<16xf32>
      %min3A_991 = vector.broadcast %jit3A_988 : f32 to vector<16xf32>
      %min3A_992 = arith.minimumf %min3A_991, %max3A_990 : vector<16xf32>
      %jit3A_993 = arith.constant 0.000000e+00 : f32
      %jit3A_994 = arith.constant 1.270000e+02 : f32
      %max3A_995 = vector.broadcast %jit3A_993 : f32 to vector<16xf32>
      %max3A_996 = arith.maximumf %max3A_995, %mul3A_976 : vector<16xf32>
      %min3A_997 = vector.broadcast %jit3A_994 : f32 to vector<16xf32>
      %min3A_998 = arith.minimumf %min3A_997, %max3A_996 : vector<16xf32>
      %jit3A_999 = arith.constant 0.000000e+00 : f32
      %jit3A_1000 = arith.constant 1.270000e+02 : f32
      %max3A_1001 = vector.broadcast %jit3A_999 : f32 to vector<16xf32>
      %max3A_1002 = arith.maximumf %max3A_1001, %mul3A_986 : vector<16xf32>
      %min3A_1003 = vector.broadcast %jit3A_1000 : f32 to vector<16xf32>
      %min3A_1004 = arith.minimumf %min3A_1003, %max3A_1002 : vector<16xf32>
      %convert_element_type3A_1005 = arith.fptosi %min3A_992 : vector<16xf32> to vector<16xi32>
      %convert_element_type3A_1006 = arith.fptosi %min3A_998 : vector<16xf32> to vector<16xi32>
      %convert_element_type3A_1007 = arith.fptosi %min3A_1004 : vector<16xf32> to vector<16xi32>
      %convert_element_type3A_1008 = arith.sitofp %convert_element_type3A_1005 : vector<16xi32> to vector<16xf32>
      %sub3A_1009 = arith.subf %min3A_992, %convert_element_type3A_1008 : vector<16xf32>
      %convert_element_type3A_1010 = arith.sitofp %convert_element_type3A_1006 : vector<16xi32> to vector<16xf32>
      %sub3A_1011 = arith.subf %min3A_998, %convert_element_type3A_1010 : vector<16xf32>
      %convert_element_type3A_1012 = arith.sitofp %convert_element_type3A_1007 : vector<16xi32> to vector<16xf32>
      %sub3A_1013 = arith.subf %min3A_1004, %convert_element_type3A_1012 : vector<16xf32>
      %add3A_1014 = arith.constant 1 : i32
      %add3A_1015 = vector.broadcast %add3A_1014 : i32 to vector<16xi32>
      %add3A_1016 = arith.addi %convert_element_type3A_1005, %add3A_1015 : vector<16xi32>
      %min3A_1017 = arith.constant 127 : i32
      %min3A_1018 = vector.broadcast %min3A_1017 : i32 to vector<16xi32>
      %min3A_1019 = arith.minsi %add3A_1016, %min3A_1018 : vector<16xi32>
      %add3A_1020 = arith.constant 1 : i32
      %add3A_1021 = vector.broadcast %add3A_1020 : i32 to vector<16xi32>
      %add3A_1022 = arith.addi %convert_element_type3A_1006, %add3A_1021 : vector<16xi32>
      %min3A_1023 = arith.constant 127 : i32
      %min3A_1024 = vector.broadcast %min3A_1023 : i32 to vector<16xi32>
      %min3A_1025 = arith.minsi %add3A_1022, %min3A_1024 : vector<16xi32>
      %add3A_1026 = arith.constant 1 : i32
      %add3A_1027 = vector.broadcast %add3A_1026 : i32 to vector<16xi32>
      %add3A_1028 = arith.addi %convert_element_type3A_1007, %add3A_1027 : vector<16xi32>
      %min3A_1029 = arith.constant 127 : i32
      %min3A_1030 = vector.broadcast %min3A_1029 : i32 to vector<16xi32>
      %min3A_1031 = arith.minsi %add3A_1028, %min3A_1030 : vector<16xi32>
      %shift_left3A_1032 = arith.constant 7 : i32
      %shift_left3A_1033 = vector.broadcast %shift_left3A_1032 : i32 to vector<16xi32>
      %shift_left3A_1034 = arith.shli %convert_element_type3A_1007, %shift_left3A_1033 : vector<16xi32>
      %add3A_1035 = arith.addi %shift_left3A_1034, %convert_element_type3A_1006 : vector<16xi32>
      %shift_left3A_1036 = arith.constant 7 : i32
      %shift_left3A_1037 = vector.broadcast %shift_left3A_1036 : i32 to vector<16xi32>
      %shift_left3A_1038 = arith.shli %add3A_1035, %shift_left3A_1037 : vector<16xi32>
      %shift_left3A_1039 = arith.constant 7 : i32
      %shift_left3A_1040 = vector.broadcast %shift_left3A_1039 : i32 to vector<16xi32>
      %shift_left3A_1041 = arith.shli %convert_element_type3A_1007, %shift_left3A_1040 : vector<16xi32>
      %add3A_1042 = arith.addi %shift_left3A_1041, %min3A_1025 : vector<16xi32>
      %shift_left3A_1043 = arith.constant 7 : i32
      %shift_left3A_1044 = vector.broadcast %shift_left3A_1043 : i32 to vector<16xi32>
      %shift_left3A_1045 = arith.shli %add3A_1042, %shift_left3A_1044 : vector<16xi32>
      %shift_left3A_1046 = arith.constant 7 : i32
      %shift_left3A_1047 = vector.broadcast %shift_left3A_1046 : i32 to vector<16xi32>
      %shift_left3A_1048 = arith.shli %min3A_1031, %shift_left3A_1047 : vector<16xi32>
      %add3A_1049 = arith.addi %shift_left3A_1048, %convert_element_type3A_1006 : vector<16xi32>
      %shift_left3A_1050 = arith.constant 7 : i32
      %shift_left3A_1051 = vector.broadcast %shift_left3A_1050 : i32 to vector<16xi32>
      %shift_left3A_1052 = arith.shli %add3A_1049, %shift_left3A_1051 : vector<16xi32>
      %shift_left3A_1053 = arith.constant 7 : i32
      %shift_left3A_1054 = vector.broadcast %shift_left3A_1053 : i32 to vector<16xi32>
      %shift_left3A_1055 = arith.shli %min3A_1031, %shift_left3A_1054 : vector<16xi32>
      %add3A_1056 = arith.addi %shift_left3A_1055, %min3A_1025 : vector<16xi32>
      %shift_left3A_1057 = arith.constant 7 : i32
      %shift_left3A_1058 = vector.broadcast %shift_left3A_1057 : i32 to vector<16xi32>
      %shift_left3A_1059 = arith.shli %add3A_1056, %shift_left3A_1058 : vector<16xi32>
      %add3A_1060 = arith.addi %shift_left3A_1038, %convert_element_type3A_1005 : vector<16xi32>
      %add3A_1061 = arith.addi %shift_left3A_1038, %min3A_1019 : vector<16xi32>
      %add3A_1062 = arith.addi %shift_left3A_1045, %convert_element_type3A_1005 : vector<16xi32>
      %add3A_1063 = arith.addi %shift_left3A_1045, %min3A_1019 : vector<16xi32>
      %add3A_1064 = arith.addi %shift_left3A_1052, %convert_element_type3A_1005 : vector<16xi32>
      %add3A_1065 = arith.addi %shift_left3A_1052, %min3A_1019 : vector<16xi32>
      %add3A_1066 = arith.addi %shift_left3A_1059, %convert_element_type3A_1005 : vector<16xi32>
      %add3A_1067 = arith.addi %shift_left3A_1059, %min3A_1019 : vector<16xi32>
      %min3A_1068 = arith.constant 2031615 : i32
      %min3A_1069 = vector.broadcast %min3A_1068 : i32 to vector<16xi32>
      %min3A_1070 = arith.minsi %add3A_1060, %min3A_1069 : vector<16xi32>
      %swap3A_1071 = arith.constant 80 : index
      %swap3A_1072 = tpu.vector_load %arg7[%swap3A_1071] {strides = array<i32>} : memref<1024xi32, #tpu.memory_space<vmem>>, vector<16xi32>,
      tpu.vector_store %arg7[%swap3A_1071], %min3A_1070 {strides = array<i32>} : memref<1024xi32, #tpu.memory_space<vmem>>, vector<16xi32>,
      %min3A_1073 = arith.constant 2031615 : i32
      %min3A_1074 = vector.broadcast %min3A_1073 : i32 to vector<16xi32>
      %min3A_1075 = arith.minsi %add3A_1061, %min3A_1074 : vector<16xi32>
      %swap3A_1076 = arith.constant 208 : index
      %swap3A_1077 = tpu.vector_load %arg7[%swap3A_1076] {strides = array<i32>} : memref<1024xi32, #tpu.memory_space<vmem>>, vector<16xi32>,
      tpu.vector_store %arg7[%swap3A_1076], %min3A_1075 {strides = array<i32>} : memref<1024xi32, #tpu.memory_space<vmem>>, vector<16xi32>,
      %min3A_1078 = arith.constant 2031615 : i32
      %min3A_1079 = vector.broadcast %min3A_1078 : i32 to vector<16xi32>
      %min3A_1080 = arith.minsi %add3A_1062, %min3A_1079 : vector<16xi32>
      %swap3A_1081 = arith.constant 336 : index
      %swap3A_1082 = tpu.vector_load %arg7[%swap3A_1081] {strides = array<i32>} : memref<1024xi32, #tpu.memory_space<vmem>>, vector<16xi32>,
      tpu.vector_store %arg7[%swap3A_1081], %min3A_1080 {strides = array<i32>} : memref<1024xi32, #tpu.memory_space<vmem>>, vector<16xi32>,
      %min3A_1083 = arith.constant 2031615 : i32
      %min3A_1084 = vector.broadcast %min3A_1083 : i32 to vector<16xi32>
      %min3A_1085 = arith.minsi %add3A_1063, %min3A_1084 : vector<16xi32>
      %swap3A_1086 = arith.constant 464 : index
      %swap3A_1087 = tpu.vector_load %arg7[%swap3A_1086] {strides = array<i32>} : memref<1024xi32, #tpu.memory_space<vmem>>, vector<16xi32>,
      tpu.vector_store %arg7[%swap3A_1086], %min3A_1085 {strides = array<i32>} : memref<1024xi32, #tpu.memory_space<vmem>>, vector<16xi32>,
      %min3A_1088 = arith.constant 2031615 : i32
      %min3A_1089 = vector.broadcast %min3A_1088 : i32 to vector<16xi32>
      %min3A_1090 = arith.minsi %add3A_1064, %min3A_1089 : vector<16xi32>
      %swap3A_1091 = arith.constant 592 : index
      %swap3A_1092 = tpu.vector_load %arg7[%swap3A_1091] {strides = array<i32>} : memref<1024xi32, #tpu.memory_space<vmem>>, vector<16xi32>,
      tpu.vector_store %arg7[%swap3A_1091], %min3A_1090 {strides = array<i32>} : memref<1024xi32, #tpu.memory_space<vmem>>, vector<16xi32>,
      %min3A_1093 = arith.constant 2031615 : i32
      %min3A_1094 = vector.broadcast %min3A_1093 : i32 to vector<16xi32>
      %min3A_1095 = arith.minsi %add3A_1065, %min3A_1094 : vector<16xi32>
      %swap3A_1096 = arith.constant 720 : index
      %swap3A_1097 = tpu.vector_load %arg7[%swap3A_1096] {strides = array<i32>} : memref<1024xi32, #tpu.memory_space<vmem>>, vector<16xi32>,
      tpu.vector_store %arg7[%swap3A_1096], %min3A_1095 {strides = array<i32>} : memref<1024xi32, #tpu.memory_space<vmem>>, vector<16xi32>,
      %min3A_1098 = arith.constant 2031615 : i32
      %min3A_1099 = vector.broadcast %min3A_1098 : i32 to vector<16xi32>
      %min3A_1100 = arith.minsi %add3A_1066, %min3A_1099 : vector<16xi32>
      %swap3A_1101 = arith.constant 848 : index
      %swap3A_1102 = tpu.vector_load %arg7[%swap3A_1101] {strides = array<i32>} : memref<1024xi32, #tpu.memory_space<vmem>>, vector<16xi32>,
      tpu.vector_store %arg7[%swap3A_1101], %min3A_1100 {strides = array<i32>} : memref<1024xi32, #tpu.memory_space<vmem>>, vector<16xi32>,
      %min3A_1103 = arith.constant 2031615 : i32
      %min3A_1104 = vector.broadcast %min3A_1103 : i32 to vector<16xi32>
      %min3A_1105 = arith.minsi %add3A_1067, %min3A_1104 : vector<16xi32>
      %swap3A_1106 = arith.constant 976 : index
      %swap3A_1107 = tpu.vector_load %arg7[%swap3A_1106] {strides = array<i32>} : memref<1024xi32, #tpu.memory_space<vmem>>, vector<16xi32>,
      tpu.vector_store %arg7[%swap3A_1106], %min3A_1105 {strides = array<i32>} : memref<1024xi32, #tpu.memory_space<vmem>>, vector<16xi32>,
      %swap3A_1108 = arith.constant 80 : index
      %swap3A_1109 = tpu.vector_load %arg8[%swap3A_1108] {strides = array<i32>} : memref<384xf32, #tpu.memory_space<vmem>>, vector<16xf32>,
      tpu.vector_store %arg8[%swap3A_1108], %sub3A_1009 {strides = array<i32>} : memref<384xf32, #tpu.memory_space<vmem>>, vector<16xf32>,
      %swap3A_1110 = arith.constant 208 : index
      %swap3A_1111 = tpu.vector_load %arg8[%swap3A_1110] {strides = array<i32>} : memref<384xf32, #tpu.memory_space<vmem>>, vector<16xf32>,
      tpu.vector_store %arg8[%swap3A_1110], %sub3A_1011 {strides = array<i32>} : memref<384xf32, #tpu.memory_space<vmem>>, vector<16xf32>,
      %swap3A_1112 = arith.constant 336 : index
      %swap3A_1113 = tpu.vector_load %arg8[%swap3A_1112] {strides = array<i32>} : memref<384xf32, #tpu.memory_space<vmem>>, vector<16xf32>,
      tpu.vector_store %arg8[%swap3A_1112], %sub3A_1013 {strides = array<i32>} : memref<384xf32, #tpu.memory_space<vmem>>, vector<16xf32>,
      %get3A_1114 = arith.constant 0 : i32
      %get3A_1115 = arith.index_cast %get3A_1114 : i32 to index
      %get3A_1116 = arith.constant 96 : index
      %get3A_1117 = tpu.vector_load %arg6[%get3A_1115, %get3A_1116] {strides = array<i32>} : memref<6x128xf32, #tpu.memory_space<vmem>>, vector<16xf32>,
      %get3A_1118 = arith.constant 1 : i32
      %get3A_1119 = arith.index_cast %get3A_1118 : i32 to index
      %get3A_1120 = arith.constant 96 : index
      %get3A_1121 = tpu.vector_load %arg6[%get3A_1119, %get3A_1120] {strides = array<i32>} : memref<6x128xf32, #tpu.memory_space<vmem>>, vector<16xf32>,
      %get3A_1122 = arith.constant 2 : i32
      %get3A_1123 = arith.index_cast %get3A_1122 : i32 to index
      %get3A_1124 = arith.constant 96 : index
      %get3A_1125 = tpu.vector_load %arg6[%get3A_1123, %get3A_1124] {strides = array<i32>} : memref<6x128xf32, #tpu.memory_space<vmem>>, vector<16xf32>,
      %get3A_1126 = arith.constant 3 : i32
      %get3A_1127 = arith.index_cast %get3A_1126 : i32 to index
      %get3A_1128 = arith.constant 96 : index
      %get3A_1129 = tpu.vector_load %arg6[%get3A_1127, %get3A_1128] {strides = array<i32>} : memref<6x128xf32, #tpu.memory_space<vmem>>, vector<16xf32>,
      %get3A_1130 = arith.constant 4 : i32
      %get3A_1131 = arith.index_cast %get3A_1130 : i32 to index
      %get3A_1132 = arith.constant 96 : index
      %get3A_1133 = tpu.vector_load %arg6[%get3A_1131, %get3A_1132] {strides = array<i32>} : memref<6x128xf32, #tpu.memory_space<vmem>>, vector<16xf32>,
      %get3A_1134 = arith.constant 5 : i32
      %get3A_1135 = arith.index_cast %get3A_1134 : i32 to index
      %get3A_1136 = arith.constant 96 : index
      %get3A_1137 = tpu.vector_load %arg6[%get3A_1135, %get3A_1136] {strides = array<i32>} : memref<6x128xf32, #tpu.memory_space<vmem>>, vector<16xf32>,
      %add3A_1138 = arith.addf %get3A_1129, %get3A_1117 : vector<16xf32>
      %add3A_1139 = arith.constant 1.000000e+00 : f32
      %add3A_1140 = vector.broadcast %add3A_1139 : f32 to vector<16xf32>
      %add3A_1141 = arith.addf %add3A_1138, %add3A_1140 : vector<16xf32>
      %mul3A_1142 = arith.constant 5.000000e-01 : f32
      %mul3A_1143 = vector.broadcast %mul3A_1142 : f32 to vector<16xf32>
      %mul3A_1144 = arith.mulf %add3A_1141, %mul3A_1143 : vector<16xf32>
      %mul3A_1145 = arith.constant 1.270000e+02 : f32
      %mul3A_1146 = vector.broadcast %mul3A_1145 : f32 to vector<16xf32>
      %mul3A_1147 = arith.mulf %mul3A_1144, %mul3A_1146 : vector<16xf32>
      %add3A_1148 = arith.addf %get3A_1133, %get3A_1121 : vector<16xf32>
      %add3A_1149 = arith.constant 1.000000e+00 : f32
      %add3A_1150 = vector.broadcast %add3A_1149 : f32 to vector<16xf32>
      %add3A_1151 = arith.addf %add3A_1148, %add3A_1150 : vector<16xf32>
      %mul3A_1152 = arith.constant 5.000000e-01 : f32
      %mul3A_1153 = vector.broadcast %mul3A_1152 : f32 to vector<16xf32>
      %mul3A_1154 = arith.mulf %add3A_1151, %mul3A_1153 : vector<16xf32>
      %mul3A_1155 = arith.constant 1.270000e+02 : f32
      %mul3A_1156 = vector.broadcast %mul3A_1155 : f32 to vector<16xf32>
      %mul3A_1157 = arith.mulf %mul3A_1154, %mul3A_1156 : vector<16xf32>
      %add3A_1158 = arith.addf %get3A_1137, %get3A_1125 : vector<16xf32>
      %add3A_1159 = arith.constant 1.000000e+00 : f32
      %add3A_1160 = vector.broadcast %add3A_1159 : f32 to vector<16xf32>
      %add3A_1161 = arith.addf %add3A_1158, %add3A_1160 : vector<16xf32>
      %mul3A_1162 = arith.constant 5.000000e-01 : f32
      %mul3A_1163 = vector.broadcast %mul3A_1162 : f32 to vector<16xf32>
      %mul3A_1164 = arith.mulf %add3A_1161, %mul3A_1163 : vector<16xf32>
      %mul3A_1165 = arith.constant 1.270000e+02 : f32
      %mul3A_1166 = vector.broadcast %mul3A_1165 : f32 to vector<16xf32>
      %mul3A_1167 = arith.mulf %mul3A_1164, %mul3A_1166 : vector<16xf32>
      %jit3A_1168 = arith.constant 0.000000e+00 : f32
      %jit3A_1169 = arith.constant 1.270000e+02 : f32
      %max3A_1170 = vector.broadcast %jit3A_1168 : f32 to vector<16xf32>
      %max3A_1171 = arith.maximumf %max3A_1170, %mul3A_1147 : vector<16xf32>
      %min3A_1172 = vector.broadcast %jit3A_1169 : f32 to vector<16xf32>
      %min3A_1173 = arith.minimumf %min3A_1172, %max3A_1171 : vector<16xf32>
      %jit3A_1174 = arith.constant 0.000000e+00 : f32
      %jit3A_1175 = arith.constant 1.270000e+02 : f32
      %max3A_1176 = vector.broadcast %jit3A_1174 : f32 to vector<16xf32>
      %max3A_1177 = arith.maximumf %max3A_1176, %mul3A_1157 : vector<16xf32>
      %min3A_1178 = vector.broadcast %jit3A_1175 : f32 to vector<16xf32>
      %min3A_1179 = arith.minimumf %min3A_1178, %max3A_1177 : vector<16xf32>
      %jit3A_1180 = arith.constant 0.000000e+00 : f32
      %jit3A_1181 = arith.constant 1.270000e+02 : f32
      %max3A_1182 = vector.broadcast %jit3A_1180 : f32 to vector<16xf32>
      %max3A_1183 = arith.maximumf %max3A_1182, %mul3A_1167 : vector<16xf32>
      %min3A_1184 = vector.broadcast %jit3A_1181 : f32 to vector<16xf32>
      %min3A_1185 = arith.minimumf %min3A_1184, %max3A_1183 : vector<16xf32>
      %convert_element_type3A_1186 = arith.fptosi %min3A_1173 : vector<16xf32> to vector<16xi32>
      %convert_element_type3A_1187 = arith.fptosi %min3A_1179 : vector<16xf32> to vector<16xi32>
      %convert_element_type3A_1188 = arith.fptosi %min3A_1185 : vector<16xf32> to vector<16xi32>
      %convert_element_type3A_1189 = arith.sitofp %convert_element_type3A_1186 : vector<16xi32> to vector<16xf32>
      %sub3A_1190 = arith.subf %min3A_1173, %convert_element_type3A_1189 : vector<16xf32>
      %convert_element_type3A_1191 = arith.sitofp %convert_element_type3A_1187 : vector<16xi32> to vector<16xf32>
      %sub3A_1192 = arith.subf %min3A_1179, %convert_element_type3A_1191 : vector<16xf32>
      %convert_element_type3A_1193 = arith.sitofp %convert_element_type3A_1188 : vector<16xi32> to vector<16xf32>
      %sub3A_1194 = arith.subf %min3A_1185, %convert_element_type3A_1193 : vector<16xf32>
      %add3A_1195 = arith.constant 1 : i32
      %add3A_1196 = vector.broadcast %add3A_1195 : i32 to vector<16xi32>
      %add3A_1197 = arith.addi %convert_element_type3A_1186, %add3A_1196 : vector<16xi32>
      %min3A_1198 = arith.constant 127 : i32
      %min3A_1199 = vector.broadcast %min3A_1198 : i32 to vector<16xi32>
      %min3A_1200 = arith.minsi %add3A_1197, %min3A_1199 : vector<16xi32>
      %add3A_1201 = arith.constant 1 : i32
      %add3A_1202 = vector.broadcast %add3A_1201 : i32 to vector<16xi32>
      %add3A_1203 = arith.addi %convert_element_type3A_1187, %add3A_1202 : vector<16xi32>
      %min3A_1204 = arith.constant 127 : i32
      %min3A_1205 = vector.broadcast %min3A_1204 : i32 to vector<16xi32>
      %min3A_1206 = arith.minsi %add3A_1203, %min3A_1205 : vector<16xi32>
      %add3A_1207 = arith.constant 1 : i32
      %add3A_1208 = vector.broadcast %add3A_1207 : i32 to vector<16xi32>
      %add3A_1209 = arith.addi %convert_element_type3A_1188, %add3A_1208 : vector<16xi32>
      %min3A_1210 = arith.constant 127 : i32
      %min3A_1211 = vector.broadcast %min3A_1210 : i32 to vector<16xi32>
      %min3A_1212 = arith.minsi %add3A_1209, %min3A_1211 : vector<16xi32>
      %shift_left3A_1213 = arith.constant 7 : i32
      %shift_left3A_1214 = vector.broadcast %shift_left3A_1213 : i32 to vector<16xi32>
      %shift_left3A_1215 = arith.shli %convert_element_type3A_1188, %shift_left3A_1214 : vector<16xi32>
      %add3A_1216 = arith.addi %shift_left3A_1215, %convert_element_type3A_1187 : vector<16xi32>
      %shift_left3A_1217 = arith.constant 7 : i32
      %shift_left3A_1218 = vector.broadcast %shift_left3A_1217 : i32 to vector<16xi32>
      %shift_left3A_1219 = arith.shli %add3A_1216, %shift_left3A_1218 : vector<16xi32>
      %shift_left3A_1220 = arith.constant 7 : i32
      %shift_left3A_1221 = vector.broadcast %shift_left3A_1220 : i32 to vector<16xi32>
      %shift_left3A_1222 = arith.shli %convert_element_type3A_1188, %shift_left3A_1221 : vector<16xi32>
      %add3A_1223 = arith.addi %shift_left3A_1222, %min3A_1206 : vector<16xi32>
      %shift_left3A_1224 = arith.constant 7 : i32
      %shift_left3A_1225 = vector.broadcast %shift_left3A_1224 : i32 to vector<16xi32>
      %shift_left3A_1226 = arith.shli %add3A_1223, %shift_left3A_1225 : vector<16xi32>
      %shift_left3A_1227 = arith.constant 7 : i32
      %shift_left3A_1228 = vector.broadcast %shift_left3A_1227 : i32 to vector<16xi32>
      %shift_left3A_1229 = arith.shli %min3A_1212, %shift_left3A_1228 : vector<16xi32>
      %add3A_1230 = arith.addi %shift_left3A_1229, %convert_element_type3A_1187 : vector<16xi32>
      %shift_left3A_1231 = arith.constant 7 : i32
      %shift_left3A_1232 = vector.broadcast %shift_left3A_1231 : i32 to vector<16xi32>
      %shift_left3A_1233 = arith.shli %add3A_1230, %shift_left3A_1232 : vector<16xi32>
      %shift_left3A_1234 = arith.constant 7 : i32
      %shift_left3A_1235 = vector.broadcast %shift_left3A_1234 : i32 to vector<16xi32>
      %shift_left3A_1236 = arith.shli %min3A_1212, %shift_left3A_1235 : vector<16xi32>
      %add3A_1237 = arith.addi %shift_left3A_1236, %min3A_1206 : vector<16xi32>
      %shift_left3A_1238 = arith.constant 7 : i32
      %shift_left3A_1239 = vector.broadcast %shift_left3A_1238 : i32 to vector<16xi32>
      %shift_left3A_1240 = arith.shli %add3A_1237, %shift_left3A_1239 : vector<16xi32>
      %add3A_1241 = arith.addi %shift_left3A_1219, %convert_element_type3A_1186 : vector<16xi32>
      %add3A_1242 = arith.addi %shift_left3A_1219, %min3A_1200 : vector<16xi32>
      %add3A_1243 = arith.addi %shift_left3A_1226, %convert_element_type3A_1186 : vector<16xi32>
      %add3A_1244 = arith.addi %shift_left3A_1226, %min3A_1200 : vector<16xi32>
      %add3A_1245 = arith.addi %shift_left3A_1233, %convert_element_type3A_1186 : vector<16xi32>
      %add3A_1246 = arith.addi %shift_left3A_1233, %min3A_1200 : vector<16xi32>
      %add3A_1247 = arith.addi %shift_left3A_1240, %convert_element_type3A_1186 : vector<16xi32>
      %add3A_1248 = arith.addi %shift_left3A_1240, %min3A_1200 : vector<16xi32>
      %min3A_1249 = arith.constant 2031615 : i32
      %min3A_1250 = vector.broadcast %min3A_1249 : i32 to vector<16xi32>
      %min3A_1251 = arith.minsi %add3A_1241, %min3A_1250 : vector<16xi32>
      %swap3A_1252 = arith.constant 96 : index
      %swap3A_1253 = tpu.vector_load %arg7[%swap3A_1252] {strides = array<i32>} : memref<1024xi32, #tpu.memory_space<vmem>>, vector<16xi32>,
      tpu.vector_store %arg7[%swap3A_1252], %min3A_1251 {strides = array<i32>} : memref<1024xi32, #tpu.memory_space<vmem>>, vector<16xi32>,
      %min3A_1254 = arith.constant 2031615 : i32
      %min3A_1255 = vector.broadcast %min3A_1254 : i32 to vector<16xi32>
      %min3A_1256 = arith.minsi %add3A_1242, %min3A_1255 : vector<16xi32>
      %swap3A_1257 = arith.constant 224 : index
      %swap3A_1258 = tpu.vector_load %arg7[%swap3A_1257] {strides = array<i32>} : memref<1024xi32, #tpu.memory_space<vmem>>, vector<16xi32>,
      tpu.vector_store %arg7[%swap3A_1257], %min3A_1256 {strides = array<i32>} : memref<1024xi32, #tpu.memory_space<vmem>>, vector<16xi32>,
      %min3A_1259 = arith.constant 2031615 : i32
      %min3A_1260 = vector.broadcast %min3A_1259 : i32 to vector<16xi32>
      %min3A_1261 = arith.minsi %add3A_1243, %min3A_1260 : vector<16xi32>
      %swap3A_1262 = arith.constant 352 : index
      %swap3A_1263 = tpu.vector_load %arg7[%swap3A_1262] {strides = array<i32>} : memref<1024xi32, #tpu.memory_space<vmem>>, vector<16xi32>,
      tpu.vector_store %arg7[%swap3A_1262], %min3A_1261 {strides = array<i32>} : memref<1024xi32, #tpu.memory_space<vmem>>, vector<16xi32>,
      %min3A_1264 = arith.constant 2031615 : i32
      %min3A_1265 = vector.broadcast %min3A_1264 : i32 to vector<16xi32>
      %min3A_1266 = arith.minsi %add3A_1244, %min3A_1265 : vector<16xi32>
      %swap3A_1267 = arith.constant 480 : index
      %swap3A_1268 = tpu.vector_load %arg7[%swap3A_1267] {strides = array<i32>} : memref<1024xi32, #tpu.memory_space<vmem>>, vector<16xi32>,
      tpu.vector_store %arg7[%swap3A_1267], %min3A_1266 {strides = array<i32>} : memref<1024xi32, #tpu.memory_space<vmem>>, vector<16xi32>,
      %min3A_1269 = arith.constant 2031615 : i32
      %min3A_1270 = vector.broadcast %min3A_1269 : i32 to vector<16xi32>
      %min3A_1271 = arith.minsi %add3A_1245, %min3A_1270 : vector<16xi32>
      %swap3A_1272 = arith.constant 608 : index
      %swap3A_1273 = tpu.vector_load %arg7[%swap3A_1272] {strides = array<i32>} : memref<1024xi32, #tpu.memory_space<vmem>>, vector<16xi32>,
      tpu.vector_store %arg7[%swap3A_1272], %min3A_1271 {strides = array<i32>} : memref<1024xi32, #tpu.memory_space<vmem>>, vector<16xi32>,
      %min3A_1274 = arith.constant 2031615 : i32
      %min3A_1275 = vector.broadcast %min3A_1274 : i32 to vector<16xi32>
      %min3A_1276 = arith.minsi %add3A_1246, %min3A_1275 : vector<16xi32>
      %swap3A_1277 = arith.constant 736 : index
      %swap3A_1278 = tpu.vector_load %arg7[%swap3A_1277] {strides = array<i32>} : memref<1024xi32, #tpu.memory_space<vmem>>, vector<16xi32>,
      tpu.vector_store %arg7[%swap3A_1277], %min3A_1276 {strides = array<i32>} : memref<1024xi32, #tpu.memory_space<vmem>>, vector<16xi32>,
      %min3A_1279 = arith.constant 2031615 : i32
      %min3A_1280 = vector.broadcast %min3A_1279 : i32 to vector<16xi32>
      %min3A_1281 = arith.minsi %add3A_1247, %min3A_1280 : vector<16xi32>
      %swap3A_1282 = arith.constant 864 : index
      %swap3A_1283 = tpu.vector_load %arg7[%swap3A_1282] {strides = array<i32>} : memref<1024xi32, #tpu.memory_space<vmem>>, vector<16xi32>,
      tpu.vector_store %arg7[%swap3A_1282], %min3A_1281 {strides = array<i32>} : memref<1024xi32, #tpu.memory_space<vmem>>, vector<16xi32>,
      %min3A_1284 = arith.constant 2031615 : i32
      %min3A_1285 = vector.broadcast %min3A_1284 : i32 to vector<16xi32>
      %min3A_1286 = arith.minsi %add3A_1248, %min3A_1285 : vector<16xi32>
      %swap3A_1287 = arith.constant 992 : index
      %swap3A_1288 = tpu.vector_load %arg7[%swap3A_1287] {strides = array<i32>} : memref<1024xi32, #tpu.memory_space<vmem>>, vector<16xi32>,
      tpu.vector_store %arg7[%swap3A_1287], %min3A_1286 {strides = array<i32>} : memref<1024xi32, #tpu.memory_space<vmem>>, vector<16xi32>,
      %swap3A_1289 = arith.constant 96 : index
      %swap3A_1290 = tpu.vector_load %arg8[%swap3A_1289] {strides = array<i32>} : memref<384xf32, #tpu.memory_space<vmem>>, vector<16xf32>,
      tpu.vector_store %arg8[%swap3A_1289], %sub3A_1190 {strides = array<i32>} : memref<384xf32, #tpu.memory_space<vmem>>, vector<16xf32>,
      %swap3A_1291 = arith.constant 224 : index
      %swap3A_1292 = tpu.vector_load %arg8[%swap3A_1291] {strides = array<i32>} : memref<384xf32, #tpu.memory_space<vmem>>, vector<16xf32>,
      tpu.vector_store %arg8[%swap3A_1291], %sub3A_1192 {strides = array<i32>} : memref<384xf32, #tpu.memory_space<vmem>>, vector<16xf32>,
      %swap3A_1293 = arith.constant 352 : index
      %swap3A_1294 = tpu.vector_load %arg8[%swap3A_1293] {strides = array<i32>} : memref<384xf32, #tpu.memory_space<vmem>>, vector<16xf32>,
      tpu.vector_store %arg8[%swap3A_1293], %sub3A_1194 {strides = array<i32>} : memref<384xf32, #tpu.memory_space<vmem>>, vector<16xf32>,
      %get3A_1295 = arith.constant 0 : i32
      %get3A_1296 = arith.index_cast %get3A_1295 : i32 to index
      %get3A_1297 = arith.constant 112 : index
      %get3A_1298 = tpu.vector_load %arg6[%get3A_1296, %get3A_1297] {strides = array<i32>} : memref<6x128xf32, #tpu.memory_space<vmem>>, vector<16xf32>,
      %get3A_1299 = arith.constant 1 : i32
      %get3A_1300 = arith.index_cast %get3A_1299 : i32 to index
      %get3A_1301 = arith.constant 112 : index
      %get3A_1302 = tpu.vector_load %arg6[%get3A_1300, %get3A_1301] {strides = array<i32>} : memref<6x128xf32, #tpu.memory_space<vmem>>, vector<16xf32>,
      %get3A_1303 = arith.constant 2 : i32
      %get3A_1304 = arith.index_cast %get3A_1303 : i32 to index
      %get3A_1305 = arith.constant 112 : index
      %get3A_1306 = tpu.vector_load %arg6[%get3A_1304, %get3A_1305] {strides = array<i32>} : memref<6x128xf32, #tpu.memory_space<vmem>>, vector<16xf32>,
      %get3A_1307 = arith.constant 3 : i32
      %get3A_1308 = arith.index_cast %get3A_1307 : i32 to index
      %get3A_1309 = arith.constant 112 : index
      %get3A_1310 = tpu.vector_load %arg6[%get3A_1308, %get3A_1309] {strides = array<i32>} : memref<6x128xf32, #tpu.memory_space<vmem>>, vector<16xf32>,
      %get3A_1311 = arith.constant 4 : i32
      %get3A_1312 = arith.index_cast %get3A_1311 : i32 to index
      %get3A_1313 = arith.constant 112 : index
      %get3A_1314 = tpu.vector_load %arg6[%get3A_1312, %get3A_1313] {strides = array<i32>} : memref<6x128xf32, #tpu.memory_space<vmem>>, vector<16xf32>,
      %get3A_1315 = arith.constant 5 : i32
      %get3A_1316 = arith.index_cast %get3A_1315 : i32 to index
      %get3A_1317 = arith.constant 112 : index
      %get3A_1318 = tpu.vector_load %arg6[%get3A_1316, %get3A_1317] {strides = array<i32>} : memref<6x128xf32, #tpu.memory_space<vmem>>, vector<16xf32>,
      %add3A_1319 = arith.addf %get3A_1310, %get3A_1298 : vector<16xf32>
      %add3A_1320 = arith.constant 1.000000e+00 : f32
      %add3A_1321 = vector.broadcast %add3A_1320 : f32 to vector<16xf32>
      %add3A_1322 = arith.addf %add3A_1319, %add3A_1321 : vector<16xf32>
      %mul3A_1323 = arith.constant 5.000000e-01 : f32
      %mul3A_1324 = vector.broadcast %mul3A_1323 : f32 to vector<16xf32>
      %mul3A_1325 = arith.mulf %add3A_1322, %mul3A_1324 : vector<16xf32>
      %mul3A_1326 = arith.constant 1.270000e+02 : f32
      %mul3A_1327 = vector.broadcast %mul3A_1326 : f32 to vector<16xf32>
      %mul3A_1328 = arith.mulf %mul3A_1325, %mul3A_1327 : vector<16xf32>
      %add3A_1329 = arith.addf %get3A_1314, %get3A_1302 : vector<16xf32>
      %add3A_1330 = arith.constant 1.000000e+00 : f32
      %add3A_1331 = vector.broadcast %add3A_1330 : f32 to vector<16xf32>
      %add3A_1332 = arith.addf %add3A_1329, %add3A_1331 : vector<16xf32>
      %mul3A_1333 = arith.constant 5.000000e-01 : f32
      %mul3A_1334 = vector.broadcast %mul3A_1333 : f32 to vector<16xf32>
      %mul3A_1335 = arith.mulf %add3A_1332, %mul3A_1334 : vector<16xf32>
      %mul3A_1336 = arith.constant 1.270000e+02 : f32
      %mul3A_1337 = vector.broadcast %mul3A_1336 : f32 to vector<16xf32>
      %mul3A_1338 = arith.mulf %mul3A_1335, %mul3A_1337 : vector<16xf32>
      %add3A_1339 = arith.addf %get3A_1318, %get3A_1306 : vector<16xf32>
      %add3A_1340 = arith.constant 1.000000e+00 : f32
      %add3A_1341 = vector.broadcast %add3A_1340 : f32 to vector<16xf32>
      %add3A_1342 = arith.addf %add3A_1339, %add3A_1341 : vector<16xf32>
      %mul3A_1343 = arith.constant 5.000000e-01 : f32
      %mul3A_1344 = vector.broadcast %mul3A_1343 : f32 to vector<16xf32>
      %mul3A_1345 = arith.mulf %add3A_1342, %mul3A_1344 : vector<16xf32>
      %mul3A_1346 = arith.constant 1.270000e+02 : f32
      %mul3A_1347 = vector.broadcast %mul3A_1346 : f32 to vector<16xf32>
      %mul3A_1348 = arith.mulf %mul3A_1345, %mul3A_1347 : vector<16xf32>
      %jit3A_1349 = arith.constant 0.000000e+00 : f32
      %jit3A_1350 = arith.constant 1.270000e+02 : f32
      %max3A_1351 = vector.broadcast %jit3A_1349 : f32 to vector<16xf32>
      %max3A_1352 = arith.maximumf %max3A_1351, %mul3A_1328 : vector<16xf32>
      %min3A_1353 = vector.broadcast %jit3A_1350 : f32 to vector<16xf32>
      %min3A_1354 = arith.minimumf %min3A_1353, %max3A_1352 : vector<16xf32>
      %jit3A_1355 = arith.constant 0.000000e+00 : f32
      %jit3A_1356 = arith.constant 1.270000e+02 : f32
      %max3A_1357 = vector.broadcast %jit3A_1355 : f32 to vector<16xf32>
      %max3A_1358 = arith.maximumf %max3A_1357, %mul3A_1338 : vector<16xf32>
      %min3A_1359 = vector.broadcast %jit3A_1356 : f32 to vector<16xf32>
      %min3A_1360 = arith.minimumf %min3A_1359, %max3A_1358 : vector<16xf32>
      %jit3A_1361 = arith.constant 0.000000e+00 : f32
      %jit3A_1362 = arith.constant 1.270000e+02 : f32
      %max3A_1363 = vector.broadcast %jit3A_1361 : f32 to vector<16xf32>
      %max3A_1364 = arith.maximumf %max3A_1363, %mul3A_1348 : vector<16xf32>
      %min3A_1365 = vector.broadcast %jit3A_1362 : f32 to vector<16xf32>
      %min3A_1366 = arith.minimumf %min3A_1365, %max3A_1364 : vector<16xf32>
      %convert_element_type3A_1367 = arith.fptosi %min3A_1354 : vector<16xf32> to vector<16xi32>
      %convert_element_type3A_1368 = arith.fptosi %min3A_1360 : vector<16xf32> to vector<16xi32>
      %convert_element_type3A_1369 = arith.fptosi %min3A_1366 : vector<16xf32> to vector<16xi32>
      %convert_element_type3A_1370 = arith.sitofp %convert_element_type3A_1367 : vector<16xi32> to vector<16xf32>
      %sub3A_1371 = arith.subf %min3A_1354, %convert_element_type3A_1370 : vector<16xf32>
      %convert_element_type3A_1372 = arith.sitofp %convert_element_type3A_1368 : vector<16xi32> to vector<16xf32>
      %sub3A_1373 = arith.subf %min3A_1360, %convert_element_type3A_1372 : vector<16xf32>
      %convert_element_type3A_1374 = arith.sitofp %convert_element_type3A_1369 : vector<16xi32> to vector<16xf32>
      %sub3A_1375 = arith.subf %min3A_1366, %convert_element_type3A_1374 : vector<16xf32>
      %add3A_1376 = arith.constant 1 : i32
      %add3A_1377 = vector.broadcast %add3A_1376 : i32 to vector<16xi32>
      %add3A_1378 = arith.addi %convert_element_type3A_1367, %add3A_1377 : vector<16xi32>
      %min3A_1379 = arith.constant 127 : i32
      %min3A_1380 = vector.broadcast %min3A_1379 : i32 to vector<16xi32>
      %min3A_1381 = arith.minsi %add3A_1378, %min3A_1380 : vector<16xi32>
      %add3A_1382 = arith.constant 1 : i32
      %add3A_1383 = vector.broadcast %add3A_1382 : i32 to vector<16xi32>
      %add3A_1384 = arith.addi %convert_element_type3A_1368, %add3A_1383 : vector<16xi32>
      %min3A_1385 = arith.constant 127 : i32
      %min3A_1386 = vector.broadcast %min3A_1385 : i32 to vector<16xi32>
      %min3A_1387 = arith.minsi %add3A_1384, %min3A_1386 : vector<16xi32>
      %add3A_1388 = arith.constant 1 : i32
      %add3A_1389 = vector.broadcast %add3A_1388 : i32 to vector<16xi32>
      %add3A_1390 = arith.addi %convert_element_type3A_1369, %add3A_1389 : vector<16xi32>
      %min3A_1391 = arith.constant 127 : i32
      %min3A_1392 = vector.broadcast %min3A_1391 : i32 to vector<16xi32>
      %min3A_1393 = arith.minsi %add3A_1390, %min3A_1392 : vector<16xi32>
      %shift_left3A_1394 = arith.constant 7 : i32
      %shift_left3A_1395 = vector.broadcast %shift_left3A_1394 : i32 to vector<16xi32>
      %shift_left3A_1396 = arith.shli %convert_element_type3A_1369, %shift_left3A_1395 : vector<16xi32>
      %add3A_1397 = arith.addi %shift_left3A_1396, %convert_element_type3A_1368 : vector<16xi32>
      %shift_left3A_1398 = arith.constant 7 : i32
      %shift_left3A_1399 = vector.broadcast %shift_left3A_1398 : i32 to vector<16xi32>
      %shift_left3A_1400 = arith.shli %add3A_1397, %shift_left3A_1399 : vector<16xi32>
      %shift_left3A_1401 = arith.constant 7 : i32
      %shift_left3A_1402 = vector.broadcast %shift_left3A_1401 : i32 to vector<16xi32>
      %shift_left3A_1403 = arith.shli %convert_element_type3A_1369, %shift_left3A_1402 : vector<16xi32>
      %add3A_1404 = arith.addi %shift_left3A_1403, %min3A_1387 : vector<16xi32>
      %shift_left3A_1405 = arith.constant 7 : i32
      %shift_left3A_1406 = vector.broadcast %shift_left3A_1405 : i32 to vector<16xi32>
      %shift_left3A_1407 = arith.shli %add3A_1404, %shift_left3A_1406 : vector<16xi32>
      %shift_left3A_1408 = arith.constant 7 : i32
      %shift_left3A_1409 = vector.broadcast %shift_left3A_1408 : i32 to vector<16xi32>
      %shift_left3A_1410 = arith.shli %min3A_1393, %shift_left3A_1409 : vector<16xi32>
      %add3A_1411 = arith.addi %shift_left3A_1410, %convert_element_type3A_1368 : vector<16xi32>
      %shift_left3A_1412 = arith.constant 7 : i32
      %shift_left3A_1413 = vector.broadcast %shift_left3A_1412 : i32 to vector<16xi32>
      %shift_left3A_1414 = arith.shli %add3A_1411, %shift_left3A_1413 : vector<16xi32>
      %shift_left3A_1415 = arith.constant 7 : i32
      %shift_left3A_1416 = vector.broadcast %shift_left3A_1415 : i32 to vector<16xi32>
      %shift_left3A_1417 = arith.shli %min3A_1393, %shift_left3A_1416 : vector<16xi32>
      %add3A_1418 = arith.addi %shift_left3A_1417, %min3A_1387 : vector<16xi32>
      %shift_left3A_1419 = arith.constant 7 : i32
      %shift_left3A_1420 = vector.broadcast %shift_left3A_1419 : i32 to vector<16xi32>
      %shift_left3A_1421 = arith.shli %add3A_1418, %shift_left3A_1420 : vector<16xi32>
      %add3A_1422 = arith.addi %shift_left3A_1400, %convert_element_type3A_1367 : vector<16xi32>
      %add3A_1423 = arith.addi %shift_left3A_1400, %min3A_1381 : vector<16xi32>
      %add3A_1424 = arith.addi %shift_left3A_1407, %convert_element_type3A_1367 : vector<16xi32>
      %add3A_1425 = arith.addi %shift_left3A_1407, %min3A_1381 : vector<16xi32>
      %add3A_1426 = arith.addi %shift_left3A_1414, %convert_element_type3A_1367 : vector<16xi32>
      %add3A_1427 = arith.addi %shift_left3A_1414, %min3A_1381 : vector<16xi32>
      %add3A_1428 = arith.addi %shift_left3A_1421, %convert_element_type3A_1367 : vector<16xi32>
      %add3A_1429 = arith.addi %shift_left3A_1421, %min3A_1381 : vector<16xi32>
      %min3A_1430 = arith.constant 2031615 : i32
      %min3A_1431 = vector.broadcast %min3A_1430 : i32 to vector<16xi32>
      %min3A_1432 = arith.minsi %add3A_1422, %min3A_1431 : vector<16xi32>
      %swap3A_1433 = arith.constant 112 : index
      %swap3A_1434 = tpu.vector_load %arg7[%swap3A_1433] {strides = array<i32>} : memref<1024xi32, #tpu.memory_space<vmem>>, vector<16xi32>,
      tpu.vector_store %arg7[%swap3A_1433], %min3A_1432 {strides = array<i32>} : memref<1024xi32, #tpu.memory_space<vmem>>, vector<16xi32>,
      %min3A_1435 = arith.constant 2031615 : i32
      %min3A_1436 = vector.broadcast %min3A_1435 : i32 to vector<16xi32>
      %min3A_1437 = arith.minsi %add3A_1423, %min3A_1436 : vector<16xi32>
      %swap3A_1438 = arith.constant 240 : index
      %swap3A_1439 = tpu.vector_load %arg7[%swap3A_1438] {strides = array<i32>} : memref<1024xi32, #tpu.memory_space<vmem>>, vector<16xi32>,
      tpu.vector_store %arg7[%swap3A_1438], %min3A_1437 {strides = array<i32>} : memref<1024xi32, #tpu.memory_space<vmem>>, vector<16xi32>,
      %min3A_1440 = arith.constant 2031615 : i32
      %min3A_1441 = vector.broadcast %min3A_1440 : i32 to vector<16xi32>
      %min3A_1442 = arith.minsi %add3A_1424, %min3A_1441 : vector<16xi32>
      %swap3A_1443 = arith.constant 368 : index
      %swap3A_1444 = tpu.vector_load %arg7[%swap3A_1443] {strides = array<i32>} : memref<1024xi32, #tpu.memory_space<vmem>>, vector<16xi32>,
      tpu.vector_store %arg7[%swap3A_1443], %min3A_1442 {strides = array<i32>} : memref<1024xi32, #tpu.memory_space<vmem>>, vector<16xi32>,
      %min3A_1445 = arith.constant 2031615 : i32
      %min3A_1446 = vector.broadcast %min3A_1445 : i32 to vector<16xi32>
      %min3A_1447 = arith.minsi %add3A_1425, %min3A_1446 : vector<16xi32>
      %swap3A_1448 = arith.constant 496 : index
      %swap3A_1449 = tpu.vector_load %arg7[%swap3A_1448] {strides = array<i32>} : memref<1024xi32, #tpu.memory_space<vmem>>, vector<16xi32>,
      tpu.vector_store %arg7[%swap3A_1448], %min3A_1447 {strides = array<i32>} : memref<1024xi32, #tpu.memory_space<vmem>>, vector<16xi32>,
      %min3A_1450 = arith.constant 2031615 : i32
      %min3A_1451 = vector.broadcast %min3A_1450 : i32 to vector<16xi32>
      %min3A_1452 = arith.minsi %add3A_1426, %min3A_1451 : vector<16xi32>
      %swap3A_1453 = arith.constant 624 : index
      %swap3A_1454 = tpu.vector_load %arg7[%swap3A_1453] {strides = array<i32>} : memref<1024xi32, #tpu.memory_space<vmem>>, vector<16xi32>,
      tpu.vector_store %arg7[%swap3A_1453], %min3A_1452 {strides = array<i32>} : memref<1024xi32, #tpu.memory_space<vmem>>, vector<16xi32>,
      %min3A_1455 = arith.constant 2031615 : i32
      %min3A_1456 = vector.broadcast %min3A_1455 : i32 to vector<16xi32>
      %min3A_1457 = arith.minsi %add3A_1427, %min3A_1456 : vector<16xi32>
      %swap3A_1458 = arith.constant 752 : index
      %swap3A_1459 = tpu.vector_load %arg7[%swap3A_1458] {strides = array<i32>} : memref<1024xi32, #tpu.memory_space<vmem>>, vector<16xi32>,
      tpu.vector_store %arg7[%swap3A_1458], %min3A_1457 {strides = array<i32>} : memref<1024xi32, #tpu.memory_space<vmem>>, vector<16xi32>,
      %min3A_1460 = arith.constant 2031615 : i32
      %min3A_1461 = vector.broadcast %min3A_1460 : i32 to vector<16xi32>
      %min3A_1462 = arith.minsi %add3A_1428, %min3A_1461 : vector<16xi32>
      %swap3A_1463 = arith.constant 880 : index
      %swap3A_1464 = tpu.vector_load %arg7[%swap3A_1463] {strides = array<i32>} : memref<1024xi32, #tpu.memory_space<vmem>>, vector<16xi32>,
      tpu.vector_store %arg7[%swap3A_1463], %min3A_1462 {strides = array<i32>} : memref<1024xi32, #tpu.memory_space<vmem>>, vector<16xi32>,
      %min3A_1465 = arith.constant 2031615 : i32
      %min3A_1466 = vector.broadcast %min3A_1465 : i32 to vector<16xi32>
      %min3A_1467 = arith.minsi %add3A_1429, %min3A_1466 : vector<16xi32>
      %swap3A_1468 = arith.constant 1008 : index
      %swap3A_1469 = tpu.vector_load %arg7[%swap3A_1468] {strides = array<i32>} : memref<1024xi32, #tpu.memory_space<vmem>>, vector<16xi32>,
      tpu.vector_store %arg7[%swap3A_1468], %min3A_1467 {strides = array<i32>} : memref<1024xi32, #tpu.memory_space<vmem>>, vector<16xi32>,
      %swap3A_1470 = arith.constant 112 : index
      %swap3A_1471 = tpu.vector_load %arg8[%swap3A_1470] {strides = array<i32>} : memref<384xf32, #tpu.memory_space<vmem>>, vector<16xf32>,
      tpu.vector_store %arg8[%swap3A_1470], %sub3A_1371 {strides = array<i32>} : memref<384xf32, #tpu.memory_space<vmem>>, vector<16xf32>,
      %swap3A_1472 = arith.constant 240 : index
      %swap3A_1473 = tpu.vector_load %arg8[%swap3A_1472] {strides = array<i32>} : memref<384xf32, #tpu.memory_space<vmem>>, vector<16xf32>,
      tpu.vector_store %arg8[%swap3A_1472], %sub3A_1373 {strides = array<i32>} : memref<384xf32, #tpu.memory_space<vmem>>, vector<16xf32>,
      %swap3A_1474 = arith.constant 368 : index
      %swap3A_1475 = tpu.vector_load %arg8[%swap3A_1474] {strides = array<i32>} : memref<384xf32, #tpu.memory_space<vmem>>, vector<16xf32>,
      tpu.vector_store %arg8[%swap3A_1474], %sub3A_1375 {strides = array<i32>} : memref<384xf32, #tpu.memory_space<vmem>>, vector<16xf32>,
      %dma_start3A_1476 = arith.constant 0 : i32
      %dma_start3A_1477 = tpu.memref_slice %arg5[%dma_start3A_1476] : memref<2031616xf32, #tpu.memory_space<vmem_shared>> -> memref<2031616xf32, #tpu.memory_space<vmem_shared>>
      tpu.enqueue_indirect_dma source(%dma_start3A_1477 : memref<2031616xf32, #tpu.memory_space<vmem_shared>>) target(%arg9 : memref<1024xf32, #tpu.memory_space<vmem>>) offsets(%arg7 : memref<1024xi32, #tpu.memory_space<vmem>>) semaphore(%arg12 : memref<!tpu.dma_semaphore, #tpu.memory_space<semaphore_mem>>)
      %dma_wait3A_1478 = arith.constant 0 : i32
      %dma_wait3A_1479 = tpu.memref_slice %arg5[%dma_wait3A_1478] : memref<2031616xf32, #tpu.memory_space<vmem_shared>> -> memref<2031616xf32, #tpu.memory_space<vmem_shared>>
      tpu.wait_indirect_dma semaphore(%arg12 : memref<!tpu.dma_semaphore, #tpu.memory_space<semaphore_mem>>) src(%dma_wait3A_1479 : memref<2031616xf32, #tpu.memory_space<vmem_shared>>) dst(%arg9 : memref<1024xf32, #tpu.memory_space<vmem>>)
      %get3A_1480 = arith.constant 0 : index
      %get3A_1481 = tpu.vector_load %arg8[%get3A_1480] {strides = array<i32>} : memref<384xf32, #tpu.memory_space<vmem>>, vector<16xf32>,
      %get3A_1482 = arith.constant 128 : index
      %get3A_1483 = tpu.vector_load %arg8[%get3A_1482] {strides = array<i32>} : memref<384xf32, #tpu.memory_space<vmem>>, vector<16xf32>,
      %get3A_1484 = arith.constant 256 : index
      %get3A_1485 = tpu.vector_load %arg8[%get3A_1484] {strides = array<i32>} : memref<384xf32, #tpu.memory_space<vmem>>, vector<16xf32>,
      %sub3A_1486 = arith.constant 1.000000e+00 : f32
      %sub3A_1487 = vector.broadcast %sub3A_1486 : f32 to vector<16xf32>
      %sub3A_1488 = arith.subf %sub3A_1487, %get3A_1481 : vector<16xf32>
      %sub3A_1489 = arith.constant 1.000000e+00 : f32
      %sub3A_1490 = vector.broadcast %sub3A_1489 : f32 to vector<16xf32>
      %sub3A_1491 = arith.subf %sub3A_1490, %get3A_1483 : vector<16xf32>
      %sub3A_1492 = arith.constant 1.000000e+00 : f32
      %sub3A_1493 = vector.broadcast %sub3A_1492 : f32 to vector<16xf32>
      %sub3A_1494 = arith.subf %sub3A_1493, %get3A_1485 : vector<16xf32>
      %mul3A_1495 = arith.mulf %sub3A_1494, %sub3A_1491 : vector<16xf32>
      %mul3A_1496 = arith.mulf %sub3A_1494, %get3A_1483 : vector<16xf32>
      %mul3A_1497 = arith.mulf %get3A_1485, %sub3A_1491 : vector<16xf32>
      %mul3A_1498 = arith.mulf %get3A_1485, %get3A_1483 : vector<16xf32>
      %get3A_1499 = arith.constant 0 : index
      %get3A_1500 = tpu.vector_load %arg9[%get3A_1499] {strides = array<i32>} : memref<1024xf32, #tpu.memory_space<vmem>>, vector<16xf32>,
      %get3A_1501 = arith.constant 128 : index
      %get3A_1502 = tpu.vector_load %arg9[%get3A_1501] {strides = array<i32>} : memref<1024xf32, #tpu.memory_space<vmem>>, vector<16xf32>,
      %get3A_1503 = arith.constant 256 : index
      %get3A_1504 = tpu.vector_load %arg9[%get3A_1503] {strides = array<i32>} : memref<1024xf32, #tpu.memory_space<vmem>>, vector<16xf32>,
      %get3A_1505 = arith.constant 384 : index
      %get3A_1506 = tpu.vector_load %arg9[%get3A_1505] {strides = array<i32>} : memref<1024xf32, #tpu.memory_space<vmem>>, vector<16xf32>,
      %get3A_1507 = arith.constant 512 : index
      %get3A_1508 = tpu.vector_load %arg9[%get3A_1507] {strides = array<i32>} : memref<1024xf32, #tpu.memory_space<vmem>>, vector<16xf32>,
      %get3A_1509 = arith.constant 640 : index
      %get3A_1510 = tpu.vector_load %arg9[%get3A_1509] {strides = array<i32>} : memref<1024xf32, #tpu.memory_space<vmem>>, vector<16xf32>,
      %get3A_1511 = arith.constant 768 : index
      %get3A_1512 = tpu.vector_load %arg9[%get3A_1511] {strides = array<i32>} : memref<1024xf32, #tpu.memory_space<vmem>>, vector<16xf32>,
      %get3A_1513 = arith.constant 896 : index
      %get3A_1514 = tpu.vector_load %arg9[%get3A_1513] {strides = array<i32>} : memref<1024xf32, #tpu.memory_space<vmem>>, vector<16xf32>,
      %mul3A_1515 = arith.mulf %get3A_1500, %sub3A_1488 : vector<16xf32>
      %mul3A_1516 = arith.mulf %get3A_1502, %get3A_1481 : vector<16xf32>
      %add3A_1517 = arith.addf %mul3A_1515, %mul3A_1516 : vector<16xf32>
      %mul3A_1518 = arith.mulf %add3A_1517, %mul3A_1495 : vector<16xf32>
      %mul3A_1519 = arith.mulf %get3A_1504, %sub3A_1488 : vector<16xf32>
      %mul3A_1520 = arith.mulf %get3A_1506, %get3A_1481 : vector<16xf32>
      %add3A_1521 = arith.addf %mul3A_1519, %mul3A_1520 : vector<16xf32>
      %mul3A_1522 = arith.mulf %add3A_1521, %mul3A_1496 : vector<16xf32>
      %add3A_1523 = arith.addf %mul3A_1518, %mul3A_1522 : vector<16xf32>
      %mul3A_1524 = arith.mulf %get3A_1508, %sub3A_1488 : vector<16xf32>
      %mul3A_1525 = arith.mulf %get3A_1510, %get3A_1481 : vector<16xf32>
      %add3A_1526 = arith.addf %mul3A_1524, %mul3A_1525 : vector<16xf32>
      %mul3A_1527 = arith.mulf %add3A_1526, %mul3A_1497 : vector<16xf32>
      %add3A_1528 = arith.addf %add3A_1523, %mul3A_1527 : vector<16xf32>
      %mul3A_1529 = arith.mulf %get3A_1512, %sub3A_1488 : vector<16xf32>
      %mul3A_1530 = arith.mulf %get3A_1514, %get3A_1481 : vector<16xf32>
      %add3A_1531 = arith.addf %mul3A_1529, %mul3A_1530 : vector<16xf32>
      %mul3A_1532 = arith.mulf %add3A_1531, %mul3A_1498 : vector<16xf32>
      %add3A_1533 = arith.addf %add3A_1528, %mul3A_1532 : vector<16xf32>
      %swap3A_1534 = arith.constant 0 : index
      %swap3A_1535 = tpu.vector_load %arg10[%swap3A_1534] {strides = array<i32>} : memref<128xf32, #tpu.memory_space<vmem>>, vector<16xf32>,
      tpu.vector_store %arg10[%swap3A_1534], %add3A_1533 {strides = array<i32>} : memref<128xf32, #tpu.memory_space<vmem>>, vector<16xf32>,
      %get3A_1536 = arith.constant 16 : index
      %get3A_1537 = tpu.vector_load %arg8[%get3A_1536] {strides = array<i32>} : memref<384xf32, #tpu.memory_space<vmem>>, vector<16xf32>,
      %get3A_1538 = arith.constant 144 : index
      %get3A_1539 = tpu.vector_load %arg8[%get3A_1538] {strides = array<i32>} : memref<384xf32, #tpu.memory_space<vmem>>, vector<16xf32>,
      %get3A_1540 = arith.constant 272 : index
      %get3A_1541 = tpu.vector_load %arg8[%get3A_1540] {strides = array<i32>} : memref<384xf32, #tpu.memory_space<vmem>>, vector<16xf32>,
      %sub3A_1542 = arith.constant 1.000000e+00 : f32
      %sub3A_1543 = vector.broadcast %sub3A_1542 : f32 to vector<16xf32>
      %sub3A_1544 = arith.subf %sub3A_1543, %get3A_1537 : vector<16xf32>
      %sub3A_1545 = arith.constant 1.000000e+00 : f32
      %sub3A_1546 = vector.broadcast %sub3A_1545 : f32 to vector<16xf32>
      %sub3A_1547 = arith.subf %sub3A_1546, %get3A_1539 : vector<16xf32>
      %sub3A_1548 = arith.constant 1.000000e+00 : f32
      %sub3A_1549 = vector.broadcast %sub3A_1548 : f32 to vector<16xf32>
      %sub3A_1550 = arith.subf %sub3A_1549, %get3A_1541 : vector<16xf32>
      %mul3A_1551 = arith.mulf %sub3A_1550, %sub3A_1547 : vector<16xf32>
      %mul3A_1552 = arith.mulf %sub3A_1550, %get3A_1539 : vector<16xf32>
      %mul3A_1553 = arith.mulf %get3A_1541, %sub3A_1547 : vector<16xf32>
      %mul3A_1554 = arith.mulf %get3A_1541, %get3A_1539 : vector<16xf32>
      %get3A_1555 = arith.constant 16 : index
      %get3A_1556 = tpu.vector_load %arg9[%get3A_1555] {strides = array<i32>} : memref<1024xf32, #tpu.memory_space<vmem>>, vector<16xf32>,
      %get3A_1557 = arith.constant 144 : index
      %get3A_1558 = tpu.vector_load %arg9[%get3A_1557] {strides = array<i32>} : memref<1024xf32, #tpu.memory_space<vmem>>, vector<16xf32>,
      %get3A_1559 = arith.constant 272 : index
      %get3A_1560 = tpu.vector_load %arg9[%get3A_1559] {strides = array<i32>} : memref<1024xf32, #tpu.memory_space<vmem>>, vector<16xf32>,
      %get3A_1561 = arith.constant 400 : index
      %get3A_1562 = tpu.vector_load %arg9[%get3A_1561] {strides = array<i32>} : memref<1024xf32, #tpu.memory_space<vmem>>, vector<16xf32>,
      %get3A_1563 = arith.constant 528 : index
      %get3A_1564 = tpu.vector_load %arg9[%get3A_1563] {strides = array<i32>} : memref<1024xf32, #tpu.memory_space<vmem>>, vector<16xf32>,
      %get3A_1565 = arith.constant 656 : index
      %get3A_1566 = tpu.vector_load %arg9[%get3A_1565] {strides = array<i32>} : memref<1024xf32, #tpu.memory_space<vmem>>, vector<16xf32>,
      %get3A_1567 = arith.constant 784 : index
      %get3A_1568 = tpu.vector_load %arg9[%get3A_1567] {strides = array<i32>} : memref<1024xf32, #tpu.memory_space<vmem>>, vector<16xf32>,
      %get3A_1569 = arith.constant 912 : index
      %get3A_1570 = tpu.vector_load %arg9[%get3A_1569] {strides = array<i32>} : memref<1024xf32, #tpu.memory_space<vmem>>, vector<16xf32>,
      %mul3A_1571 = arith.mulf %get3A_1556, %sub3A_1544 : vector<16xf32>
      %mul3A_1572 = arith.mulf %get3A_1558, %get3A_1537 : vector<16xf32>
      %add3A_1573 = arith.addf %mul3A_1571, %mul3A_1572 : vector<16xf32>
      %mul3A_1574 = arith.mulf %add3A_1573, %mul3A_1551 : vector<16xf32>
      %mul3A_1575 = arith.mulf %get3A_1560, %sub3A_1544 : vector<16xf32>
      %mul3A_1576 = arith.mulf %get3A_1562, %get3A_1537 : vector<16xf32>
      %add3A_1577 = arith.addf %mul3A_1575, %mul3A_1576 : vector<16xf32>
      %mul3A_1578 = arith.mulf %add3A_1577, %mul3A_1552 : vector<16xf32>
      %add3A_1579 = arith.addf %mul3A_1574, %mul3A_1578 : vector<16xf32>
      %mul3A_1580 = arith.mulf %get3A_1564, %sub3A_1544 : vector<16xf32>
      %mul3A_1581 = arith.mulf %get3A_1566, %get3A_1537 : vector<16xf32>
      %add3A_1582 = arith.addf %mul3A_1580, %mul3A_1581 : vector<16xf32>
      %mul3A_1583 = arith.mulf %add3A_1582, %mul3A_1553 : vector<16xf32>
      %add3A_1584 = arith.addf %add3A_1579, %mul3A_1583 : vector<16xf32>
      %mul3A_1585 = arith.mulf %get3A_1568, %sub3A_1544 : vector<16xf32>
      %mul3A_1586 = arith.mulf %get3A_1570, %get3A_1537 : vector<16xf32>
      %add3A_1587 = arith.addf %mul3A_1585, %mul3A_1586 : vector<16xf32>
      %mul3A_1588 = arith.mulf %add3A_1587, %mul3A_1554 : vector<16xf32>
      %add3A_1589 = arith.addf %add3A_1584, %mul3A_1588 : vector<16xf32>
      %swap3A_1590 = arith.constant 16 : index
      %swap3A_1591 = tpu.vector_load %arg10[%swap3A_1590] {strides = array<i32>} : memref<128xf32, #tpu.memory_space<vmem>>, vector<16xf32>,
      tpu.vector_store %arg10[%swap3A_1590], %add3A_1589 {strides = array<i32>} : memref<128xf32, #tpu.memory_space<vmem>>, vector<16xf32>,
      %get3A_1592 = arith.constant 32 : index
      %get3A_1593 = tpu.vector_load %arg8[%get3A_1592] {strides = array<i32>} : memref<384xf32, #tpu.memory_space<vmem>>, vector<16xf32>,
      %get3A_1594 = arith.constant 160 : index
      %get3A_1595 = tpu.vector_load %arg8[%get3A_1594] {strides = array<i32>} : memref<384xf32, #tpu.memory_space<vmem>>, vector<16xf32>,
      %get3A_1596 = arith.constant 288 : index
      %get3A_1597 = tpu.vector_load %arg8[%get3A_1596] {strides = array<i32>} : memref<384xf32, #tpu.memory_space<vmem>>, vector<16xf32>,
      %sub3A_1598 = arith.constant 1.000000e+00 : f32
      %sub3A_1599 = vector.broadcast %sub3A_1598 : f32 to vector<16xf32>
      %sub3A_1600 = arith.subf %sub3A_1599, %get3A_1593 : vector<16xf32>
      %sub3A_1601 = arith.constant 1.000000e+00 : f32
      %sub3A_1602 = vector.broadcast %sub3A_1601 : f32 to vector<16xf32>
      %sub3A_1603 = arith.subf %sub3A_1602, %get3A_1595 : vector<16xf32>
      %sub3A_1604 = arith.constant 1.000000e+00 : f32
      %sub3A_1605 = vector.broadcast %sub3A_1604 : f32 to vector<16xf32>
      %sub3A_1606 = arith.subf %sub3A_1605, %get3A_1597 : vector<16xf32>
      %mul3A_1607 = arith.mulf %sub3A_1606, %sub3A_1603 : vector<16xf32>
      %mul3A_1608 = arith.mulf %sub3A_1606, %get3A_1595 : vector<16xf32>
      %mul3A_1609 = arith.mulf %get3A_1597, %sub3A_1603 : vector<16xf32>
      %mul3A_1610 = arith.mulf %get3A_1597, %get3A_1595 : vector<16xf32>
      %get3A_1611 = arith.constant 32 : index
      %get3A_1612 = tpu.vector_load %arg9[%get3A_1611] {strides = array<i32>} : memref<1024xf32, #tpu.memory_space<vmem>>, vector<16xf32>,
      %get3A_1613 = arith.constant 160 : index
      %get3A_1614 = tpu.vector_load %arg9[%get3A_1613] {strides = array<i32>} : memref<1024xf32, #tpu.memory_space<vmem>>, vector<16xf32>,
      %get3A_1615 = arith.constant 288 : index
      %get3A_1616 = tpu.vector_load %arg9[%get3A_1615] {strides = array<i32>} : memref<1024xf32, #tpu.memory_space<vmem>>, vector<16xf32>,
      %get3A_1617 = arith.constant 416 : index
      %get3A_1618 = tpu.vector_load %arg9[%get3A_1617] {strides = array<i32>} : memref<1024xf32, #tpu.memory_space<vmem>>, vector<16xf32>,
      %get3A_1619 = arith.constant 544 : index
      %get3A_1620 = tpu.vector_load %arg9[%get3A_1619] {strides = array<i32>} : memref<1024xf32, #tpu.memory_space<vmem>>, vector<16xf32>,
      %get3A_1621 = arith.constant 672 : index
      %get3A_1622 = tpu.vector_load %arg9[%get3A_1621] {strides = array<i32>} : memref<1024xf32, #tpu.memory_space<vmem>>, vector<16xf32>,
      %get3A_1623 = arith.constant 800 : index
      %get3A_1624 = tpu.vector_load %arg9[%get3A_1623] {strides = array<i32>} : memref<1024xf32, #tpu.memory_space<vmem>>, vector<16xf32>,
      %get3A_1625 = arith.constant 928 : index
      %get3A_1626 = tpu.vector_load %arg9[%get3A_1625] {strides = array<i32>} : memref<1024xf32, #tpu.memory_space<vmem>>, vector<16xf32>,
      %mul3A_1627 = arith.mulf %get3A_1612, %sub3A_1600 : vector<16xf32>
      %mul3A_1628 = arith.mulf %get3A_1614, %get3A_1593 : vector<16xf32>
      %add3A_1629 = arith.addf %mul3A_1627, %mul3A_1628 : vector<16xf32>
      %mul3A_1630 = arith.mulf %add3A_1629, %mul3A_1607 : vector<16xf32>
      %mul3A_1631 = arith.mulf %get3A_1616, %sub3A_1600 : vector<16xf32>
      %mul3A_1632 = arith.mulf %get3A_1618, %get3A_1593 : vector<16xf32>
      %add3A_1633 = arith.addf %mul3A_1631, %mul3A_1632 : vector<16xf32>
      %mul3A_1634 = arith.mulf %add3A_1633, %mul3A_1608 : vector<16xf32>
      %add3A_1635 = arith.addf %mul3A_1630, %mul3A_1634 : vector<16xf32>
      %mul3A_1636 = arith.mulf %get3A_1620, %sub3A_1600 : vector<16xf32>
      %mul3A_1637 = arith.mulf %get3A_1622, %get3A_1593 : vector<16xf32>
      %add3A_1638 = arith.addf %mul3A_1636, %mul3A_1637 : vector<16xf32>
      %mul3A_1639 = arith.mulf %add3A_1638, %mul3A_1609 : vector<16xf32>
      %add3A_1640 = arith.addf %add3A_1635, %mul3A_1639 : vector<16xf32>
      %mul3A_1641 = arith.mulf %get3A_1624, %sub3A_1600 : vector<16xf32>
      %mul3A_1642 = arith.mulf %get3A_1626, %get3A_1593 : vector<16xf32>
      %add3A_1643 = arith.addf %mul3A_1641, %mul3A_1642 : vector<16xf32>
      %mul3A_1644 = arith.mulf %add3A_1643, %mul3A_1610 : vector<16xf32>
      %add3A_1645 = arith.addf %add3A_1640, %mul3A_1644 : vector<16xf32>
      %swap3A_1646 = arith.constant 32 : index
      %swap3A_1647 = tpu.vector_load %arg10[%swap3A_1646] {strides = array<i32>} : memref<128xf32, #tpu.memory_space<vmem>>, vector<16xf32>,
      tpu.vector_store %arg10[%swap3A_1646], %add3A_1645 {strides = array<i32>} : memref<128xf32, #tpu.memory_space<vmem>>, vector<16xf32>,
      %get3A_1648 = arith.constant 48 : index
      %get3A_1649 = tpu.vector_load %arg8[%get3A_1648] {strides = array<i32>} : memref<384xf32, #tpu.memory_space<vmem>>, vector<16xf32>,
      %get3A_1650 = arith.constant 176 : index
      %get3A_1651 = tpu.vector_load %arg8[%get3A_1650] {strides = array<i32>} : memref<384xf32, #tpu.memory_space<vmem>>, vector<16xf32>,
      %get3A_1652 = arith.constant 304 : index
      %get3A_1653 = tpu.vector_load %arg8[%get3A_1652] {strides = array<i32>} : memref<384xf32, #tpu.memory_space<vmem>>, vector<16xf32>,
      %sub3A_1654 = arith.constant 1.000000e+00 : f32
      %sub3A_1655 = vector.broadcast %sub3A_1654 : f32 to vector<16xf32>
      %sub3A_1656 = arith.subf %sub3A_1655, %get3A_1649 : vector<16xf32>
      %sub3A_1657 = arith.constant 1.000000e+00 : f32
      %sub3A_1658 = vector.broadcast %sub3A_1657 : f32 to vector<16xf32>
      %sub3A_1659 = arith.subf %sub3A_1658, %get3A_1651 : vector<16xf32>
      %sub3A_1660 = arith.constant 1.000000e+00 : f32
      %sub3A_1661 = vector.broadcast %sub3A_1660 : f32 to vector<16xf32>
      %sub3A_1662 = arith.subf %sub3A_1661, %get3A_1653 : vector<16xf32>
      %mul3A_1663 = arith.mulf %sub3A_1662, %sub3A_1659 : vector<16xf32>
      %mul3A_1664 = arith.mulf %sub3A_1662, %get3A_1651 : vector<16xf32>
      %mul3A_1665 = arith.mulf %get3A_1653, %sub3A_1659 : vector<16xf32>
      %mul3A_1666 = arith.mulf %get3A_1653, %get3A_1651 : vector<16xf32>
      %get3A_1667 = arith.constant 48 : index
      %get3A_1668 = tpu.vector_load %arg9[%get3A_1667] {strides = array<i32>} : memref<1024xf32, #tpu.memory_space<vmem>>, vector<16xf32>,
      %get3A_1669 = arith.constant 176 : index
      %get3A_1670 = tpu.vector_load %arg9[%get3A_1669] {strides = array<i32>} : memref<1024xf32, #tpu.memory_space<vmem>>, vector<16xf32>,
      %get3A_1671 = arith.constant 304 : index
      %get3A_1672 = tpu.vector_load %arg9[%get3A_1671] {strides = array<i32>} : memref<1024xf32, #tpu.memory_space<vmem>>, vector<16xf32>,
      %get3A_1673 = arith.constant 432 : index
      %get3A_1674 = tpu.vector_load %arg9[%get3A_1673] {strides = array<i32>} : memref<1024xf32, #tpu.memory_space<vmem>>, vector<16xf32>,
      %get3A_1675 = arith.constant 560 : index
      %get3A_1676 = tpu.vector_load %arg9[%get3A_1675] {strides = array<i32>} : memref<1024xf32, #tpu.memory_space<vmem>>, vector<16xf32>,
      %get3A_1677 = arith.constant 688 : index
      %get3A_1678 = tpu.vector_load %arg9[%get3A_1677] {strides = array<i32>} : memref<1024xf32, #tpu.memory_space<vmem>>, vector<16xf32>,
      %get3A_1679 = arith.constant 816 : index
      %get3A_1680 = tpu.vector_load %arg9[%get3A_1679] {strides = array<i32>} : memref<1024xf32, #tpu.memory_space<vmem>>, vector<16xf32>,
      %get3A_1681 = arith.constant 944 : index
      %get3A_1682 = tpu.vector_load %arg9[%get3A_1681] {strides = array<i32>} : memref<1024xf32, #tpu.memory_space<vmem>>, vector<16xf32>,
      %mul3A_1683 = arith.mulf %get3A_1668, %sub3A_1656 : vector<16xf32>
      %mul3A_1684 = arith.mulf %get3A_1670, %get3A_1649 : vector<16xf32>
      %add3A_1685 = arith.addf %mul3A_1683, %mul3A_1684 : vector<16xf32>
      %mul3A_1686 = arith.mulf %add3A_1685, %mul3A_1663 : vector<16xf32>
      %mul3A_1687 = arith.mulf %get3A_1672, %sub3A_1656 : vector<16xf32>
      %mul3A_1688 = arith.mulf %get3A_1674, %get3A_1649 : vector<16xf32>
      %add3A_1689 = arith.addf %mul3A_1687, %mul3A_1688 : vector<16xf32>
      %mul3A_1690 = arith.mulf %add3A_1689, %mul3A_1664 : vector<16xf32>
      %add3A_1691 = arith.addf %mul3A_1686, %mul3A_1690 : vector<16xf32>
      %mul3A_1692 = arith.mulf %get3A_1676, %sub3A_1656 : vector<16xf32>
      %mul3A_1693 = arith.mulf %get3A_1678, %get3A_1649 : vector<16xf32>
      %add3A_1694 = arith.addf %mul3A_1692, %mul3A_1693 : vector<16xf32>
      %mul3A_1695 = arith.mulf %add3A_1694, %mul3A_1665 : vector<16xf32>
      %add3A_1696 = arith.addf %add3A_1691, %mul3A_1695 : vector<16xf32>
      %mul3A_1697 = arith.mulf %get3A_1680, %sub3A_1656 : vector<16xf32>
      %mul3A_1698 = arith.mulf %get3A_1682, %get3A_1649 : vector<16xf32>
      %add3A_1699 = arith.addf %mul3A_1697, %mul3A_1698 : vector<16xf32>
      %mul3A_1700 = arith.mulf %add3A_1699, %mul3A_1666 : vector<16xf32>
      %add3A_1701 = arith.addf %add3A_1696, %mul3A_1700 : vector<16xf32>
      %swap3A_1702 = arith.constant 48 : index
      %swap3A_1703 = tpu.vector_load %arg10[%swap3A_1702] {strides = array<i32>} : memref<128xf32, #tpu.memory_space<vmem>>, vector<16xf32>,
      tpu.vector_store %arg10[%swap3A_1702], %add3A_1701 {strides = array<i32>} : memref<128xf32, #tpu.memory_space<vmem>>, vector<16xf32>,
      %get3A_1704 = arith.constant 64 : index
      %get3A_1705 = tpu.vector_load %arg8[%get3A_1704] {strides = array<i32>} : memref<384xf32, #tpu.memory_space<vmem>>, vector<16xf32>,
      %get3A_1706 = arith.constant 192 : index
      %get3A_1707 = tpu.vector_load %arg8[%get3A_1706] {strides = array<i32>} : memref<384xf32, #tpu.memory_space<vmem>>, vector<16xf32>,
      %get3A_1708 = arith.constant 320 : index
      %get3A_1709 = tpu.vector_load %arg8[%get3A_1708] {strides = array<i32>} : memref<384xf32, #tpu.memory_space<vmem>>, vector<16xf32>,
      %sub3A_1710 = arith.constant 1.000000e+00 : f32
      %sub3A_1711 = vector.broadcast %sub3A_1710 : f32 to vector<16xf32>
      %sub3A_1712 = arith.subf %sub3A_1711, %get3A_1705 : vector<16xf32>
      %sub3A_1713 = arith.constant 1.000000e+00 : f32
      %sub3A_1714 = vector.broadcast %sub3A_1713 : f32 to vector<16xf32>
      %sub3A_1715 = arith.subf %sub3A_1714, %get3A_1707 : vector<16xf32>
      %sub3A_1716 = arith.constant 1.000000e+00 : f32
      %sub3A_1717 = vector.broadcast %sub3A_1716 : f32 to vector<16xf32>
      %sub3A_1718 = arith.subf %sub3A_1717, %get3A_1709 : vector<16xf32>
      %mul3A_1719 = arith.mulf %sub3A_1718, %sub3A_1715 : vector<16xf32>
      %mul3A_1720 = arith.mulf %sub3A_1718, %get3A_1707 : vector<16xf32>
      %mul3A_1721 = arith.mulf %get3A_1709, %sub3A_1715 : vector<16xf32>
      %mul3A_1722 = arith.mulf %get3A_1709, %get3A_1707 : vector<16xf32>
      %get3A_1723 = arith.constant 64 : index
      %get3A_1724 = tpu.vector_load %arg9[%get3A_1723] {strides = array<i32>} : memref<1024xf32, #tpu.memory_space<vmem>>, vector<16xf32>,
      %get3A_1725 = arith.constant 192 : index
      %get3A_1726 = tpu.vector_load %arg9[%get3A_1725] {strides = array<i32>} : memref<1024xf32, #tpu.memory_space<vmem>>, vector<16xf32>,
      %get3A_1727 = arith.constant 320 : index
      %get3A_1728 = tpu.vector_load %arg9[%get3A_1727] {strides = array<i32>} : memref<1024xf32, #tpu.memory_space<vmem>>, vector<16xf32>,
      %get3A_1729 = arith.constant 448 : index
      %get3A_1730 = tpu.vector_load %arg9[%get3A_1729] {strides = array<i32>} : memref<1024xf32, #tpu.memory_space<vmem>>, vector<16xf32>,
      %get3A_1731 = arith.constant 576 : index
      %get3A_1732 = tpu.vector_load %arg9[%get3A_1731] {strides = array<i32>} : memref<1024xf32, #tpu.memory_space<vmem>>, vector<16xf32>,
      %get3A_1733 = arith.constant 704 : index
      %get3A_1734 = tpu.vector_load %arg9[%get3A_1733] {strides = array<i32>} : memref<1024xf32, #tpu.memory_space<vmem>>, vector<16xf32>,
      %get3A_1735 = arith.constant 832 : index
      %get3A_1736 = tpu.vector_load %arg9[%get3A_1735] {strides = array<i32>} : memref<1024xf32, #tpu.memory_space<vmem>>, vector<16xf32>,
      %get3A_1737 = arith.constant 960 : index
      %get3A_1738 = tpu.vector_load %arg9[%get3A_1737] {strides = array<i32>} : memref<1024xf32, #tpu.memory_space<vmem>>, vector<16xf32>,
      %mul3A_1739 = arith.mulf %get3A_1724, %sub3A_1712 : vector<16xf32>
      %mul3A_1740 = arith.mulf %get3A_1726, %get3A_1705 : vector<16xf32>
      %add3A_1741 = arith.addf %mul3A_1739, %mul3A_1740 : vector<16xf32>
      %mul3A_1742 = arith.mulf %add3A_1741, %mul3A_1719 : vector<16xf32>
      %mul3A_1743 = arith.mulf %get3A_1728, %sub3A_1712 : vector<16xf32>
      %mul3A_1744 = arith.mulf %get3A_1730, %get3A_1705 : vector<16xf32>
      %add3A_1745 = arith.addf %mul3A_1743, %mul3A_1744 : vector<16xf32>
      %mul3A_1746 = arith.mulf %add3A_1745, %mul3A_1720 : vector<16xf32>
      %add3A_1747 = arith.addf %mul3A_1742, %mul3A_1746 : vector<16xf32>
      %mul3A_1748 = arith.mulf %get3A_1732, %sub3A_1712 : vector<16xf32>
      %mul3A_1749 = arith.mulf %get3A_1734, %get3A_1705 : vector<16xf32>
      %add3A_1750 = arith.addf %mul3A_1748, %mul3A_1749 : vector<16xf32>
      %mul3A_1751 = arith.mulf %add3A_1750, %mul3A_1721 : vector<16xf32>
      %add3A_1752 = arith.addf %add3A_1747, %mul3A_1751 : vector<16xf32>
      %mul3A_1753 = arith.mulf %get3A_1736, %sub3A_1712 : vector<16xf32>
      %mul3A_1754 = arith.mulf %get3A_1738, %get3A_1705 : vector<16xf32>
      %add3A_1755 = arith.addf %mul3A_1753, %mul3A_1754 : vector<16xf32>
      %mul3A_1756 = arith.mulf %add3A_1755, %mul3A_1722 : vector<16xf32>
      %add3A_1757 = arith.addf %add3A_1752, %mul3A_1756 : vector<16xf32>
      %swap3A_1758 = arith.constant 64 : index
      %swap3A_1759 = tpu.vector_load %arg10[%swap3A_1758] {strides = array<i32>} : memref<128xf32, #tpu.memory_space<vmem>>, vector<16xf32>,
      tpu.vector_store %arg10[%swap3A_1758], %add3A_1757 {strides = array<i32>} : memref<128xf32, #tpu.memory_space<vmem>>, vector<16xf32>,
      %get3A_1760 = arith.constant 80 : index
      %get3A_1761 = tpu.vector_load %arg8[%get3A_1760] {strides = array<i32>} : memref<384xf32, #tpu.memory_space<vmem>>, vector<16xf32>,
      %get3A_1762 = arith.constant 208 : index
      %get3A_1763 = tpu.vector_load %arg8[%get3A_1762] {strides = array<i32>} : memref<384xf32, #tpu.memory_space<vmem>>, vector<16xf32>,
      %get3A_1764 = arith.constant 336 : index
      %get3A_1765 = tpu.vector_load %arg8[%get3A_1764] {strides = array<i32>} : memref<384xf32, #tpu.memory_space<vmem>>, vector<16xf32>,
      %sub3A_1766 = arith.constant 1.000000e+00 : f32
      %sub3A_1767 = vector.broadcast %sub3A_1766 : f32 to vector<16xf32>
      %sub3A_1768 = arith.subf %sub3A_1767, %get3A_1761 : vector<16xf32>
      %sub3A_1769 = arith.constant 1.000000e+00 : f32
      %sub3A_1770 = vector.broadcast %sub3A_1769 : f32 to vector<16xf32>
      %sub3A_1771 = arith.subf %sub3A_1770, %get3A_1763 : vector<16xf32>
      %sub3A_1772 = arith.constant 1.000000e+00 : f32
      %sub3A_1773 = vector.broadcast %sub3A_1772 : f32 to vector<16xf32>
      %sub3A_1774 = arith.subf %sub3A_1773, %get3A_1765 : vector<16xf32>
      %mul3A_1775 = arith.mulf %sub3A_1774, %sub3A_1771 : vector<16xf32>
      %mul3A_1776 = arith.mulf %sub3A_1774, %get3A_1763 : vector<16xf32>
      %mul3A_1777 = arith.mulf %get3A_1765, %sub3A_1771 : vector<16xf32>
      %mul3A_1778 = arith.mulf %get3A_1765, %get3A_1763 : vector<16xf32>
      %get3A_1779 = arith.constant 80 : index
      %get3A_1780 = tpu.vector_load %arg9[%get3A_1779] {strides = array<i32>} : memref<1024xf32, #tpu.memory_space<vmem>>, vector<16xf32>,
      %get3A_1781 = arith.constant 208 : index
      %get3A_1782 = tpu.vector_load %arg9[%get3A_1781] {strides = array<i32>} : memref<1024xf32, #tpu.memory_space<vmem>>, vector<16xf32>,
      %get3A_1783 = arith.constant 336 : index
      %get3A_1784 = tpu.vector_load %arg9[%get3A_1783] {strides = array<i32>} : memref<1024xf32, #tpu.memory_space<vmem>>, vector<16xf32>,
      %get3A_1785 = arith.constant 464 : index
      %get3A_1786 = tpu.vector_load %arg9[%get3A_1785] {strides = array<i32>} : memref<1024xf32, #tpu.memory_space<vmem>>, vector<16xf32>,
      %get3A_1787 = arith.constant 592 : index
      %get3A_1788 = tpu.vector_load %arg9[%get3A_1787] {strides = array<i32>} : memref<1024xf32, #tpu.memory_space<vmem>>, vector<16xf32>,
      %get3A_1789 = arith.constant 720 : index
      %get3A_1790 = tpu.vector_load %arg9[%get3A_1789] {strides = array<i32>} : memref<1024xf32, #tpu.memory_space<vmem>>, vector<16xf32>,
      %get3A_1791 = arith.constant 848 : index
      %get3A_1792 = tpu.vector_load %arg9[%get3A_1791] {strides = array<i32>} : memref<1024xf32, #tpu.memory_space<vmem>>, vector<16xf32>,
      %get3A_1793 = arith.constant 976 : index
      %get3A_1794 = tpu.vector_load %arg9[%get3A_1793] {strides = array<i32>} : memref<1024xf32, #tpu.memory_space<vmem>>, vector<16xf32>,
      %mul3A_1795 = arith.mulf %get3A_1780, %sub3A_1768 : vector<16xf32>
      %mul3A_1796 = arith.mulf %get3A_1782, %get3A_1761 : vector<16xf32>
      %add3A_1797 = arith.addf %mul3A_1795, %mul3A_1796 : vector<16xf32>
      %mul3A_1798 = arith.mulf %add3A_1797, %mul3A_1775 : vector<16xf32>
      %mul3A_1799 = arith.mulf %get3A_1784, %sub3A_1768 : vector<16xf32>
      %mul3A_1800 = arith.mulf %get3A_1786, %get3A_1761 : vector<16xf32>
      %add3A_1801 = arith.addf %mul3A_1799, %mul3A_1800 : vector<16xf32>
      %mul3A_1802 = arith.mulf %add3A_1801, %mul3A_1776 : vector<16xf32>
      %add3A_1803 = arith.addf %mul3A_1798, %mul3A_1802 : vector<16xf32>
      %mul3A_1804 = arith.mulf %get3A_1788, %sub3A_1768 : vector<16xf32>
      %mul3A_1805 = arith.mulf %get3A_1790, %get3A_1761 : vector<16xf32>
      %add3A_1806 = arith.addf %mul3A_1804, %mul3A_1805 : vector<16xf32>
      %mul3A_1807 = arith.mulf %add3A_1806, %mul3A_1777 : vector<16xf32>
      %add3A_1808 = arith.addf %add3A_1803, %mul3A_1807 : vector<16xf32>
      %mul3A_1809 = arith.mulf %get3A_1792, %sub3A_1768 : vector<16xf32>
      %mul3A_1810 = arith.mulf %get3A_1794, %get3A_1761 : vector<16xf32>
      %add3A_1811 = arith.addf %mul3A_1809, %mul3A_1810 : vector<16xf32>
      %mul3A_1812 = arith.mulf %add3A_1811, %mul3A_1778 : vector<16xf32>
      %add3A_1813 = arith.addf %add3A_1808, %mul3A_1812 : vector<16xf32>
      %swap3A_1814 = arith.constant 80 : index
      %swap3A_1815 = tpu.vector_load %arg10[%swap3A_1814] {strides = array<i32>} : memref<128xf32, #tpu.memory_space<vmem>>, vector<16xf32>,
      tpu.vector_store %arg10[%swap3A_1814], %add3A_1813 {strides = array<i32>} : memref<128xf32, #tpu.memory_space<vmem>>, vector<16xf32>,
      %get3A_1816 = arith.constant 96 : index
      %get3A_1817 = tpu.vector_load %arg8[%get3A_1816] {strides = array<i32>} : memref<384xf32, #tpu.memory_space<vmem>>, vector<16xf32>,
      %get3A_1818 = arith.constant 224 : index
      %get3A_1819 = tpu.vector_load %arg8[%get3A_1818] {strides = array<i32>} : memref<384xf32, #tpu.memory_space<vmem>>, vector<16xf32>,
      %get3A_1820 = arith.constant 352 : index
      %get3A_1821 = tpu.vector_load %arg8[%get3A_1820] {strides = array<i32>} : memref<384xf32, #tpu.memory_space<vmem>>, vector<16xf32>,
      %sub3A_1822 = arith.constant 1.000000e+00 : f32
      %sub3A_1823 = vector.broadcast %sub3A_1822 : f32 to vector<16xf32>
      %sub3A_1824 = arith.subf %sub3A_1823, %get3A_1817 : vector<16xf32>
      %sub3A_1825 = arith.constant 1.000000e+00 : f32
      %sub3A_1826 = vector.broadcast %sub3A_1825 : f32 to vector<16xf32>
      %sub3A_1827 = arith.subf %sub3A_1826, %get3A_1819 : vector<16xf32>
      %sub3A_1828 = arith.constant 1.000000e+00 : f32
      %sub3A_1829 = vector.broadcast %sub3A_1828 : f32 to vector<16xf32>
      %sub3A_1830 = arith.subf %sub3A_1829, %get3A_1821 : vector<16xf32>
      %mul3A_1831 = arith.mulf %sub3A_1830, %sub3A_1827 : vector<16xf32>
      %mul3A_1832 = arith.mulf %sub3A_1830, %get3A_1819 : vector<16xf32>
      %mul3A_1833 = arith.mulf %get3A_1821, %sub3A_1827 : vector<16xf32>
      %mul3A_1834 = arith.mulf %get3A_1821, %get3A_1819 : vector<16xf32>
      %get3A_1835 = arith.constant 96 : index
      %get3A_1836 = tpu.vector_load %arg9[%get3A_1835] {strides = array<i32>} : memref<1024xf32, #tpu.memory_space<vmem>>, vector<16xf32>,
      %get3A_1837 = arith.constant 224 : index
      %get3A_1838 = tpu.vector_load %arg9[%get3A_1837] {strides = array<i32>} : memref<1024xf32, #tpu.memory_space<vmem>>, vector<16xf32>,
      %get3A_1839 = arith.constant 352 : index
      %get3A_1840 = tpu.vector_load %arg9[%get3A_1839] {strides = array<i32>} : memref<1024xf32, #tpu.memory_space<vmem>>, vector<16xf32>,
      %get3A_1841 = arith.constant 480 : index
      %get3A_1842 = tpu.vector_load %arg9[%get3A_1841] {strides = array<i32>} : memref<1024xf32, #tpu.memory_space<vmem>>, vector<16xf32>,
      %get3A_1843 = arith.constant 608 : index
      %get3A_1844 = tpu.vector_load %arg9[%get3A_1843] {strides = array<i32>} : memref<1024xf32, #tpu.memory_space<vmem>>, vector<16xf32>,
      %get3A_1845 = arith.constant 736 : index
      %get3A_1846 = tpu.vector_load %arg9[%get3A_1845] {strides = array<i32>} : memref<1024xf32, #tpu.memory_space<vmem>>, vector<16xf32>,
      %get3A_1847 = arith.constant 864 : index
      %get3A_1848 = tpu.vector_load %arg9[%get3A_1847] {strides = array<i32>} : memref<1024xf32, #tpu.memory_space<vmem>>, vector<16xf32>,
      %get3A_1849 = arith.constant 992 : index
      %get3A_1850 = tpu.vector_load %arg9[%get3A_1849] {strides = array<i32>} : memref<1024xf32, #tpu.memory_space<vmem>>, vector<16xf32>,
      %mul3A_1851 = arith.mulf %get3A_1836, %sub3A_1824 : vector<16xf32>
      %mul3A_1852 = arith.mulf %get3A_1838, %get3A_1817 : vector<16xf32>
      %add3A_1853 = arith.addf %mul3A_1851, %mul3A_1852 : vector<16xf32>
      %mul3A_1854 = arith.mulf %add3A_1853, %mul3A_1831 : vector<16xf32>
      %mul3A_1855 = arith.mulf %get3A_1840, %sub3A_1824 : vector<16xf32>
      %mul3A_1856 = arith.mulf %get3A_1842, %get3A_1817 : vector<16xf32>
      %add3A_1857 = arith.addf %mul3A_1855, %mul3A_1856 : vector<16xf32>
      %mul3A_1858 = arith.mulf %add3A_1857, %mul3A_1832 : vector<16xf32>
      %add3A_1859 = arith.addf %mul3A_1854, %mul3A_1858 : vector<16xf32>
      %mul3A_1860 = arith.mulf %get3A_1844, %sub3A_1824 : vector<16xf32>
      %mul3A_1861 = arith.mulf %get3A_1846, %get3A_1817 : vector<16xf32>
      %add3A_1862 = arith.addf %mul3A_1860, %mul3A_1861 : vector<16xf32>
      %mul3A_1863 = arith.mulf %add3A_1862, %mul3A_1833 : vector<16xf32>
      %add3A_1864 = arith.addf %add3A_1859, %mul3A_1863 : vector<16xf32>
      %mul3A_1865 = arith.mulf %get3A_1848, %sub3A_1824 : vector<16xf32>
      %mul3A_1866 = arith.mulf %get3A_1850, %get3A_1817 : vector<16xf32>
      %add3A_1867 = arith.addf %mul3A_1865, %mul3A_1866 : vector<16xf32>
      %mul3A_1868 = arith.mulf %add3A_1867, %mul3A_1834 : vector<16xf32>
      %add3A_1869 = arith.addf %add3A_1864, %mul3A_1868 : vector<16xf32>
      %swap3A_1870 = arith.constant 96 : index
      %swap3A_1871 = tpu.vector_load %arg10[%swap3A_1870] {strides = array<i32>} : memref<128xf32, #tpu.memory_space<vmem>>, vector<16xf32>,
      tpu.vector_store %arg10[%swap3A_1870], %add3A_1869 {strides = array<i32>} : memref<128xf32, #tpu.memory_space<vmem>>, vector<16xf32>,
      %get3A_1872 = arith.constant 112 : index
      %get3A_1873 = tpu.vector_load %arg8[%get3A_1872] {strides = array<i32>} : memref<384xf32, #tpu.memory_space<vmem>>, vector<16xf32>,
      %get3A_1874 = arith.constant 240 : index
      %get3A_1875 = tpu.vector_load %arg8[%get3A_1874] {strides = array<i32>} : memref<384xf32, #tpu.memory_space<vmem>>, vector<16xf32>,
      %get3A_1876 = arith.constant 368 : index
      %get3A_1877 = tpu.vector_load %arg8[%get3A_1876] {strides = array<i32>} : memref<384xf32, #tpu.memory_space<vmem>>, vector<16xf32>,
      %sub3A_1878 = arith.constant 1.000000e+00 : f32
      %sub3A_1879 = vector.broadcast %sub3A_1878 : f32 to vector<16xf32>
      %sub3A_1880 = arith.subf %sub3A_1879, %get3A_1873 : vector<16xf32>
      %sub3A_1881 = arith.constant 1.000000e+00 : f32
      %sub3A_1882 = vector.broadcast %sub3A_1881 : f32 to vector<16xf32>
      %sub3A_1883 = arith.subf %sub3A_1882, %get3A_1875 : vector<16xf32>
      %sub3A_1884 = arith.constant 1.000000e+00 : f32
      %sub3A_1885 = vector.broadcast %sub3A_1884 : f32 to vector<16xf32>
      %sub3A_1886 = arith.subf %sub3A_1885, %get3A_1877 : vector<16xf32>
      %mul3A_1887 = arith.mulf %sub3A_1886, %sub3A_1883 : vector<16xf32>
      %mul3A_1888 = arith.mulf %sub3A_1886, %get3A_1875 : vector<16xf32>
      %mul3A_1889 = arith.mulf %get3A_1877, %sub3A_1883 : vector<16xf32>
      %mul3A_1890 = arith.mulf %get3A_1877, %get3A_1875 : vector<16xf32>
      %get3A_1891 = arith.constant 112 : index
      %get3A_1892 = tpu.vector_load %arg9[%get3A_1891] {strides = array<i32>} : memref<1024xf32, #tpu.memory_space<vmem>>, vector<16xf32>,
      %get3A_1893 = arith.constant 240 : index
      %get3A_1894 = tpu.vector_load %arg9[%get3A_1893] {strides = array<i32>} : memref<1024xf32, #tpu.memory_space<vmem>>, vector<16xf32>,
      %get3A_1895 = arith.constant 368 : index
      %get3A_1896 = tpu.vector_load %arg9[%get3A_1895] {strides = array<i32>} : memref<1024xf32, #tpu.memory_space<vmem>>, vector<16xf32>,
      %get3A_1897 = arith.constant 496 : index
      %get3A_1898 = tpu.vector_load %arg9[%get3A_1897] {strides = array<i32>} : memref<1024xf32, #tpu.memory_space<vmem>>, vector<16xf32>,
      %get3A_1899 = arith.constant 624 : index
      %get3A_1900 = tpu.vector_load %arg9[%get3A_1899] {strides = array<i32>} : memref<1024xf32, #tpu.memory_space<vmem>>, vector<16xf32>,
      %get3A_1901 = arith.constant 752 : index
      %get3A_1902 = tpu.vector_load %arg9[%get3A_1901] {strides = array<i32>} : memref<1024xf32, #tpu.memory_space<vmem>>, vector<16xf32>,
      %get3A_1903 = arith.constant 880 : index
      %get3A_1904 = tpu.vector_load %arg9[%get3A_1903] {strides = array<i32>} : memref<1024xf32, #tpu.memory_space<vmem>>, vector<16xf32>,
      %get3A_1905 = arith.constant 1008 : index
      %get3A_1906 = tpu.vector_load %arg9[%get3A_1905] {strides = array<i32>} : memref<1024xf32, #tpu.memory_space<vmem>>, vector<16xf32>,
      %mul3A_1907 = arith.mulf %get3A_1892, %sub3A_1880 : vector<16xf32>
      %mul3A_1908 = arith.mulf %get3A_1894, %get3A_1873 : vector<16xf32>
      %add3A_1909 = arith.addf %mul3A_1907, %mul3A_1908 : vector<16xf32>
      %mul3A_1910 = arith.mulf %add3A_1909, %mul3A_1887 : vector<16xf32>
      %mul3A_1911 = arith.mulf %get3A_1896, %sub3A_1880 : vector<16xf32>
      %mul3A_1912 = arith.mulf %get3A_1898, %get3A_1873 : vector<16xf32>
      %add3A_1913 = arith.addf %mul3A_1911, %mul3A_1912 : vector<16xf32>
      %mul3A_1914 = arith.mulf %add3A_1913, %mul3A_1888 : vector<16xf32>
      %add3A_1915 = arith.addf %mul3A_1910, %mul3A_1914 : vector<16xf32>
      %mul3A_1916 = arith.mulf %get3A_1900, %sub3A_1880 : vector<16xf32>
      %mul3A_1917 = arith.mulf %get3A_1902, %get3A_1873 : vector<16xf32>
      %add3A_1918 = arith.addf %mul3A_1916, %mul3A_1917 : vector<16xf32>
      %mul3A_1919 = arith.mulf %add3A_1918, %mul3A_1889 : vector<16xf32>
      %add3A_1920 = arith.addf %add3A_1915, %mul3A_1919 : vector<16xf32>
      %mul3A_1921 = arith.mulf %get3A_1904, %sub3A_1880 : vector<16xf32>
      %mul3A_1922 = arith.mulf %get3A_1906, %get3A_1873 : vector<16xf32>
      %add3A_1923 = arith.addf %mul3A_1921, %mul3A_1922 : vector<16xf32>
      %mul3A_1924 = arith.mulf %add3A_1923, %mul3A_1890 : vector<16xf32>
      %add3A_1925 = arith.addf %add3A_1920, %mul3A_1924 : vector<16xf32>
      %swap3A_1926 = arith.constant 112 : index
      %swap3A_1927 = tpu.vector_load %arg10[%swap3A_1926] {strides = array<i32>} : memref<128xf32, #tpu.memory_space<vmem>>, vector<16xf32>,
      tpu.vector_store %arg10[%swap3A_1926], %add3A_1925 {strides = array<i32>} : memref<128xf32, #tpu.memory_space<vmem>>, vector<16xf32>,
      %dma_start3A_1928 = tpu.memref_slice %arg4[%add3A_20] : memref<4194304xf32, #tpu.memory_space<hbm>> -> memref<128xf32, #tpu.memory_space<hbm>>
      %dma_start3A_1929 = tpu.memref_slice %arg4[%add3A_20] : memref<4194304xf32, #tpu.memory_space<hbm>> -> memref<128xf32, #tpu.memory_space<hbm>>
      tpu.enqueue_dma source(%arg10 : memref<128xf32, #tpu.memory_space<vmem>>) target(%dma_start3A_1929 : memref<128xf32, #tpu.memory_space<hbm>>) target_semaphore(%arg13 : memref<!tpu.dma_semaphore, #tpu.memory_space<semaphore_mem>>)
      %dma_wait3A_1930 = tpu.memref_slice %arg4[%add3A_20] : memref<4194304xf32, #tpu.memory_space<hbm>> -> memref<128xf32, #tpu.memory_space<hbm>>
      %dma_wait3A_1931 = tpu.memref_slice %arg4[%add3A_20] : memref<4194304xf32, #tpu.memory_space<hbm>> -> memref<128xf32, #tpu.memory_space<hbm>>
      tpu.wait_dma2 semaphore(%arg13 : memref<!tpu.dma_semaphore, #tpu.memory_space<semaphore_mem>>) src(%arg10 : memref<128xf32, #tpu.memory_space<vmem>>) dst(%dma_wait3A_1931 : memref<128xf32, #tpu.memory_space<hbm>>)
    }
    %scan3A_16 = arith.constant 1024 : i32
    return
  }
}

</mosaic_0001>

<sc_bundles>
// kernel: kernel.3.cloned.1.call-start
scs
__scs_entry_jumppad:
0x0: {  	(pc) =	sbr.rel $0x88, $3  }
0x1: {  	(tag) =	ssettag $0x0;
	lr =	simm.s32 $0x1  }
0x2: {  	[smem:$0x3F9E] =	sst lr;
	_ =	strace $0xD0000000  }
0x3: {  	_ = 	snop  }
0x4: {  	_ = 	snop  }
0x5: {  	_ = 	snop  }
0x6: {  	_ = 	snop  }
0x7: {  	_ = 	snop  }
__scs_overlays_trampoline_lowered:
0x8: {  	[smem:$0x3FAD] =	sst s0  }
0x9: {  	[smem:$0x3FAE] =	sst s1  }
0xa: {  	[smem:$0x3FAF] =	sst s2  }
0xb: {  	[smem:$0x3FB0] =	sst s3  }
0xc: {  	[smem:$0x3FB1] =	sst s4  }
0xd: {  	[smem:$0x3FB2] =	sst s5  }
0xe: {  	[smem:$0x3FB3] =	sst s6  }
0xf: {  	[smem:$0x3FB4] =	sst s7  }
0x10: {  	[smem:$0x3FB5] =	sst s8  }
0x11: {  	[smem:$0x3FB6] =	sst s9;
	s0 =	simm.s32 @!p0 $0x0  }
0x12: {  	s1 =	sld [smem:$0x3F9C];
	s0 =	simm.s32 @p0 $0x1  }
0x13: {  	[smem:$0x3FB7] =	sst s0;
	s0 =	simm.s32 @!p1 $0x0  }
0x14: {  	s2 =	sld [smem:$0x3F9B];
	s0 =	simm.s32 @p1 $0x1  }
0x15: {  	[smem:$0x3FB8] =	sst s0;
	s0 =	simm.s32 @!p2 $0x0  }
0x16: {  	s3 =	sld [smem:$0x3FDB];
	s0 =	simm.s32 @p2 $0x1  }
0x17: {  	s4 =	simm.s32 $0x1BF5;
	[smem:$0x3FBA] =	sst s0  }
0x18: {  	s0 =	sld [smem:$0x3F9D];
	_ =	swait.ge [sflag:s4], $0x0  }
0x19: {  	s7 =	sld [smem:$0x3F9E]  }
0x1a: {  	s8 =	sadd.s32 $0xFFFFE003, lr  }
0x1b: {  	s9 =	sadd.s32 $0xFFFFFEF7, lr;
	s5 =	simm.s32 $0xFFFFFFFF;
	p2 =	slt.u32 s8, $0xFFFFF086  }
0x1c: {  	p1 =	slt.u32 s9, $0xF7A;
	s5 =	simm.s32 @!p2 $0x0  }
0x1d: {  	s5 =	simm.s32 @p1 $0x1;
	p0 =	seq.s32 s7, s2  }
0x1e: {  	s7 =	smul.u32 @!p0 $0xF7A, s2;
	p2 =	seq.s32 @!p0 s5, $0x0  }
0x1f: {  	s9 =	smul.u32 $0xF7A, s1;
	s8 =	simm.s32 @!p0 $0x1BF5;
	p2 =	por !p2, p0  }
0x20: {  	[sflag:s8] =	ssyncset.s32 @!p0 $0xFFFFF086;
	s6 =	sadd.s32 @!p0 s3, s7;
	s7 =	simm.s32 @!p0 $0x108  }
0x21: {  	s3 =	sadd.s32 s3, s9;
	s6 =	sadd.s32 @!p0 $0x88, s6;
	s7 =	simm.s32 @p2 $0x1082  }
0x22: {  	[simem:s7], [sflag:s8] =	dma.local @!p0 [hbm:s6], $0xF7A  }
0x23: {  	s9 =	sor.u32 $0xD0000000, s2;
	s6 =	simm.s32 $0x108;
	_ =	swait.ge @!p0 [sflag:s8], $0x0  }
0x24: {  	s3 =	sadd.s32 $0x88, s3;
	s6 =	simm.s32 @!p1 $0x1082;
	[sflag:s4] =	ssyncset.s32 $0xFFFFF086  }
0x25: {  	[simem:s6], [sflag:s4] =	dma.local [hbm:s3], $0xF7A  }
0x26: {  	[smem:$0x3F9E] =	sst s1;
	(tag) =	ssettag s2;
	_ =	strace s9  }
0x27: {  	s1 =	sld [smem:$0x3FAE]  }
0x28: {  	s2 =	sld [smem:$0x3FAF]  }
0x29: {  	s4 =	sld [smem:$0x3FB1]  }
0x2a: {  	p0 =	seq.s32 s5, $0x0;
	s5 =	sld [smem:$0x3FB2]  }
0x2b: {  	s6 =	sld [smem:$0x3FB3]  }
0x2c: {  	s7 =	sld [smem:$0x3FB4]  }
0x2d: {  	s3 =	simm.s32 $0x108;
	s8 =	sld [smem:$0x3FB5]  }
0x2e: {  	s3 =	simm.s32 @!p0 $0x1082;
	s9 =	sld [smem:$0x3FB6]  }
0x2f: {  	lr =	sadd.s32 s0, s3;
	s0 =	sld [smem:$0x3FAD]  }
0x30: {  	s3 =	sld [smem:$0x3FB0]  }
0x31: {  	[smem:$0x3FB9] =	sst s10  }
0x32: {  	s10 =	sld [smem:$0x3FB7];
	_ =	sdelay $0x3  }
0x33: {  	p0 =	seq.s32 s10, $0x1;
	s10 =	sld [smem:$0x3FB9];
	_ =	sdelay $0x3  }
0x34: {  	[smem:$0x3FB9] =	sst s10  }
0x35: {  	s10 =	sld [smem:$0x3FB8];
	_ =	sdelay $0x3  }
0x36: {  	p1 =	seq.s32 s10, $0x1;
	s10 =	sld [smem:$0x3FB9];
	_ =	sdelay $0x3  }
0x37: {  	[smem:$0x3FB9] =	sst s10  }
0x38: {  	s10 =	sld [smem:$0x3FBA]  }
0x39: {  	_ = 	snop;
	(pc) =	sbr.ind lr, $3  }
0x3a: {  	_ = 	snop  }
0x3b: {  	_ = 	snop  }
0x3c: {  	p2 =	seq.s32 s10, $0x1;
	s10 =	sld [smem:$0x3FB9]  }
0x3d: {  	_ =	shalt  }
0x3e: {  	_ =	shalt  }
0x3f: {  	_ =	shalt  }
0x40: {  	_ =	shalt  }
0x41: {  	_ =	shalt  }
0x42: {  	_ =	shalt  }
0x43: {  	_ =	shalt  }
0x44: {  	_ =	shalt  }
0x45: {  	_ =	shalt  }
0x46: {  	_ =	shalt  }
0x47: {  	_ =	shalt  }
0x48: {  	_ =	shalt  }
0x49: {  	_ =	shalt  }
0x4a: {  	_ =	shalt  }
0x4b: {  	_ =	shalt  }
0x4c: {  	_ =	shalt  }
0x4d: {  	_ =	shalt  }
0x4e: {  	_ =	shalt  }
0x4f: {  	_ =	shalt  }
0x50: {  	_ =	shalt  }
0x51: {  	_ =	shalt  }
0x52: {  	_ =	shalt  }
0x53: {  	_ =	shalt  }
0x54: {  	_ =	shalt  }
0x55: {  	_ =	shalt  }
0x56: {  	_ =	shalt  }
0x57: {  	_ =	shalt  }
0x58: {  	_ =	shalt  }
0x59: {  	_ =	shalt  }
0x5a: {  	_ =	shalt  }
0x5b: {  	_ =	shalt  }
0x5c: {  	_ =	shalt  }
0x5d: {  	_ =	shalt  }
0x5e: {  	_ =	shalt  }
0x5f: {  	_ =	shalt  }
0x60: {  	_ =	shalt  }
0x61: {  	_ =	shalt  }
0x62: {  	_ =	shalt  }
0x63: {  	_ =	shalt  }
0x64: {  	_ =	shalt  }
0x65: {  	_ =	shalt  }
0x66: {  	_ =	shalt  }
0x67: {  	_ =	shalt  }
0x68: {  	_ =	shalt  }
0x69: {  	_ =	shalt  }
0x6a: {  	_ =	shalt  }
0x6b: {  	_ =	shalt  }
0x6c: {  	_ =	shalt  }
0x6d: {  	_ =	shalt  }
0x6e: {  	_ =	shalt  }
0x6f: {  	_ =	shalt  }
0x70: {  	_ =	shalt  }
0x71: {  	_ =	shalt  }
0x72: {  	_ =	shalt  }
0x73: {  	_ =	shalt  }
0x74: {  	_ =	shalt  }
0x75: {  	_ =	shalt  }
0x76: {  	_ =	shalt  }
0x77: {  	_ =	shalt  }
0x78: {  	_ =	shalt  }
0x79: {  	_ =	shalt  }
0x7a: {  	_ =	shalt  }
0x7b: {  	_ =	shalt  }
0x7c: {  	_ =	shalt  }
0x7d: {  	_ =	shalt  }
0x7e: {  	_ =	shalt  }
0x7f: {  	_ =	shalt  }
0x80: {  	_ =	shalt  }
0x81: {  	_ =	shalt  }
0x82: {  	_ =	shalt  }
0x83: {  	_ =	shalt  }
0x84: {  	_ =	shalt  }
0x85: {  	_ =	shalt  }
0x86: {  	_ =	shalt  }
0x87: {  	_ =	shalt  }
.Lfunc_end0:
.L_simem_size_0:
called_computation_lowered:
.L_overlay_start_0:
0x88: {  	s2 =	sld [smem:$0x3FD9]  }
0x89: {  	s3 =	sld [smem:$0x3FFE];
	_ =	sdelay $0x1  }
0x8a: {  	s1 =	srdreg.scid  }
0x8b: {  	s0 =	sand.u32 $0x1, s1  }
0x8c: {  	s17 =	sshll.u32 s0, $0xA;
	s2 =	sadd.s32 s3, s2  }
0x8d: {  	s2 =	sadd.s32 s2, s17  }
0x8e: {  	[smem:$0x3FC5] =	sst s2  }
0x8f: {  	_ = 	snop  }
0x90: {  	s2 =	sld [smem:$0x3FC9]  }
0x91: {  	s18 =	sld [smem:$0x3FD0];
	(tm) =	ssettm $0x1  }
0x92: {  	s4 =	sld [smem:$0x3FFB];
	_ =	sdelay $0x3  }
0x93: {  	_ =	strace s4  }
0x94: {  	s4 =	sld [smem:$0x3FFC];
	_ =	sdelay $0x3  }
0x95: {  	_ =	strace s4  }
0x96: {  	s4 =	sld [smem:$0x3FFD];
	_ =	sdelay $0x3  }
0x97: {  	_ =	strace s4  }
0x98: {  	_ =	strace $0x8FFFFFFF  }
0x99: {  	s19 =	sld [smem:$0x3FDB];
	_ =	sdelay $0x1  }
0x9a: {  	s5 =	simm.s32 $_scs_section_size  }
0x9b: {  	s6 =	simm.s32 $_size__tile_overlayer_lowered;
	s7 =	simm.s32 $_tile_overlayer_lowered  }
0x9c: {  	s22 =	simm.s32 $0x1BFF;
	s21 =	sshll.u32 s7, $0x1;
	s4 =	sadd.s32 s5, s19  }
0x9d: {  	s8 =	simm.s32 $0x0;
	s20 =	sshll.u32 s6, $0x1;
	s6 =	sadd.s32 s21, s4  }
0x9e: {  	[timem:s8], [sflag:s22] =	dma.local [hbm:s6], s20  }
0x9f: {  	_ =	swait.ge [sflag:s22], s20  }
0xa0: {  	s5 =	ssub.s32 $0x0, s20;
	[sflag:s22] =	ssyncset.done $0x0  }
0xa1: {  	[sflag:s22] =	ssyncadd.s32 s5;
	_ =	sdelay $0x1  }
0xa2: {  	s23 =	simm.s32 $0x1B8B  }
0xa3: {  	_ =	swait.ge [sflag:s23], $0x1  }
0xa4: {  	[sflag:s23] =	ssyncset.done $0x0  }
0xa5: {  	s25 =	simm.s32 $0x1B8E;
	s24 =	sld [smem:$0x3FFE];
	[sflag:s23] =	ssyncadd.s32 $0xFFFFFFFF  }
0xa6: {  	s26 =	simm.s32 $execute0_lowered;
	[smem:$0x3FD2] =	sst s25  }
0xa7: {  	s6 =	sshll.u32 s26, $0x1;
	_ =	strace $0x80000046;
	[dreg:$0x1] =	wrdreg $0xFFFFFFFF  }
0xa8: {  	s28 =	simm.s32 $_size_execute0_lowered;
	s4 =	sadd.s32 s4, s6;
	[dreg:$0x0] =	wrdreg $0x0  }
0xa9: {  	s6 =	sshll.u32 s28, $0x1;
	[dreg:$0x2] =	wrdreg s4  }
0xaa: {  	[dreg:$0x3] =	wrdreg s6  }
0xab: {  	[dreg:$0x4] =	wrdreg $0xC0  }
0xac: {  	_ =	task [dreg:s8], $0x5FFFF  }
0xad: {  	[dreg:$0x1] =	wrdreg $0xFFFFFFFF  }
0xae: {  	[dreg:$0x0] =	wrdreg $0x60  }
0xaf: {  	[dreg:$0x2] =	wrdreg s2  }
0xb0: {  	[dreg:$0x3] =	wrdreg s24  }
0xb1: {  	[dreg:$0x4] =	wrdreg s18  }
0xb2: {  	[dreg:$0x5] =	wrdreg $0x0  }
0xb3: {  	[dreg:$0x6] =	wrdreg $0x9  }
0xb4: {  	_ =	task.clear_ibuf [dreg:s8], $0x7FFFF;
	_ =	strace $0x90000046  }
0xb5: {  	s29 =	simm.s32 $0x9;
	_ =	strace $0x80000048  }
0xb6: {  	_ =	swait.ge [sflag:s29], $0x1  }
0xb7: {  	[sflag:s29] =	ssyncadd.s32 $0xFFFFFFFF  }
0xb8: {  	_ =	strace $0x90000048  }
0xb9: {  	_ =	sfence  }
0xba: {  	s30 =	sld [smem:$0x0];
	_ =	sdelay $0x2  }
0xbb: {  	s31 =	sshll.u32 s1, $0xD;
	s1 =	sshrl.u32 s1, $0x2  }
0xbc: {  	s3 =	sand.u32 $0x4000, s31;
	s1 =	sadd.s32 s1, s30  }
0xbd: {  	s0 =	sor.u32 s3, s0;
	s1 =	sshll.u32 s1, $0x11  }
0xbe: {  	s0 =	sor.u32 s1, s0  }
0xbf: {  	s0 =	sadd.s32 $0x8F2B, s0  }
0xc0: {  	[sflag:s0] =	ssyncadd.remote.s32 $0x1  }
0xc1: {  	_ =	sfence.sel $0xFFFF  }
0xc2: {  	[dreg:$0x0] =	wrdreg $0xFFFFFFFF;
	(pc) =	sbr.abs _section_cstart, $3  }
0xc3: {  	[dreg:$0x1] =	wrdreg $0xFFFFFFFF  }
0xc4: {  	_ =	task.clear_ibuf [dreg:s8], $0x2FFFF;
	_ =	strace $0x9FFFFFFF  }
0xc5: {  	(tm) =	ssettm $0x7FFFFFFF  }
tec
execute0_lowered:
.L_overlay_start_1:
0x0: {  	(tag) =	ssettag $0x1  }
0x1: {  	s4 =	rddreg [dreg:$0x0]  }
0x2: {  	s5 =	rddreg [dreg:$0x1]  }
0x3: {  	s6 =	rddreg [dreg:$0x2]  }
0x4: {  	s1 =	rddreg [dreg:$0x3]  }
0x5: {  	s0 =	rddreg [dreg:$0x4];
	s2 =	srdreg.scid  }
0x6: {  	s3 =	simm.s32 $0x0;
	s13 =	simm.s32 $0x400;
	s14 =	simm.s32 $0x1F400  }
0x7: {  	s15 =	simm.s32 $0x1F980;
	s16 =	simm.s32 $0x2;
	s17 =	simm.s32 $0x1FD80  }
0x8: {  	s18 =	simm.s32 $0x3;
	s19 =	simm.s32 $0x0;
	s7 =	sand.u32 $0x1, s2  }
0x9: {  	s2 =	stileid.u32;
	[smem:$0x7FF] =	sst s3;
	s8 =	ssub.s32 $0x2, s7  }
0xa: {  	s9 =	smul.u32 $0x1F000, s2;
	_ =	strace $0x80000047;
	s10 =	sshll.u32 s7, $0x15  }
0xb: {  	s28 =	sshll.u32 s2, $0x6;
	s7 =	sshll.u32 s7, $0x12;
	s29 =	sshll.u32 s2, $0xE  }
0xc: {  	s30 =	sshll.u32 s2, $0x11;
	s11 =	sshrl.u32 s8, $0x1;
	s12 =	sadd.s32 s10, s5  }
0xd: {  	s7 =	sadd.s32 s7, s6;
	s8 =	ssub.s32 s8, s11;
	s26 =	sor.u32 s9, s10  }
0xe: {  	s9 =	sadd.s32 s9, s1;
	s7 =	sadd.s32 s29, s7;
	s31 =	sadd.s32 s30, s12  }
0xf: {  	s10 =	simm.s32 $0x4;
	s11 =	simm.s32 $0x1F000;
	s12 =	simm.s32 $0x1  }
0x10: {  	s5 =	sshrl.u32 s26, $0x3;
	s6 =	smax.u32 s8, $0x1;
	s8 =	sadd.s32 $0x400400, s31  }
0x11: {  	s9 =	sshrl.u32 s9, $0x3;
	s4 =	sadd.s32 s4, s5;
	s5 =	sor.u32 $0x1C04, s28  }
.LBB2_1:
0x12: {  	[spmem:s9], [sflag:s5] =	dma.local [hbm:s4], $0x3E00  }
0x13: {  	_ =	swait.ge [sflag:s10], $0x3E00  }
0x14: {  	[sflag:s10] =	ssyncset.done $0x0  }
0x15: {  	[sflag:s10] =	ssyncadd.s32 $0xFFFFC200  }
0x16: {  	s20 =	smov.u32 s8;
	s21 =	simm.s32 $0x0;
	[bflag:$0x0] =	sbarrier.arrive $0xFFFF  }
.LBB2_2:
0x17: {  	[tilespmem:s11], [sflag:$0x1] =	stream.linear.gather [hbm4b:s20+s3], $0x300, $0x38;
	[tilespmem:$0x1FE00] =	vst v63  }
0x18: {  	_ =	swait.ge [sflag:s12], $0x300  }
0x19: {  	[sflag:s12] =	ssyncset.done $0x0  }
0x1a: {  	[sflag:s12] =	ssyncadd.s32 $0xFFFFFD00  }
0x1b: {  	v0 =	vld [tilespmem:$0x1F000]  }
0x1c: {  	v1 =	vld [tilespmem:$0x1F180]  }
0x1d: {  	v2 =	vld [tilespmem:$0x1F080]  }
0x1e: {  	v3 =	vld [tilespmem:$0x1F100]  }
0x1f: {  	v4 =	vld [tilespmem:$0x1F200]  }
0x20: {  	v5 =	vld [tilespmem:$0x1F280]  }
0x21: {  	v11 =	vld [tilespmem:$0x1F010]  }
0x22: {  	v12 =	vld [tilespmem:$0x1F090]  }
0x23: {  	v13 =	vld [tilespmem:$0x1F190]  }
0x24: {  	v14 =	vld [tilespmem:$0x1F210]  }
0x25: {  	v16 =	vld [tilespmem:$0x1F110]  }
0x26: {  	v18 =	vld [tilespmem:$0x1F290];
	_ =	sdelay $0x1  }
0x27: {  	v0 =	vadd.f32 v1, v0  }
0x28: {  	v23 =	vadd.f32 v4, v2;
	v24 =	vadd.f32 v5, v3  }
0x29: {  	v11 =	vadd.f32 v13, v11;
	v12 =	vadd.f32 v14, v12  }
0x2a: {  	v36 =	vadd.f32 v18, v16;
	v0 =	vadd.f32 $1.000000000e+00, v0  }
0x2b: {  	v1 =	vadd.f32 $1.000000000e+00, v23;
	v2 =	vadd.f32 $1.000000000e+00, v24  }
0x2c: {  	v11 =	vadd.f32 $1.000000000e+00, v11;
	v12 =	vadd.f32 $1.000000000e+00, v12;
	v0 =	vmul.f32 $5.000000000e-01, v0  }
0x2d: {  	v14 =	vadd.f32 $1.000000000e+00, v36;
	v1 =	vmul.f32 $5.000000000e-01, v1;
	v2 =	vmul.f32 $5.000000000e-01, v2  }
0x2e: {  	v38 =	vmul.f32 $5.000000000e-01, v11;
	v12 =	vmul.f32 $5.000000000e-01, v12  }
0x2f: {  	v39 =	vmul.f32 $5.000000000e-01, v14;
	v0 =	vmul.f32 $1.270000000e+02, v0  }
0x30: {  	v1 =	vmul.f32 $1.270000000e+02, v1;
	v2 =	vmul.f32 $1.270000000e+02, v2  }
0x31: {  	v13 =	vmul.f32 $1.270000000e+02, v38;
	v12 =	vmul.f32 $1.270000000e+02, v12  }
0x32: {  	v40 =	vmul.f32 $1.270000000e+02, v39;
	v0 =	vmax.f32 v0, $0.0e+00;
	v1 =	vmax.f32 v1, $0.0e+00  }
0x33: {  	v2 =	vmax.f32 v2, $0.0e+00;
	v13 =	vmax.f32 v13, $0.0e+00;
	v12 =	vmax.f32 v12, $0.0e+00  }
0x34: {  	v0 =	vmin.f32 v0, $1.270000000e+02;
	v1 =	vmin.f32 v1, $1.270000000e+02;
	v2 =	vmin.f32 v2, $1.270000000e+02  }
0x35: {  	v41 =	vmin.f32 v13, $1.270000000e+02;
	v25 =	vtrunc.f32 v0;
	v26 =	vtrunc.f32 v1  }
0x36: {  	v12 =	vmin.f32 v12, $1.270000000e+02;
	v6 =	vtrunc.f32 v2;
	v13 =	vtrunc.f32 v41  }
0x37: {  	v42 =	vtrunc.f32 v12;
	v3 =	vcvt.f32.s32 v25  }
0x38: {  	v4 =	vcvt.f32.s32 v26;
	v8 =	vcvt.f32.s32 v6  }
0x39: {  	v22 =	vcvt.f32.s32 v13;
	v19 =	vcvt.f32.s32 v42  }
0x3a: {  	v27 =	vcvt.s32.f32 v3;
	v28 =	vadd.s32 $0x1, v3;
	v29 =	vcvt.s32.f32 v4  }
0x3b: {  	v9 =	vadd.s32 $0x1, v8;
	v10 =	vshll.u32 v8, $0x7;
	v8 =	vcvt.s32.f32 v8  }
0x3c: {  	v49 =	vld [tilespmem:$0x1F020];
	v7 =	vadd.s32 $0x1, v4;
	v44 =	vcvt.s32.f32 v22;
	v20 =	vcvt.s32.f32 v19  }
0x3d: {  	v24 =	vld [tilespmem:$0x1F1A0];
	v46 =	vadd.s32 $0x1, v22;
	v48 =	vadd.s32 $0x1, v19;
	vm0 =	vlt.s32 v28, $0x7F  }
0x3e: {  	v21 =	vld [tilespmem:$0x1F0A0];
	vm13 =	vlt.s32 v7, $0x7F;
	vm14 =	vlt.s32 v9, $0x7F;
	v31 =	vadd.s32 v4, v10  }
0x3f: {  	v25 =	vld [tilespmem:$0x1F220];
	vm11 =	vlt.s32 v46, $0x7F;
	vm12 =	vlt.s32 v48, $0x7F;
	v0 =	vsub.f32 v0, v27  }
0x40: {  	v5 =	vnsel vm0, $0x7F, v28;
	v7 =	vnsel vm13, $0x7F, v7;
	v1 =	vsub.f32 v1, v29  }
0x41: {  	v30 =	vnsel vm14, $0x7F, v9;
	v9 =	vshll.u32 v31, $0x7;
	v13 =	vsub.f32 v2, v8  }
0x42: {  	v2 =	vsub.f32 v12, v20;
	v8 =	vnsel vm11, $0x7F, v46;
	v20 =	vadd.f32 v24, v49  }
0x43: {  	v10 =	vadd.s32 v7, v10;
	v6 =	vshll.u32 v30, $0x7;
	v32 =	vadd.s32 v3, v9  }
0x44: {  	v33 =	vadd.s32 v5, v9;
	v21 =	vadd.f32 v25, v21;
	v15 =	vshll.u32 v10, $0x7  }
0x45: {  	v4 =	vadd.s32 v4, v6;
	v6 =	vadd.s32 v7, v6;
	vm15 =	vlt.s32 v32, $0x1EFFFF  }
0x46: {  	vm4 =	vlt.s32 v33, $0x1EFFFF;
	v24 =	vadd.f32 $1.000000000e+00, v20;
	v4 =	vshll.u32 v4, $0x7  }
0x47: {  	v17 =	vshll.u32 v6, $0x7;
	v34 =	vadd.s32 v3, v15;
	v10 =	vnsel vm15, $0x1EFFFF, v32  }
0x48: {  	v7 =	vnsel vm4, $0x1EFFFF, v33;
	v35 =	vadd.s32 v5, v15;
	v25 =	vadd.f32 $1.000000000e+00, v21  }
0x49: {  	v39 =	vld [tilespmem:$0x1F2B0];
	vm5 =	vlt.s32 v34, $0x1EFFFF;
	vm6 =	vlt.s32 v35, $0x1EFFFF;
	v37 =	vadd.s32 v3, v4  }
0x4a: {  	v46 =	vld [tilespmem:$0x1F130];
	v4 =	vadd.s32 v5, v4;
	v3 =	vadd.s32 v3, v17;
	v5 =	vadd.s32 v5, v17  }
0x4b: {  	v17 =	vnsel vm12, $0x7F, v48;
	v24 =	vmul.f32 $5.000000000e-01, v24;
	v6 =	vnsel vm5, $0x1EFFFF, v34  }
0x4c: {  	v9 =	vnsel vm6, $0x1EFFFF, v35;
	vm7 =	vlt.s32 v37, $0x1EFFFF;
	vm8 =	vlt.s32 v4, $0x1EFFFF;
	v34 =	vld [tilespmem:$0x1F0B0]  }
0x4d: {  	vm9 =	vlt.s32 v3, $0x1EFFFF;
	vm10 =	vlt.s32 v5, $0x1EFFFF;
	v56 =	vmul.f32 $5.000000000e-01, v25;
	v35 =	vld [tilespmem:$0x1F230]  }
0x4e: {  	v14 =	vnsel vm8, $0x1EFFFF, v4;
	v4 =	vmax.f32 v40, $0.0e+00;
	v24 =	vmul.f32 $1.270000000e+02, v24  }
0x4f: {  	v49 =	vadd.f32 v39, v46;
	v11 =	vnsel vm7, $0x1EFFFF, v37;
	v4 =	vmin.f32 v4, $1.270000000e+02  }
0x50: {  	v15 =	vnsel vm9, $0x1EFFFF, v3;
	v43 =	vtrunc.f32 v4;
	v24 =	vmax.f32 v24, $0.0e+00  }
0x51: {  	v16 =	vnsel vm10, $0x1EFFFF, v5;
	v45 =	vcvt.f32.s32 v43;
	v58 =	vmin.f32 v24, $1.270000000e+02  }
0x52: {  	v3 =	vsub.f32 v41, v44;
	v24 =	vtrunc.f32 v58;
	v34 =	vadd.f32 v35, v34  }
0x53: {  	v35 =	vadd.f32 $1.000000000e+00, v49;
	v47 =	vcvt.s32.f32 v45;
	v50 =	vadd.s32 $0x1, v45  }
0x54: {  	v5 =	vshll.u32 v45, $0x7;
	v59 =	vcvt.f32.s32 v24;
	vm13 =	vlt.s32 v50, $0x7F  }
0x55: {  	v52 =	vadd.s32 v19, v5;
	v5 =	vadd.s32 v17, v5;
	v34 =	vadd.f32 $1.000000000e+00, v34  }
0x56: {  	v53 =	vld [tilespmem:$0x1F2A0];
	v4 =	vsub.f32 v4, v47;
	v51 =	vnsel vm13, $0x7F, v50;
	v18 =	vshll.u32 v52, $0x7  }
0x57: {  	v23 =	vld [tilespmem:$0x1F120];
	v5 =	vshll.u32 v5, $0x7;
	v62 =	vcvt.s32.f32 v59;
	v32 =	vadd.s32 $0x1, v59  }
0x58: {  	v52 =	vmul.f32 $5.000000000e-01, v35;
	v12 =	vshll.u32 v51, $0x7;
	v54 =	vadd.s32 v22, v18  }
0x59: {  	v27 =	vadd.s32 v8, v18;
	v28 =	vadd.s32 v22, v5;
	v5 =	vadd.s32 v8, v5  }
0x5a: {  	vm10 =	vlt.s32 v32, $0x7F;
	v51 =	vmul.f32 $5.000000000e-01, v34;
	v19 =	vadd.s32 v19, v12  }
0x5b: {  	v12 =	vadd.s32 v17, v12;
	vm14 =	vlt.s32 v54, $0x1EFFFF;
	vm15 =	vlt.s32 v27, $0x1EFFFF  }
0x5c: {  	vm4 =	vlt.s32 v28, $0x1EFFFF;
	v17 =	vadd.f32 v53, v23;
	vm5 =	vlt.s32 v5, $0x1EFFFF  }
0x5d: {  	v63 =	vnsel vm10, $0x7F, v32;
	v26 =	vshll.u32 v19, $0x7;
	v12 =	vshll.u32 v12, $0x7  }
0x5e: {  	v18 =	vnsel vm14, $0x1EFFFF, v54;
	v19 =	vnsel vm15, $0x1EFFFF, v27;
	v20 =	vnsel vm4, $0x1EFFFF, v28  }
0x5f: {  	v21 =	vnsel vm5, $0x1EFFFF, v5;
	v5 =	vmul.f32 $1.270000000e+02, v56;
	v17 =	vadd.f32 $1.000000000e+00, v17  }
0x60: {  	v55 =	vadd.s32 v22, v26;
	v26 =	vadd.s32 v8, v26;
	v57 =	vadd.s32 v22, v12  }
0x61: {  	v8 =	vadd.s32 v8, v12;
	vm6 =	vlt.s32 v55, $0x1EFFFF;
	v17 =	vmul.f32 $5.000000000e-01, v17  }
0x62: {  	v12 =	vsub.f32 v58, v62;
	v22 =	vnsel vm6, $0x1EFFFF, v55;
	v55 =	vmul.f32 $1.270000000e+02, v52  }
0x63: {  	v46 =	vld [tilespmem:$0x1F140];
	vm7 =	vlt.s32 v26, $0x1EFFFF;
	v5 =	vmax.f32 v5, $0.0e+00;
	v17 =	vmul.f32 $1.270000000e+02, v17  }
0x64: {  	vm8 =	vlt.s32 v57, $0x1EFFFF;
	v5 =	vmin.f32 v5, $1.270000000e+02;
	v35 =	vmax.f32 v55, $0.0e+00;
	v55 =	vld [tilespmem:$0x1F2C0]  }
0x65: {  	vm9 =	vlt.s32 v8, $0x1EFFFF;
	v60 =	vtrunc.f32 v5;
	v17 =	vmax.f32 v17, $0.0e+00  }
0x66: {  	v23 =	vnsel vm7, $0x1EFFFF, v26;
	v61 =	vcvt.f32.s32 v60;
	v17 =	vmin.f32 v17, $1.270000000e+02  }
0x67: {  	v24 =	vnsel vm8, $0x1EFFFF, v57;
	v25 =	vnsel vm9, $0x1EFFFF, v8;
	v29 =	vtrunc.f32 v17  }
0x68: {  	v33 =	vld [tilespmem:$0x1F1B0];
	v30 =	vcvt.s32.f32 v61;
	v43 =	vadd.s32 $0x1, v61;
	v29 =	vcvt.f32.s32 v29  }
0x69: {  	v44 =	vld [tilespmem:$0x1F030];
	v41 =	vmin.f32 v35, $1.270000000e+02;
	vm12 =	vlt.s32 v43, $0x7F;
	v46 =	vadd.f32 v55, v46  }
0x6a: {  	v8 =	vsub.f32 v5, v30;
	v30 =	vnsel vm12, $0x7F, v43;
	v31 =	vcvt.s32.f32 v29  }
0x6b: {  	v42 =	vadd.s32 $0x1, v29;
	v29 =	vshll.u32 v29, $0x7;
	v46 =	vadd.f32 $1.000000000e+00, v46  }
0x6c: {  	vm11 =	vlt.s32 v42, $0x7F;
	v45 =	vadd.s32 v61, v29;
	v29 =	vadd.s32 v30, v29  }
0x6d: {  	v5 =	vsub.f32 v17, v31;
	v26 =	vnsel vm11, $0x7F, v42;
	v32 =	vshll.u32 v45, $0x7  }
0x6e: {  	v29 =	vshll.u32 v29, $0x7;
	v31 =	vadd.f32 v33, v44;
	v46 =	vmul.f32 $5.000000000e-01, v46  }
0x6f: {  	v26 =	vshll.u32 v26, $0x7;
	v36 =	vadd.s32 v59, v32;
	v37 =	vadd.s32 v63, v32  }
0x70: {  	v38 =	vadd.s32 v59, v29;
	v40 =	vadd.s32 v63, v29;
	v28 =	vadd.s32 v61, v26  }
0x71: {  	v26 =	vadd.s32 v30, v26;
	vm13 =	vlt.s32 v36, $0x1EFFFF;
	vm14 =	vlt.s32 v37, $0x1EFFFF  }
0x72: {  	vm15 =	vlt.s32 v38, $0x1EFFFF;
	v31 =	vadd.f32 $1.000000000e+00, v31;
	vm4 =	vlt.s32 v40, $0x1EFFFF  }
0x73: {  	v49 =	vld [tilespmem:$0x1F240];
	v46 =	vmul.f32 $1.270000000e+02, v46;
	v28 =	vshll.u32 v28, $0x7;
	v26 =	vshll.u32 v26, $0x7  }
0x74: {  	v42 =	vld [tilespmem:$0x1F0C0];
	v32 =	vnsel vm13, $0x1EFFFF, v36;
	v29 =	vnsel vm14, $0x1EFFFF, v37;
	v30 =	vnsel vm4, $0x1EFFFF, v40  }
0x75: {  	v47 =	vadd.s32 v59, v28;
	v48 =	vadd.s32 v63, v28;
	v28 =	vnsel vm15, $0x1EFFFF, v38  }
0x76: {  	v31 =	vmul.f32 $5.000000000e-01, v31;
	v27 =	vadd.s32 v59, v26;
	v17 =	vadd.s32 v63, v26  }
0x77: {  	v26 =	vmul.f32 $1.270000000e+02, v51;
	v59 =	vtrunc.f32 v41;
	vm5 =	vlt.s32 v47, $0x1EFFFF  }
0x78: {  	vm6 =	vlt.s32 v48, $0x1EFFFF;
	vm7 =	vlt.s32 v27, $0x1EFFFF;
	vm8 =	vlt.s32 v17, $0x1EFFFF  }
0x79: {  	v55 =	vld [tilespmem:$0x1F050];
	v60 =	vcvt.f32.s32 v59;
	v42 =	vadd.f32 v49, v42;
	v50 =	vmul.f32 $1.270000000e+02, v31  }
0x7a: {  	v63 =	vld [tilespmem:$0x1F040];
	v31 =	vnsel vm5, $0x1EFFFF, v47;
	v33 =	vnsel vm6, $0x1EFFFF, v48;
	v26 =	vmax.f32 v26, $0.0e+00  }
0x7b: {  	v49 =	vld [tilespmem:$0x1F1D0];
	v34 =	vnsel vm7, $0x1EFFFF, v27;
	v35 =	vnsel vm8, $0x1EFFFF, v17;
	v26 =	vmin.f32 v26, $1.270000000e+02  }
0x7c: {  	v48 =	vld [tilespmem:$0x1F1C0];
	v45 =	vshll.u32 v60, $0x7;
	v42 =	vadd.f32 $1.000000000e+00, v42;
	v53 =	vmax.f32 v50, $0.0e+00  }
0x7d: {  	v47 =	vcvt.s32.f32 v60;
	v57 =	vtrunc.f32 v26;
	v54 =	vmin.f32 v53, $1.270000000e+02  }
0x7e: {  	v37 =	vcvt.f32.s32 v57;
	v53 =	vadd.s32 $0x1, v60;
	v42 =	vmul.f32 $5.000000000e-01, v42  }
0x7f: {  	v41 =	vsub.f32 v41, v47;
	v56 =	vtrunc.f32 v54;
	vm11 =	vlt.s32 v53, $0x7F  }
0x80: {  	v49 =	vadd.f32 v49, v55;
	v27 =	vcvt.f32.s32 v56;
	v43 =	vcvt.s32.f32 v37  }
0x81: {  	v62 =	vadd.s32 $0x1, v37;
	v36 =	vnsel vm11, $0x7F, v53;
	v40 =	vadd.f32 v48, v63  }
0x82: {  	vm10 =	vlt.s32 v62, $0x7F;
	v36 =	vshll.u32 v36, $0x7;
	v58 =	vcvt.s32.f32 v27  }
0x83: {  	v61 =	vadd.s32 $0x1, v27;
	v38 =	vnsel vm10, $0x7F, v62;
	v40 =	vadd.f32 $1.000000000e+00, v40  }
0x84: {  	v62 =	vmul.f32 $1.270000000e+02, v42;
	vm9 =	vlt.s32 v61, $0x7F;
	v17 =	vsub.f32 v54, v58  }
0x85: {  	v44 =	vnsel vm9, $0x7F, v61;
	v54 =	vadd.s32 v37, v45;
	v45 =	vadd.s32 v38, v45  }
0x86: {  	v37 =	vadd.s32 v37, v36;
	v36 =	vadd.s32 v38, v36;
	v40 =	vmul.f32 $5.000000000e-01, v40  }
0x87: {  	v39 =	vshll.u32 v54, $0x7;
	v45 =	vshll.u32 v45, $0x7;
	v50 =	vshll.u32 v37, $0x7  }
0x88: {  	v51 =	vshll.u32 v36, $0x7;
	v56 =	vadd.s32 v27, v39;
	v57 =	vadd.s32 v44, v39  }
0x89: {  	v58 =	vadd.s32 v27, v45;
	v45 =	vadd.s32 v44, v45;
	v59 =	vadd.s32 v27, v50  }
0x8a: {  	v60 =	vadd.s32 v44, v50;
	v61 =	vmul.f32 $1.270000000e+02, v40;
	v27 =	vadd.s32 v27, v51  }
0x8b: {  	v51 =	vadd.s32 v44, v51;
	vm12 =	vlt.s32 v56, $0x1EFFFF;
	vm13 =	vlt.s32 v57, $0x1EFFFF  }
0x8c: {  	vm14 =	vlt.s32 v58, $0x1EFFFF;
	vm15 =	vlt.s32 v45, $0x1EFFFF;
	vm4 =	vlt.s32 v59, $0x1EFFFF  }
0x8d: {  	vm5 =	vlt.s32 v60, $0x1EFFFF;
	vm6 =	vlt.s32 v27, $0x1EFFFF;
	v36 =	vnsel vm12, $0x1EFFFF, v56  }
0x8e: {  	v37 =	vnsel vm13, $0x1EFFFF, v57;
	v38 =	vnsel vm14, $0x1EFFFF, v58;
	v39 =	vnsel vm15, $0x1EFFFF, v45  }
0x8f: {  	v40 =	vnsel vm4, $0x1EFFFF, v59;
	v45 =	vmax.f32 v61, $0.0e+00;
	v56 =	vmax.f32 v62, $0.0e+00  }
0x90: {  	v57 =	vmax.f32 v46, $0.0e+00;
	v63 =	vmin.f32 v45, $1.270000000e+02;
	v48 =	vmin.f32 v56, $1.270000000e+02  }
0x91: {  	v47 =	vld [tilespmem:$0x1F0D0];
	v50 =	vmin.f32 v57, $1.270000000e+02;
	v58 =	vtrunc.f32 v63;
	v59 =	vtrunc.f32 v48  }
0x92: {  	v42 =	vnsel vm5, $0x1EFFFF, v60;
	v56 =	vld [tilespmem:$0x1F250];
	v60 =	vtrunc.f32 v50;
	v46 =	vcvt.f32.s32 v58  }
0x93: {  	vm7 =	vlt.s32 v51, $0x1EFFFF;
	v52 =	vcvt.f32.s32 v59;
	v53 =	vcvt.f32.s32 v60  }
0x94: {  	v43 =	vsub.f32 v26, v43;
	v44 =	vnsel vm6, $0x1EFFFF, v27;
	v45 =	vnsel vm7, $0x1EFFFF, v51  }
0x95: {  	v61 =	vcvt.s32.f32 v46;
	v54 =	vcvt.s32.f32 v52;
	v62 =	vadd.s32 $0x1, v53  }
0x96: {  	[tilespmem:$0x1F800] =	vst v0;
	v51 =	vadd.s32 $0x1, v46;
	v57 =	vshll.u32 v53, $0x7;
	v0 =	vcvt.s32.f32 v53  }
0x97: {  	vm8 =	vlt.s32 v62, $0x7F;
	v58 =	vadd.s32 v52, v57;
	v47 =	vadd.f32 v56, v47  }
0x98: {  	vm10 =	vlt.s32 v51, $0x7F;
	v27 =	vsub.f32 v63, v61;
	v26 =	vsub.f32 v48, v54  }
0x99: {  	[tilespmem:$0x1F880] =	vst v1;
	v63 =	vadd.s32 $0x1, v52;
	v48 =	vnsel vm8, $0x7F, v62;
	v62 =	vshll.u32 v58, $0x7  }
0x9a: {  	[tilespmem:$0x1F890] =	vst v2;
	v51 =	vnsel vm10, $0x7F, v51;
	v2 =	vsub.f32 v50, v0;
	vm9 =	vlt.s32 v63, $0x7F  }
0x9b: {  	[tilespmem:$0x1F900] =	vst v13;
	v48 =	vshll.u32 v48, $0x7;
	v56 =	vadd.s32 v46, v62;
	v58 =	vadd.s32 v51, v62  }
0x9c: {  	[tilespmem:$0x1F400] =	vst v10;
	v61 =	vld [tilespmem:$0x1F150];
	v62 =	vadd.f32 $1.000000000e+00, v49;
	v54 =	vnsel vm9, $0x7F, v63;
	v52 =	vadd.s32 v52, v48  }
0x9d: {  	[tilespmem:$0x1F480] =	vst v7;
	v63 =	vld [tilespmem:$0x1F2D0];
	vm11 =	vlt.s32 v56, $0x1EFFFF;
	vm12 =	vlt.s32 v58, $0x1EFFFF;
	v60 =	vadd.s32 v54, v57  }
0x9e: {  	[tilespmem:$0x1F580] =	vst v9;
	v48 =	vadd.s32 v54, v48;
	v7 =	vnsel vm11, $0x1EFFFF, v56;
	v9 =	vnsel vm12, $0x1EFFFF, v58  }
0x9f: {  	[tilespmem:$0x1F600] =	vst v11;
	v11 =	vmul.f32 $5.000000000e-01, v62;
	v57 =	vshll.u32 v60, $0x7;
	v48 =	vshll.u32 v48, $0x7  }
0xa0: {  	[tilespmem:$0x1F500] =	vst v6;
	v59 =	vadd.s32 v46, v57;
	v60 =	vadd.s32 v51, v57;
	v53 =	vadd.s32 v46, v48  }
0xa1: {  	[tilespmem:$0x1F680] =	vst v14;
	v58 =	vadd.s32 v51, v48;
	vm13 =	vlt.s32 v59, $0x1EFFFF;
	vm14 =	vlt.s32 v60, $0x1EFFFF  }
0xa2: {  	[tilespmem:$0x1F700] =	vst v15;
	vm5 =	vlt.s32 v53, $0x1EFFFF;
	v61 =	vadd.f32 v63, v61;
	v63 =	vadd.f32 $1.000000000e+00, v47  }
0xa3: {  	[tilespmem:$0x1F780] =	vst v16;
	vm8 =	vlt.s32 v58, $0x1EFFFF;
	v10 =	vnsel vm13, $0x1EFFFF, v59;
	v47 =	vshll.u32 v52, $0x7  }
0xa4: {  	[tilespmem:$0x1F810] =	vst v3;
	v49 =	vadd.s32 v46, v47;
	v14 =	vadd.f32 $1.000000000e+00, v61;
	v15 =	vmul.f32 $5.000000000e-01, v63  }
0xa5: {  	[tilespmem:$0x1F910] =	vst v4;
	v62 =	vld [tilespmem:$0x1F060];
	v6 =	vnsel vm14, $0x1EFFFF, v60;
	v52 =	vmul.f32 $1.270000000e+02, v11;
	vm15 =	vlt.s32 v49, $0x1EFFFF  }
0xa6: {  	[tilespmem:$0x1F410] =	vst v18;
	v11 =	vnsel vm15, $0x1EFFFF, v49;
	v49 =	vld [tilespmem:$0x1F1E0];
	v14 =	vmul.f32 $5.000000000e-01, v14;
	v15 =	vmul.f32 $1.270000000e+02, v15  }
0xa7: {  	[tilespmem:$0x1F690] =	vst v23;
	v23 =	vnsel vm8, $0x1EFFFF, v58;
	v16 =	vadd.s32 v51, v47;
	v55 =	vmax.f32 v52, $0.0e+00  }
0xa8: {  	[tilespmem:$0x1F490] =	vst v19;
	v18 =	vmin.f32 v55, $1.270000000e+02;
	v54 =	vmul.f32 $1.270000000e+02, v14;
	v15 =	vmax.f32 v15, $0.0e+00  }
0xa9: {  	[tilespmem:$0x1F510] =	vst v20;
	vm4 =	vlt.s32 v16, $0x1EFFFF;
	v14 =	vtrunc.f32 v18;
	v15 =	vmin.f32 v15, $1.270000000e+02  }
0xaa: {  	[tilespmem:$0x1F610] =	vst v22;
	v22 =	vcvt.f32.s32 v14;
	v14 =	vnsel vm5, $0x1EFFFF, v53;
	v13 =	vmax.f32 v54, $0.0e+00  }
0xab: {  	[tilespmem:$0x1F710] =	vst v24;
	v56 =	vtrunc.f32 v15;
	v24 =	vadd.f32 v49, v62;
	v20 =	vmin.f32 v13, $1.270000000e+02  }
0xac: {  	[tilespmem:$0x1F590] =	vst v21;
	v13 =	vnsel vm4, $0x1EFFFF, v16;
	v16 =	vcvt.f32.s32 v56;
	v54 =	vadd.s32 $0x1, v22  }
0xad: {  	[tilespmem:$0x1F820] =	vst v12;
	v51 =	vld [tilespmem:$0x1F0E0];
	v60 =	vcvt.s32.f32 v22;
	v57 =	vtrunc.f32 v20;
	vm9 =	vlt.s32 v54, $0x7F  }
0xae: {  	[tilespmem:$0x1F790] =	vst v25;
	v56 =	vld [tilespmem:$0x1F260];
	v24 =	vadd.f32 $1.000000000e+00, v24;
	v21 =	vcvt.f32.s32 v57;
	v59 =	vadd.s32 $0x1, v16  }
0xaf: {  	[tilespmem:$0x1F8A0] =	vst v8;
	v63 =	vcvt.s32.f32 v16;
	v1 =	vsub.f32 v18, v60;
	v18 =	vnsel vm9, $0x7F, v54  }
0xb0: {  	[tilespmem:$0x1F920] =	vst v5;
	v53 =	vld [tilespmem:$0x1F160];
	vm6 =	vlt.s32 v59, $0x7F;
	v24 =	vmul.f32 $5.000000000e-01, v24;
	v61 =	vadd.s32 $0x1, v21  }
0xb1: {  	[tilespmem:$0x1F420] =	vst v32;
	v57 =	vld [tilespmem:$0x1F2E0];
	v48 =	vnsel vm6, $0x7F, v59;
	v0 =	vsub.f32 v15, v63;
	v52 =	vshll.u32 v21, $0x7  }
0xb2: {  	[tilespmem:$0x1F4A0] =	vst v29;
	v21 =	vcvt.s32.f32 v21;
	vm7 =	vlt.s32 v61, $0x7F;
	v55 =	vadd.s32 v16, v52  }
0xb3: {  	[tilespmem:$0x1F5A0] =	vst v30;
	v3 =	vadd.s32 v48, v52;
	v19 =	vadd.f32 v56, v51;
	v24 =	vmul.f32 $1.270000000e+02, v24  }
0xb4: {  	[tilespmem:$0x1F520] =	vst v28;
	v50 =	vnsel vm7, $0x7F, v61;
	v25 =	vshll.u32 v55, $0x7;
	v3 =	vshll.u32 v3, $0x7  }
0xb5: {  	[tilespmem:$0x1F620] =	vst v31;
	v20 =	vsub.f32 v20, v21;
	v4 =	vshll.u32 v50, $0x7;
	v58 =	vadd.s32 v22, v25  }
0xb6: {  	[tilespmem:$0x1F6A0] =	vst v33;
	v25 =	vadd.s32 v18, v25;
	v15 =	vadd.f32 v57, v53;
	v59 =	vadd.s32 v22, v3  }
0xb7: {  	[tilespmem:$0x1F720] =	vst v34;
	v3 =	vadd.s32 v18, v3;
	v19 =	vadd.f32 $1.000000000e+00, v19;
	v32 =	vmax.f32 v24, $0.0e+00  }
0xb8: {  	[tilespmem:$0x1F7A0] =	vst v35;
	v16 =	vadd.s32 v16, v4;
	v4 =	vadd.s32 v48, v4;
	vm10 =	vlt.s32 v58, $0x1EFFFF  }
0xb9: {  	[tilespmem:$0x1F930] =	vst v41;
	vm11 =	vlt.s32 v25, $0x1EFFFF;
	vm12 =	vlt.s32 v59, $0x1EFFFF;
	vm13 =	vlt.s32 v3, $0x1EFFFF  }
0xba: {  	[tilespmem:$0x1F8B0] =	vst v43;
	v16 =	vshll.u32 v16, $0x7;
	v4 =	vshll.u32 v4, $0x7;
	v60 =	vnsel vm10, $0x1EFFFF, v58  }
0xbb: {  	[tilespmem:$0x1F830] =	vst v17;
	v61 =	vnsel vm11, $0x1EFFFF, v25;
	v5 =	vnsel vm12, $0x1EFFFF, v59;
	v3 =	vnsel vm13, $0x1EFFFF, v3  }
0xbc: {  	[tilespmem:$0x1F430] =	vst v36;
	v55 =	vld [tilespmem:$0x1F2F0];
	v19 =	vmul.f32 $5.000000000e-01, v19;
	v15 =	vadd.f32 $1.000000000e+00, v15;
	v62 =	vadd.s32 v22, v16  }
0xbd: {  	[tilespmem:$0x1F4B0] =	vst v37;
	v50 =	vld [tilespmem:$0x1F170];
	v16 =	vadd.s32 v18, v16;
	v63 =	vadd.s32 v22, v4;
	v22 =	vmin.f32 v32, $1.270000000e+02  }
0xbe: {  	[tilespmem:$0x1F530] =	vst v38;
	v4 =	vadd.s32 v18, v4;
	vm14 =	vlt.s32 v62, $0x1EFFFF;
	vm15 =	vlt.s32 v16, $0x1EFFFF  }
0xbf: {  	[tilespmem:$0x1F5B0] =	vst v39;
	v19 =	vmul.f32 $1.270000000e+02, v19;
	v15 =	vmul.f32 $5.000000000e-01, v15;
	vm4 =	vlt.s32 v63, $0x1EFFFF  }
0xc0: {  	[tilespmem:$0x1F630] =	vst v40;
	v33 =	vtrunc.f32 v22;
	vm5 =	vlt.s32 v4, $0x1EFFFF;
	v25 =	vnsel vm14, $0x1EFFFF, v62  }
0xc1: {  	[tilespmem:$0x1F7B0] =	vst v45;
	v45 =	vld [tilespmem:$0x1F070];
	v16 =	vnsel vm15, $0x1EFFFF, v16;
	v35 =	vcvt.f32.s32 v33;
	v37 =	vnsel vm4, $0x1EFFFF, v63  }
0xc2: {  	[tilespmem:$0x1F6B0] =	vst v42;
	v52 =	vld [tilespmem:$0x1F1F0];
	v62 =	vadd.f32 v55, v50;
	v15 =	vmul.f32 $1.270000000e+02, v15;
	v19 =	vmax.f32 v19, $0.0e+00  }
0xc3: {  	[tilespmem:$0x1F730] =	vst v44;
	v4 =	vnsel vm5, $0x1EFFFF, v4;
	v19 =	vmin.f32 v19, $1.270000000e+02;
	v39 =	vcvt.s32.f32 v35  }
0xc4: {  	[tilespmem:$0x1F840] =	vst v27;
	v42 =	vadd.s32 $0x1, v35;
	v24 =	vadd.f32 $1.000000000e+00, v62;
	v15 =	vmax.f32 v15, $0.0e+00  }
0xc5: {  	[tilespmem:$0x1F8C0] =	vst v26;
	v34 =	vtrunc.f32 v19;
	vm6 =	vlt.s32 v42, $0x7F;
	v15 =	vmin.f32 v15, $1.270000000e+02  }
0xc6: {  	[tilespmem:$0x1F4C0] =	vst v9;
	v36 =	vcvt.f32.s32 v34;
	v9 =	vsub.f32 v22, v39;
	v21 =	vnsel vm6, $0x7F, v42  }
0xc7: {  	[tilespmem:$0x1F940] =	vst v2;
	v22 =	vadd.f32 v52, v45;
	v8 =	vmul.f32 $5.000000000e-01, v24;
	v38 =	vtrunc.f32 v15  }
0xc8: {  	[tilespmem:$0x1F440] =	vst v7;
	v40 =	vcvt.s32.f32 v36;
	v41 =	vcvt.f32.s32 v38;
	v46 =	vadd.s32 $0x1, v36  }
0xc9: {  	[tilespmem:$0x1F4D0] =	vst v61;
	v61 =	vadd.f32 $1.000000000e+00, v22;
	v8 =	vmul.f32 $1.270000000e+02, v8;
	vm8 =	vlt.s32 v46, $0x7F  }
0xca: {  	[tilespmem:$0x1F5C0] =	vst v6;
	v19 =	vsub.f32 v19, v40;
	v43 =	vcvt.s32.f32 v41;
	v44 =	vadd.s32 $0x1, v41  }
0xcb: {  	[tilespmem:$0x1F7C0] =	vst v23;
	v7 =	vshll.u32 v41, $0x7;
	v6 =	vnsel vm8, $0x7F, v46;
	v23 =	vmul.f32 $5.000000000e-01, v61  }
0xcc: {  	[tilespmem:$0x1F540] =	vst v10;
	v47 =	vld [tilespmem:$0x1F0F0];
	v30 =	vmax.f32 v8, $0.0e+00;
	vm7 =	vlt.s32 v44, $0x7F;
	v49 =	vadd.s32 v36, v7  }
0xcd: {  	[tilespmem:$0x1F640] =	vst v11;
	v54 =	vld [tilespmem:$0x1F270];
	v7 =	vadd.s32 v6, v7;
	v48 =	vnsel vm7, $0x7F, v44;
	v51 =	vshll.u32 v49, $0x7  }
0xce: {  	[tilespmem:$0x1F5D0] =	vst v3;
	v7 =	vshll.u32 v7, $0x7;
	v3 =	vmul.f32 $1.270000000e+02, v23;
	v10 =	vsub.f32 v15, v43  }
0xcf: {  	[tilespmem:$0x1F6C0] =	vst v13;
	v11 =	vshll.u32 v48, $0x7;
	v56 =	vadd.s32 v35, v51;
	v13 =	vadd.s32 v21, v51  }
0xd0: {  	[tilespmem:$0x1F740] =	vst v14;
	v57 =	vadd.s32 v35, v7;
	v7 =	vadd.s32 v21, v7;
	v53 =	vadd.s32 v36, v11  }
0xd1: {  	[tilespmem:$0x1F850] =	vst v1;
	v6 =	vadd.s32 v6, v11;
	vm9 =	vlt.s32 v56, $0x1EFFFF;
	vm10 =	vlt.s32 v13, $0x1EFFFF  }
0xd2: {  	[tilespmem:$0x1F8D0] =	vst v0;
	v11 =	vadd.f32 v54, v47;
	vm11 =	vlt.s32 v57, $0x1EFFFF;
	vm12 =	vlt.s32 v7, $0x1EFFFF  }
0xd3: {  	[tilespmem:$0x1F950] =	vst v20;
	v3 =	vmax.f32 v3, $0.0e+00;
	v14 =	vshll.u32 v53, $0x7;
	v6 =	vshll.u32 v6, $0x7  }
0xd4: {  	[tilespmem:$0x1F450] =	vst v60;
	v59 =	vnsel vm9, $0x1EFFFF, v56;
	v13 =	vnsel vm10, $0x1EFFFF, v13;
	v22 =	vnsel vm11, $0x1EFFFF, v57  }
0xd5: {  	[tilespmem:$0x1F550] =	vst v5;
	v7 =	vnsel vm12, $0x1EFFFF, v7;
	v27 =	vmin.f32 v3, $1.270000000e+02;
	v3 =	vmin.f32 v30, $1.270000000e+02  }
0xd6: {  	[tilespmem:$0x1F650] =	vst v25;
	v58 =	vadd.s32 v35, v14;
	v60 =	vadd.s32 v21, v14;
	v11 =	vadd.f32 $1.000000000e+00, v11  }
0xd7: {  	[tilespmem:$0x1F6D0] =	vst v16;
	v63 =	vadd.s32 v35, v6;
	v6 =	vadd.s32 v21, v6;
	v31 =	vtrunc.f32 v27  }
0xd8: {  	[tilespmem:$0x1F750] =	vst v37;
	v35 =	vtrunc.f32 v3;
	vm13 =	vlt.s32 v58, $0x1EFFFF;
	v11 =	vmul.f32 $5.000000000e-01, v11  }
0xd9: {  	[tilespmem:$0x1F7D0] =	vst v4;
	vm14 =	vlt.s32 v60, $0x1EFFFF;
	vm15 =	vlt.s32 v63, $0x1EFFFF;
	v8 =	vcvt.f32.s32 v31  }
0xda: {  	[tilespmem:$0x1F860] =	vst v9;
	vm4 =	vlt.s32 v6, $0x1EFFFF;
	v25 =	vnsel vm13, $0x1EFFFF, v58;
	v11 =	vmul.f32 $1.270000000e+02, v11  }
0xdb: {  	[tilespmem:$0x1F8E0] =	vst v19;
	v26 =	vnsel vm14, $0x1EFFFF, v60;
	v33 =	vnsel vm15, $0x1EFFFF, v63;
	v6 =	vnsel vm4, $0x1EFFFF, v6  }
0xdc: {  	[tilespmem:$0x1F960] =	vst v10;
	v36 =	vadd.s32 $0x1, v8;
	v28 =	vmax.f32 v11, $0.0e+00;
	v11 =	vcvt.f32.s32 v35  }
0xdd: {  	[tilespmem:$0x1F460] =	vst v59;
	v40 =	vcvt.s32.f32 v8;
	vm5 =	vlt.s32 v36, $0x7F;
	v29 =	vmin.f32 v28, $1.270000000e+02  }
0xde: {  	[tilespmem:$0x1F4E0] =	vst v13;
	v38 =	vnsel vm5, $0x7F, v36;
	v32 =	vtrunc.f32 v29;
	v39 =	vadd.s32 $0x1, v11  }
0xdf: {  	[tilespmem:$0x1F560] =	vst v22;
	v55 =	vcvt.s32.f32 v11;
	v34 =	vcvt.f32.s32 v32;
	vm7 =	vlt.s32 v39, $0x7F  }
0xe0: {  	[tilespmem:$0x1F5E0] =	vst v7;
	v1 =	vsub.f32 v27, v40;
	v41 =	vshll.u32 v11, $0x7;
	v12 =	vnsel vm7, $0x7F, v39  }
0xe1: {  	[tilespmem:$0x1F660] =	vst v25;
	v57 =	vsub.f32 v3, v55;
	v37 =	vadd.s32 $0x1, v34;
	v42 =	vadd.s32 v34, v41  }
0xe2: {  	[tilespmem:$0x1F6E0] =	vst v26;
	v12 =	vshll.u32 v12, $0x7;
	v5 =	vcvt.s32.f32 v34;
	vm6 =	vlt.s32 v37, $0x7F  }
0xe3: {  	[tilespmem:$0x1F760] =	vst v33;
	v2 =	vshll.u32 v42, $0x7;
	v44 =	vadd.s32 v34, v12;
	v13 =	vnsel vm6, $0x7F, v37  }
0xe4: {  	[tilespmem:$0x1F7E0] =	vst v6;
	v45 =	vshll.u32 v44, $0x7;
	v46 =	vadd.s32 v8, v2;
	v2 =	vadd.s32 v38, v2  }
0xe5: {  	[tilespmem:$0x1F870] =	vst v1;
	v0 =	vsub.f32 v29, v5;
	v14 =	vadd.s32 v13, v41;
	v12 =	vadd.s32 v13, v12  }
0xe6: {  	[tilespmem:$0x1F970] =	vst v57;
	vm8 =	vlt.s32 v46, $0x1EFFFF;
	vm9 =	vlt.s32 v2, $0x1EFFFF;
	v48 =	vadd.s32 v8, v45  }
0xe7: {  	v9 =	vadd.s32 v38, v45;
	v43 =	vshll.u32 v14, $0x7;
	v13 =	vnsel vm8, $0x1EFFFF, v46;
	[tilespmem:$0x1F8F0] =	vst v0  }
0xe8: {  	v12 =	vshll.u32 v12, $0x7;
	v2 =	vnsel vm9, $0x1EFFFF, v2;
	vm12 =	vlt.s32 v48, $0x1EFFFF;
	[tilespmem:$0x1F470] =	vst v13  }
0xe9: {  	vm13 =	vlt.s32 v9, $0x1EFFFF;
	v47 =	vadd.s32 v8, v43;
	[tilespmem:$0x1F4F0] =	vst v2;
	v52 =	vnsel vm12, $0x1EFFFF, v48  }
0xea: {  	v6 =	vadd.s32 v38, v43;
	v53 =	vnsel vm13, $0x1EFFFF, v9;
	vm10 =	vlt.s32 v47, $0x1EFFFF;
	[tilespmem:$0x1F670] =	vst v52  }
0xeb: {  	v51 =	vadd.s32 v8, v12;
	vm11 =	vlt.s32 v6, $0x1EFFFF;
	[tilespmem:$0x1F6F0] =	vst v53;
	v49 =	vnsel vm10, $0x1EFFFF, v47  }
0xec: {  	v7 =	vadd.s32 v38, v12;
	vm14 =	vlt.s32 v51, $0x1EFFFF;
	v50 =	vnsel vm11, $0x1EFFFF, v6;
	[tilespmem:$0x1F570] =	vst v49  }
0xed: {  	vm15 =	vlt.s32 v7, $0x1EFFFF;
	v54 =	vnsel vm14, $0x1EFFFF, v51;
	[tilespmem:$0x1F5F0] =	vst v50  }
0xee: {  	v56 =	vnsel vm15, $0x1EFFFF, v7;
	[tilespmem:$0x1F770] =	vst v54  }
0xef: {  	[tilespmem:$0x1F7F0] =	vst v56  }
0xf0: {  	[tilespmem:s15], [sflag:$0x2] =	stream.indirect.gather [spmem:s1], $0x1, s14, s13, $0xb8;
	[tilespmem:$0x1FE00] =	vst v63  }
0xf1: {  	_ =	swait.ge [sflag:s16], $0x400  }
0xf2: {  	[sflag:s16] =	ssyncset.done $0x0  }
0xf3: {  	[sflag:s16] =	ssyncadd.s32 $0xFFFFFC00  }
0xf4: {  	v58 =	vld [tilespmem:$0x1F800]  }
0xf5: {  	v59 =	vld [tilespmem:$0x1F880]  }
0xf6: {  	v60 =	vld [tilespmem:$0x1F900]  }
0xf7: {  	v61 =	vld [tilespmem:$0x1F980]  }
0xf8: {  	v62 =	vld [tilespmem:$0x1FA00]  }
0xf9: {  	v63 =	vld [tilespmem:$0x1FA80]  }
0xfa: {  	v32 =	vld [tilespmem:$0x1FB00]  }
0xfb: {  	v33 =	vld [tilespmem:$0x1FB80]  }
0xfc: {  	v34 =	vld [tilespmem:$0x1FC00]  }
0xfd: {  	v35 =	vld [tilespmem:$0x1FC80]  }
0xfe: {  	v36 =	vld [tilespmem:$0x1FD00]  }
0xff: {  	v11 =	vld [tilespmem:$0x1F810]  }
0x100: {  	v12 =	vld [tilespmem:$0x1F890]  }
0x101: {  	v13 =	vld [tilespmem:$0x1F910]  }
0x102: {  	v37 =	vld [tilespmem:$0x1F990]  }
0x103: {  	v38 =	vld [tilespmem:$0x1FA10]  }
0x104: {  	v39 =	vld [tilespmem:$0x1FA90]  }
0x105: {  	v43 =	vld [tilespmem:$0x1FB10]  }
0x106: {  	v44 =	vld [tilespmem:$0x1FB90]  }
0x107: {  	v45 =	vld [tilespmem:$0x1FC10]  }
0x108: {  	v46 =	vld [tilespmem:$0x1FC90]  }
0x109: {  	v47 =	vld [tilespmem:$0x1FD10]  }
0x10a: {  	v24 =	vld [tilespmem:$0x1F820]  }
0x10b: {  	v26 =	vld [tilespmem:$0x1F8A0]  }
0x10c: {  	v28 =	vld [tilespmem:$0x1F920]  }
0x10d: {  	v52 =	vld [tilespmem:$0x1F9A0]  }
0x10e: {  	v30 =	vld [tilespmem:$0x1FA20]  }
0x10f: {  	v40 =	vld [tilespmem:$0x1FAA0]  }
0x110: {  	v42 =	vld [tilespmem:$0x1FB20]  }
0x111: {  	v55 =	vld [tilespmem:$0x1FBA0]  }
0x112: {  	v57 =	vld [tilespmem:$0x1FC20];
	v4 =	vmul.f32 v62, v58  }
0x113: {  	v25 =	vld [tilespmem:$0x1F830];
	v6 =	vmul.f32 v32, v58;
	v8 =	vmul.f32 v34, v58  }
0x114: {  	v27 =	vld [tilespmem:$0x1F8B0];
	v48 =	vsub.f32 $1.000000000e+00, v59;
	v0 =	vmul.f32 v36, v58;
	v1 =	vmul.f32 v60, v59  }
0x115: {  	v22 =	vld [tilespmem:$0x1F940];
	v49 =	vsub.f32 $1.000000000e+00, v60;
	v15 =	vmul.f32 v38, v11;
	v17 =	vmul.f32 v43, v11  }
0x116: {  	v50 =	vsub.f32 $1.000000000e+00, v58;
	v62 =	vld [tilespmem:$0x1FD20];
	v19 =	vmul.f32 v45, v11;
	v9 =	vmul.f32 v42, v24  }
0x117: {  	v32 =	vld [tilespmem:$0x1F930];
	v51 =	vmul.f32 v49, v48;
	v23 =	vmul.f32 v49, v59  }
0x118: {  	v58 =	vsub.f32 $1.000000000e+00, v12;
	v36 =	vld [tilespmem:$0x1F9B0];
	v3 =	vmul.f32 v61, v50;
	v5 =	vmul.f32 v63, v50  }
0x119: {  	v34 =	vld [tilespmem:$0x1F840];
	v7 =	vmul.f32 v33, v50;
	v41 =	vmul.f32 v35, v50;
	v59 =	vsub.f32 $1.000000000e+00, v13  }
0x11a: {  	v42 =	vld [tilespmem:$0x1FC40];
	v53 =	vmul.f32 v48, v60;
	v61 =	vsub.f32 $1.000000000e+00, v11;
	v11 =	vmul.f32 v47, v11  }
0x11b: {  	v60 =	vld [tilespmem:$0x1FCA0];
	v56 =	vadd.f32 v8, v7;
	v63 =	vmul.f32 v59, v58;
	v8 =	vmul.f32 v59, v12  }
0x11c: {  	v47 =	vld [tilespmem:$0x1FBB0];
	v48 =	vsub.f32 $1.000000000e+00, v24;
	v14 =	vmul.f32 v37, v61;
	v16 =	vmul.f32 v39, v61  }
0x11d: {  	v45 =	vsub.f32 $1.000000000e+00, v26;
	v49 =	vld [tilespmem:$0x1FC30];
	v18 =	vmul.f32 v44, v61;
	v7 =	vmul.f32 v58, v13  }
0x11e: {  	v35 =	vld [tilespmem:$0x1F8C0];
	v3 =	vadd.f32 v4, v3;
	v12 =	vmul.f32 v13, v12;
	v52 =	vmul.f32 v52, v48  }
0x11f: {  	v54 =	vadd.f32 v6, v5;
	v37 =	vld [tilespmem:$0x1FA30];
	v31 =	vmul.f32 v40, v48;
	v5 =	vmul.f32 v55, v48  }
0x120: {  	v0 =	vadd.f32 v0, v41;
	v39 =	vld [tilespmem:$0x1FAB0];
	v4 =	vmul.f32 v57, v24;
	v13 =	vmul.f32 v45, v28  }
0x121: {  	v44 =	vld [tilespmem:$0x1FB30];
	v58 =	vsub.f32 $1.000000000e+00, v27;
	v10 =	vmul.f32 v62, v24;
	v3 =	vmul.f32 v3, v51  }
0x122: {  	v55 =	vld [tilespmem:$0x1F9C0];
	v59 =	vsub.f32 $1.000000000e+00, v32;
	v2 =	vmul.f32 v54, v23;
	v6 =	vmul.f32 v56, v53  }
0x123: {  	v57 =	vld [tilespmem:$0x1FA40];
	v0 =	vmul.f32 v0, v1;
	v14 =	vadd.f32 v15, v14;
	v1 =	vmul.f32 v46, v61  }
0x124: {  	v40 =	vld [tilespmem:$0x1FBC0];
	v38 =	vadd.f32 v17, v16;
	v43 =	vadd.f32 v19, v18;
	v53 =	vmul.f32 v30, v24  }
0x125: {  	v62 =	vld [tilespmem:$0x1FB40];
	v46 =	vsub.f32 $1.000000000e+00, v28;
	v20 =	vmul.f32 v58, v32;
	v17 =	vmul.f32 v49, v25  }
0x126: {  	v51 =	vld [tilespmem:$0x1FCB0];
	v9 =	vadd.f32 v9, v31;
	v14 =	vmul.f32 v14, v63;
	v8 =	vmul.f32 v38, v8  }
0x127: {  	v54 =	vld [tilespmem:$0x1FD30];
	v4 =	vadd.f32 v4, v5;
	v7 =	vmul.f32 v43, v7;
	v50 =	vmul.f32 v46, v45  }
0x128: {  	v61 =	vsub.f32 $1.000000000e+00, v25;
	v49 =	vld [tilespmem:$0x1F9D0];
	v18 =	vmul.f32 v46, v26;
	v26 =	vmul.f32 v28, v26  }
0x129: {  	v1 =	vadd.f32 v11, v1;
	v4 =	vmul.f32 v4, v13;
	v63 =	vmul.f32 v59, v58;
	v43 =	vld [tilespmem:$0x1FCC0]  }
0x12a: {  	v23 =	vadd.f32 v53, v52;
	v41 =	vmul.f32 v36, v61;
	v45 =	vld [tilespmem:$0x1FD40];
	v15 =	vmul.f32 v37, v25  }
0x12b: {  	v2 =	vadd.f32 v2, v3;
	v53 =	vld [tilespmem:$0x1FAD0];
	v16 =	vmul.f32 v39, v61;
	v11 =	vmul.f32 v44, v25  }
0x12c: {  	v38 =	vld [tilespmem:$0x1F8E0];
	v44 =	vmul.f32 v47, v61;
	v47 =	vsub.f32 $1.000000000e+00, v35;
	v1 =	vmul.f32 v1, v12  }
0x12d: {  	v39 =	vld [tilespmem:$0x1F960];
	v12 =	vmul.f32 v60, v48;
	v9 =	vmul.f32 v9, v18;
	v48 =	vsub.f32 $1.000000000e+00, v22  }
0x12e: {  	v60 =	vld [tilespmem:$0x1FAC0];
	v2 =	vadd.f32 v6, v2;
	v8 =	vadd.f32 v8, v14;
	v18 =	vmul.f32 v62, v34  }
0x12f: {  	v62 =	vld [tilespmem:$0x1FD50];
	v13 =	vmul.f32 v51, v61;
	v15 =	vadd.f32 v15, v41;
	v46 =	vmul.f32 v54, v25  }
0x130: {  	v25 =	vld [tilespmem:$0x1F850];
	v11 =	vadd.f32 v11, v16;
	v21 =	vmul.f32 v47, v22;
	v22 =	vmul.f32 v22, v35  }
0x131: {  	v16 =	vld [tilespmem:$0x1F8D0];
	v56 =	vadd.f32 v10, v12;
	v12 =	vmul.f32 v23, v50;
	v23 =	vmul.f32 v59, v27  }
0x132: {  	v3 =	vadd.f32 v17, v44;
	v17 =	vld [tilespmem:$0x1F950];
	v27 =	vmul.f32 v32, v27;
	v52 =	vmul.f32 v48, v47  }
0x133: {  	v51 =	vld [tilespmem:$0x1FA50];
	v50 =	vsub.f32 $1.000000000e+00, v34;
	v10 =	vmul.f32 v57, v34;
	v15 =	vmul.f32 v15, v63  }
0x134: {  	v61 =	vld [tilespmem:$0x1FCD0];
	v0 =	vadd.f32 v0, v2;
	v3 =	vmul.f32 v3, v20;
	v19 =	vmul.f32 v45, v34  }
0x135: {  	v44 =	vld [tilespmem:$0x1FA60];
	v7 =	vadd.f32 v7, v8;
	v5 =	vmul.f32 v56, v26;
	v11 =	vmul.f32 v11, v23  }
0x136: {  	v59 =	vld [tilespmem:$0x1FC50];
	v13 =	vadd.f32 v46, v13;
	v54 =	vmul.f32 v55, v50;
	v58 =	vmul.f32 v40, v50  }
0x137: {  	v57 =	vld [tilespmem:$0x1FBD0];
	v20 =	vmul.f32 v43, v50;
	v26 =	vmul.f32 v48, v35;
	v1 =	vadd.f32 v1, v7  }
0x138: {  	v46 =	vld [tilespmem:$0x1FAE0];
	v9 =	vadd.f32 v9, v12;
	v6 =	vmul.f32 v13, v27;
	v56 =	vmul.f32 v60, v50  }
0x139: {  	v55 =	vld [tilespmem:$0x1FB50];
	v60 =	vmul.f32 v42, v34;
	v10 =	vadd.f32 v10, v54;
	v63 =	vadd.f32 v19, v20  }
0x13a: {  	v48 =	vld [tilespmem:$0x1FB60];
	v36 =	vsub.f32 $1.000000000e+00, v16;
	v37 =	vsub.f32 $1.000000000e+00, v17;
	v23 =	vmul.f32 v51, v25  }
0x13b: {  	v35 =	vld [tilespmem:$0x1FAF0];
	v2 =	vadd.f32 v18, v56;
	v50 =	vmul.f32 v59, v25;
	v18 =	vmul.f32 v62, v25  }
0x13c: {  	v42 =	vld [tilespmem:$0x1F9E0];
	v40 =	vsub.f32 $1.000000000e+00, v25;
	v10 =	vmul.f32 v10, v52;
	v14 =	vmul.f32 v63, v22  }
0x13d: {  	v34 =	vld [tilespmem:$0x1FA70];
	v11 =	vadd.f32 v11, v15;
	v41 =	vmul.f32 v37, v36;
	v43 =	vmul.f32 v37, v16  }
0x13e: {  	v19 =	vld [tilespmem:$0x1F860];
	v4 =	vadd.f32 v4, v9;
	v13 =	vmul.f32 v36, v17;
	v45 =	vmul.f32 v49, v40  }
0x13f: {  	v51 =	vld [tilespmem:$0x1FBE0];
	v8 =	vadd.f32 v60, v58;
	v47 =	vmul.f32 v53, v40;
	v49 =	vmul.f32 v57, v40  }
0x140: {  	v58 =	vsub.f32 $1.000000000e+00, v39;
	v60 =	vld [tilespmem:$0x1F970];
	v16 =	vmul.f32 v17, v16;
	v2 =	vmul.f32 v2, v26  }
0x141: {  	v62 =	vld [tilespmem:$0x1F9F0];
	v57 =	vsub.f32 $1.000000000e+00, v38;
	v7 =	vmul.f32 v8, v21;
	v24 =	vmul.f32 v55, v25  }
0x142: {  	v3 =	vadd.f32 v3, v11;
	v52 =	vld [tilespmem:$0x1FC60];
	v21 =	vmul.f32 v61, v40;
	v8 =	vmul.f32 v39, v38  }
0x143: {  	v53 =	vld [tilespmem:$0x1FCE0];
	v15 =	vadd.f32 v23, v45;
	v11 =	vadd.f32 v50, v49;
	v33 =	vmul.f32 v58, v57  }
0x144: {  	v37 =	vld [tilespmem:$0x1FB70];
	v36 =	vmul.f32 v57, v39;
	v9 =	vadd.f32 v24, v47;
	v20 =	vmul.f32 v44, v19  }
0x145: {  	v55 =	vld [tilespmem:$0x1F870];
	v54 =	vsub.f32 $1.000000000e+00, v19;
	v27 =	vmul.f32 v48, v19;
	v24 =	vmul.f32 v58, v38  }
0x146: {  	v56 =	vadd.f32 v18, v21;
	v21 =	vld [tilespmem:$0x1F8F0];
	v15 =	vmul.f32 v15, v41;
	v11 =	vmul.f32 v11, v13  }
0x147: {  	v2 =	vadd.f32 v2, v10;
	v38 =	vld [tilespmem:$0x1FD60];
	v9 =	vmul.f32 v9, v43;
	v59 =	vmul.f32 v42, v54  }
0x148: {  	v4 =	vadd.f32 v5, v4;
	v44 =	vld [tilespmem:$0x1FC70];
	v61 =	vmul.f32 v46, v54;
	v63 =	vmul.f32 v56, v16  }
0x149: {  	v47 =	vld [tilespmem:$0x1FD70];
	v40 =	vmul.f32 v51, v54;
	v42 =	vsub.f32 $1.000000000e+00, v60;
	v2 =	vadd.f32 v7, v2  }
0x14a: {  	v12 =	vmul.f32 v53, v54;
	v48 =	vmul.f32 v52, v19;
	v39 =	vsub.f32 $1.000000000e+00, v55  }
0x14b: {  	v16 =	vmul.f32 v34, v55;
	v18 =	vmul.f32 v37, v55;
	v20 =	vadd.f32 v20, v59  }
0x14c: {  	v43 =	vld [tilespmem:$0x1FBF0];
	v5 =	vadd.f32 v27, v61;
	v28 =	vmul.f32 v62, v39;
	v25 =	vmul.f32 v35, v39  }
0x14d: {  	v46 =	vld [tilespmem:$0x1FCF0];
	v9 =	vadd.f32 v9, v15;
	v49 =	vmul.f32 v38, v19;
	v51 =	vmul.f32 v42, v21  }
0x14e: {  	v41 =	vsub.f32 $1.000000000e+00, v21;
	v7 =	vmul.f32 v44, v55;
	v54 =	vmul.f32 v47, v55  }
0x14f: {  	v3 =	vadd.f32 v6, v3;
	v58 =	vmul.f32 v60, v21;
	v13 =	vmul.f32 v20, v33  }
0x150: {  	v5 =	vmul.f32 v5, v24;
	v9 =	vadd.f32 v11, v9;
	v45 =	vmul.f32 v42, v41  }
0x151: {  	v16 =	vadd.f32 v16, v28;
	v50 =	vadd.f32 v18, v25;
	v52 =	vmul.f32 v43, v39  }
0x152: {  	v11 =	vadd.f32 v48, v40;
	v53 =	vmul.f32 v46, v39;
	v55 =	vmul.f32 v41, v60  }
0x153: {  	v15 =	vmul.f32 v16, v45;
	v16 =	vmul.f32 v50, v51;
	v7 =	vadd.f32 v7, v52  }
0x154: {  	[tilespmem:$0x1FD80] =	vst v0;
	v57 =	vadd.f32 v49, v12;
	v5 =	vadd.f32 v5, v13;
	v56 =	vmul.f32 v11, v36  }
0x155: {  	[tilespmem:$0x1FD90] =	vst v1;
	v60 =	vadd.f32 v54, v53;
	v59 =	vadd.f32 v16, v15;
	v7 =	vmul.f32 v7, v55  }
0x156: {  	[tilespmem:$0x1FDA0] =	vst v4;
	v2 =	vadd.f32 v14, v2;
	v61 =	vmul.f32 v57, v8;
	v0 =	vadd.f32 v56, v5  }
0x157: {  	[tilespmem:$0x1FDB0] =	vst v3;
	v62 =	vadd.f32 v63, v9;
	v63 =	vmul.f32 v60, v58;
	v1 =	vadd.f32 v7, v59  }
0x158: {  	[tilespmem:$0x1FDC0] =	vst v2;
	v0 =	vadd.f32 v61, v0  }
0x159: {  	[tilespmem:$0x1FDD0] =	vst v62;
	v1 =	vadd.f32 v63, v1  }
0x15a: {  	p0 =	sne.s32 s21, $0x3FF0;
	[tilespmem:$0x1FDE0] =	vst v0  }
.Ltmp0:
0x15b: {  	s22 =	sadd.s32 s21, s7;
	[tilespmem:$0x1FDF0] =	vst v1;
	(pc) =	sbr.rel @p0 .LBB2_2-.Ltmp0, $4  }
0x15c: {  	[hbm4b:s22+s3] =	stream.linear.scatter [tilespmem:s17], [sflag:$0x3], $0x80, $0x38;
	[tilespmem:$0x1FE00] =	vst v63  }
0x15d: {  	_ =	swait.ge [sflag:s18], $0x80  }
0x15e: {  	[sflag:s18] =	ssyncset.done $0x0  }
0x15f: {  	s20 =	sadd.s32 $0x80, s20;
	s21 =	sadd.s32 $0x10, s21;
	[sflag:s18] =	ssyncadd.s32 $0xFFFFFF80  }
0x160: {  	s19 =	sadd.s32 $0x1, s19  }
0x161: {  	p0 =	sne.s32 s19, s6  }
.Ltmp1:
0x162: {  	_ = 	snop;
	(pc) =	sbr.rel @p0 .LBB2_1-.Ltmp1, $1  }
0x163: {  	_ =	sdelay $0x3  }
0x164: {  	_ =	sfence.sel $0x180000  }
0x165: {  	[bflag:$0x0] =	sbarrier.arrive $0xFFFF  }
0x166: {  	p0 =	sne.s32 s2, $0x0;
	_ =	strace $0x90000047  }
0x167: {  	s0 =	sadd.s32 @!p0 $0x100000, s0;
	[bflag:$0x2] =	sbarrier.arrive $0xFFFF  }
0x168: {  	[sflag:s0] =	ssyncadd.tile.s32 @!p0 $0x1;
	_ =	shalt  }
.Lfunc_end2:
_tile_overlayer_lowered:
.L_overlay_start_2:
0x169: {  	(tag) =	ssettag $0x2  }
0x16a: {  	s0 =	rddreg [dreg:$0x0];
	s2 =	stileid.u32  }
0x16b: {  	s1 =	rddreg [dreg:$0x1];
	p0 =	sne.s32 s2, $0x0  }
0x16c: {  	s3 =	rddreg [dreg:$0x2];
	[bflag:$0x3] =	sbarrier.arrive $0xFFFF;
	s2 =	simm.s32 @!p0 $0x1C04  }
0x16d: {  	[timem:s3], [sflag:s2] =	dma.local @!p0 [hbm:s0], s1  }
0x16e: {  	s0 =	simm.s32 @!p0 $0x4  }
0x16f: {  	_ =	swait.ge @!p0 [sflag:s0], s1  }
0x170: {  	s1 =	ssub.s32 @!p0 $0x0, s1;
	[sflag:s0] =	ssyncset.done @!p0 $0x0  }
0x171: {  	[sflag:s0] =	ssyncadd.s32 @!p0 s1  }
0x172: {  	[bflag:$0x3] =	sbarrier.arrive $0xFFFF  }
0x173: {  	_ =	shalt  }

</sc_bundles>
